<compile_context>
chip_gen: v7x
topology: tpu7x:2x2x1
jax: 0.10.2.dev20260603
libtpu: 0.0.44.dev20260713+nightly
codegen_flags: <defaults>
</compile_context>

<pallas_src>
import functools

import jax
import jax.numpy as jnp
from jax import lax
from jax.experimental import pallas as pl
from jax.experimental.pallas import tpu as pltpu
from jax.experimental.pallas import tpu_sc as plsc

N = 10000
NP = 10240
D = 128
E = 320000
NC, NS = 2, 16
NW = NC * NS
CH = 128
EP = NW * 80 * CH
EPW = EP // NW
NCHUNK = EPW // CH
HCK = NCHUNK // 2

_mesh = plsc.VectorSubcoreMesh(
    core_axis_name="c", subcore_axis_name="s", num_cores=NC, num_subcores=NS)

ROWS_PER_TILE = NP // NS



@functools.partial(
    pl.kernel,
    out_type=jax.ShapeDtypeStruct((NC, NP, 1), jnp.float32),
    mesh=_mesh,
    scratch_types=[
        pltpu.VMEM((NCHUNK, CH), jnp.int32),
        pltpu.VMEM((CH, 1), jnp.float32),
        pltpu.VMEM_SHARED((NP, 1), jnp.float32),
        pltpu.SemaphoreType.DMA,
    ],
)
def _sc_degree(dst_hbm, ones_hbm, zeros_hbm, out_hbm, didx, ones_v, deg_sh,
               ssem):
    c = lax.axis_index("c")
    s = lax.axis_index("s")
    wid = s * NC + c
    rbase = s * ROWS_PER_TILE

    pltpu.sync_copy(ones_hbm, ones_v)
    pltpu.sync_copy(dst_hbm.at[wid], didx)
    pltpu.sync_copy(zeros_hbm, deg_sh.at[pl.ds(rbase, ROWS_PER_TILE)])
    plsc.subcore_barrier()

    def step(i, carry):
        pltpu.sync_copy(ones_v, deg_sh.at[didx.at[i]], add=True)
        return carry

    lax.fori_loop(0, NCHUNK, step, 0)
    plsc.subcore_barrier()
    pltpu.sync_copy(deg_sh.at[pl.ds(rbase, ROWS_PER_TILE)],
                    out_hbm.at[c, pl.ds(rbase, ROWS_PER_TILE)])




@functools.partial(
    pl.kernel,
    out_type=jax.ShapeDtypeStruct((NC, NP, D), jnp.float32),
    mesh=_mesh,
    scratch_types=[
        pltpu.VMEM((HCK, CH), jnp.int32),
        pltpu.VMEM((HCK, CH), jnp.int32),
        pltpu.VMEM((CH, D), jnp.float32),
        pltpu.VMEM((CH, D), jnp.float32),
        pltpu.VMEM_SHARED((NP, D), jnp.float32),
        pltpu.SemaphoreType.DMA,
    ],
)
def _sc_scatter(hs_hbm, src_hbm, dst_hbm, zrows_hbm, out_hbm,
                sidx, didx, rows_a, rows_b, agg_sh, gsem):
    c = lax.axis_index("c")
    s = lax.axis_index("s")
    wid = s * NC + c
    rbase = s * ROWS_PER_TILE

    for k in range(ROWS_PER_TILE // CH):
        pltpu.sync_copy(zrows_hbm, agg_sh.at[pl.ds(rbase + k * CH, CH)])
    plsc.subcore_barrier()

    for ph in range(2):
        pltpu.sync_copy(src_hbm.at[wid, pl.ds(ph * HCK, HCK)], sidx)
        pltpu.sync_copy(dst_hbm.at[wid, pl.ds(ph * HCK, HCK)], didx)

        def step(j, carry):
            i = 2 * j
            ca = pltpu.async_copy(hs_hbm.at[sidx.at[i]], rows_a, gsem)
            cb = pltpu.async_copy(hs_hbm.at[sidx.at[i + 1]], rows_b, gsem)
            ca.wait()
            pltpu.sync_copy(rows_a, agg_sh.at[didx.at[i]], add=True)
            cb.wait()
            pltpu.sync_copy(rows_b, agg_sh.at[didx.at[i + 1]], add=True)
            return carry

        lax.fori_loop(0, HCK // 2, step, 0)
    plsc.subcore_barrier()
    pltpu.sync_copy(agg_sh.at[pl.ds(rbase, ROWS_PER_TILE)],
                    out_hbm.at[c, pl.ds(rbase, ROWS_PER_TILE)])



BLK = 1024
NB = NP // BLK


def _dinv_block(dp):
    return lax.rsqrt(1.0 + dp[0] + dp[1])


def _tc1_body(dp_ref, x_ref, w_ref, o_ref):
    dinv = _dinv_block(dp_ref[...])
    o_ref[...] = dinv * jnp.dot(x_ref[...], w_ref[...],
                                preferred_element_type=jnp.float32)


def _tc_layer_body(dp_ref, g0_ref, g1_ref, hs_ref, b_ref, w_ref, o_ref):
    dinv = _dinv_block(dp_ref[...])
    t = dinv * (g0_ref[...] + g1_ref[...] + hs_ref[...]) + b_ref[...]
    t = jnp.maximum(t, 0.0)
    o_ref[...] = dinv * jnp.dot(t, w_ref[...],
                                preferred_element_type=jnp.float32)


def _tc_head_body(dp_ref, g0_ref, g1_ref, hs_ref, b_ref,
                  wd1_ref, bd1_ref, wd2_ref, bd2_ref, wo_ref, bo_ref,
                  o_ref, acc_ref):
    i = pl.program_id(0)

    @pl.when(i == 0)
    def _():
        acc_ref[...] = jnp.full_like(acc_ref, -jnp.inf)

    dinv = _dinv_block(dp_ref[...])
    t = dinv * (g0_ref[...] + g1_ref[...] + hs_ref[...]) + b_ref[...]
    t = jnp.maximum(t, 0.0)
    rows = i * BLK + lax.broadcasted_iota(jnp.int32, (BLK, D), 0)
    t = jnp.where(rows < N, t, -jnp.inf)
    acc_ref[...] = jnp.maximum(acc_ref[...],
                               jnp.max(t, axis=0, keepdims=True))

    @pl.when(i == NB - 1)
    def _():
        m = acc_ref[0:1, :]
        a = jnp.maximum(jnp.dot(m, wd1_ref[...],
                                preferred_element_type=jnp.float32)
                        + bd1_ref[...], 0.0)
        a = jnp.maximum(jnp.dot(a, wd2_ref[...],
                                preferred_element_type=jnp.float32)
                        + bd2_ref[...], 0.0)
        lg = jnp.dot(a, wo_ref[...],
                     preferred_element_type=jnp.float32) + bo_ref[...]
        e = jnp.exp(lg - jnp.max(lg, axis=-1, keepdims=True))
        o_ref[...] = e / jnp.sum(e, axis=-1, keepdims=True)


def _row_spec():
    return pl.BlockSpec((BLK, D), lambda i: (i, 0))


def _dp_spec():
    return pl.BlockSpec((2, BLK, 1), lambda i: (0, i, 0))


def _full_spec(shape):
    nd = len(shape)
    return pl.BlockSpec(shape, lambda i: (0,) * nd)


def _tc1(dp, xp, w1):
    return pl.pallas_call(
        _tc1_body,
        grid=(NB,),
        in_specs=[_dp_spec(), _row_spec(), _full_spec((D, D))],
        out_specs=_row_spec(),
        out_shape=jax.ShapeDtypeStruct((NP, D), jnp.float32),
    )(dp, xp, w1)


def _tc_layer(dp, g0, g1, hs, b, w):
    return pl.pallas_call(
        _tc_layer_body,
        grid=(NB,),
        in_specs=[_dp_spec(), _row_spec(), _row_spec(), _row_spec(),
                  _full_spec((1, D)), _full_spec((D, D))],
        out_specs=_row_spec(),
        out_shape=jax.ShapeDtypeStruct((NP, D), jnp.float32),
    )(dp, g0, g1, hs, b, w)


def _tc_head(dp, g0, g1, hs, b, wd1, bd1, wd2, bd2, wo, bo):
    du1 = wd1.shape[1]
    nl = wo.shape[1]
    return pl.pallas_call(
        _tc_head_body,
        grid=(NB,),
        in_specs=[_dp_spec(), _row_spec(), _row_spec(), _row_spec(),
                  _full_spec((1, D)),
                  _full_spec((D, du1)), _full_spec((1, du1)),
                  _full_spec((du1, D)), _full_spec((1, D)),
                  _full_spec((D, nl)), _full_spec((1, nl))],
        out_specs=_full_spec((1, nl)),
        out_shape=jax.ShapeDtypeStruct((1, nl), jnp.float32),
        scratch_shapes=[pltpu.VMEM((1, D), jnp.float32)],
    )(dp, g0, g1, hs, b, wd1, bd1, wd2, bd2, wo, bo)




def kernel(x, edge_index, W1, b1, W2, b2, W3, b3, Wd1, bd1, Wd2, bd2, Wo, bo):
    pad_rows = (N + (jnp.arange(EP - E, dtype=jnp.int32) % (NP - N)))
    src = jnp.concatenate([edge_index[0], pad_rows])
    dst = jnp.concatenate([edge_index[1], pad_rows])
    dst_deg = dst.reshape(NW, NCHUNK, CH)
    src_sc = src.reshape(NW, NCHUNK, CH)
    dst_sc = dst.reshape(NW, NCHUNK, CH)
    xp = jnp.pad(x, ((0, NP - N), (0, 0)))
    ones_col = jnp.ones((CH, 1), jnp.float32)
    zeros_col = jnp.zeros((ROWS_PER_TILE, 1), jnp.float32)
    zrows = jnp.zeros((CH, D), jnp.float32)
    b1r, b2r, b3r = b1.reshape(1, D), b2.reshape(1, D), b3.reshape(1, D)

    dp = _sc_degree(dst_deg, ones_col, zeros_col)

    hs = _tc1(dp, xp, W1)
    g = _sc_scatter(hs, src_sc, dst_sc, zrows)
    hs = _tc_layer(dp, g[0], g[1], hs, b1r, W2)
    g = _sc_scatter(hs, src_sc, dst_sc, zrows)
    hs = _tc_layer(dp, g[0], g[1], hs, b2r, W3)
    g = _sc_scatter(hs, src_sc, dst_sc, zrows)
    return _tc_head(dp, g[0], g[1], hs, b3r, Wd1, bd1.reshape(1, -1),
                    Wd2, bd2.reshape(1, -1), Wo, bo.reshape(1, -1))

# --- scband reference (transcript-rebuilt; emitter-appended) ---
"""Pipeline reference for scband-gcn-multi-class-26611617366179 (READ-ONLY COPY).

The authoritative reference and input builder live on the scoring server;
editing this copy changes nothing except your own understanding.
"""

import jax, jax.numpy as jnp
import numpy as np

N = 10000
E = 320000
D = 128
H = 128
DU1, DU2 = 256, 128
L = 10

def setup_inputs(seed: int = 0) -> dict:
    key = jax.random.key(seed)
    ks = jax.random.split(key, 16)
    x = jax.random.normal(ks[0], (N, D), dtype=jnp.float32)
    edge_index = jax.random.randint(ks[1], (2, E), 0, N, dtype=jnp.int32)
    s = 0.05
    W1 = jax.random.normal(ks[2], (D, H), dtype=jnp.float32) * s
    b1 = jnp.zeros((H,), dtype=jnp.float32)
    W2 = jax.random.normal(ks[3], (H, H), dtype=jnp.float32) * s
    b2 = jnp.zeros((H,), dtype=jnp.float32)
    W3 = jax.random.normal(ks[4], (H, H), dtype=jnp.float32) * s
    b3 = jnp.zeros((H,), dtype=jnp.float32)
    Wd1 = jax.random.normal(ks[5], (H, DU1), dtype=jnp.float32) * s
    bd1 = jnp.zeros((DU1,), dtype=jnp.float32)
    Wd2 = jax.random.normal(ks[6], (DU1, DU2), dtype=jnp.float32) * s
    bd2 = jnp.zeros((DU2,), dtype=jnp.float32)
    Wo = jax.random.normal(ks[7], (DU2, L), dtype=jnp.float32) * s
    bo = jnp.zeros((L,), dtype=jnp.float32)
    return {"x": x, "edge_index": edge_index, "W1": W1, "b1": b1, "W2": W2, "b2": b2, "W3": W3, "b3": b3, "Wd1": Wd1, "bd1": bd1, "Wd2": Wd2, "bd2": bd2, "Wo": Wo, "bo": bo}

def _gcn_conv(x, src, dst, n, W, b):
    # GCNConv with symmetric normalization D^-1/2 (A+I) D^-1/2 (gcn_filter preprocessing)
    self_idx = jnp.arange(n, dtype=src.dtype)
    src2 = jnp.concatenate([src, self_idx])
    dst2 = jnp.concatenate([dst, self_idx])
    deg = jnp.zeros((n,), dtype=jnp.float32).at[dst2].add(1.0)
    dinv = 1.0 / jnp.sqrt(jnp.maximum(deg, 1.0))
    norm = dinv[src2] * dinv[dst2]
    h = x @ W
    msg = h[src2] * norm[:, None]
    agg = jnp.zeros((n, h.shape[1]), dtype=h.dtype).at[dst2].add(msg)
    return jax.nn.relu(agg + b)

def reference(x, edge_index, W1, b1, W2, b2, W3, b3, Wd1, bd1, Wd2, bd2, Wo, bo):
    n = x.shape[0]
    src = edge_index[0]
    dst = edge_index[1]
    h = _gcn_conv(x, src, dst, n, W1, b1)
    # dropout is identity at inference (training=False)
    h = _gcn_conv(h, src, dst, n, W2, b2)
    h = _gcn_conv(h, src, dst, n, W3, b3)
    # GlobalMaxPool over nodes -> graph-level embedding [1, H]
    g = jnp.max(h, axis=0, keepdims=True)
    g = jax.nn.relu(g @ Wd1 + bd1)
    g = jax.nn.relu(g @ Wd2 + bd2)
    out = jax.nn.softmax(g @ Wo + bo, axis=-1)
    return out

if __name__ == "__main__":
    import jax
    _d = setup_inputs()
    print(jax.jit(kernel)(*tuple(_d.values())))

</pallas_src>

<mosaic_0001>
#map = affine_map<(d0, d1) -> (0, 0)>
#map1 = affine_map<(d0, d1) -> (0, 0, 0)>
module attributes {stable_mosaic.version = 14 : i64} {
  func.func @_sc_scatter(%arg0: i32, %arg1: i32, %arg2: memref<10240x128xf32, #tpu.memory_space<hbm>>, %arg3: memref<32x80x128xi32, #tpu.memory_space<hbm>>, %arg4: memref<32x80x128xi32, #tpu.memory_space<hbm>>, %arg5: memref<128x128xf32, #tpu.memory_space<hbm>>, %arg6: memref<2x10240x128xf32, #tpu.memory_space<hbm>>, %arg7: memref<40x128xi32, #tpu.memory_space<vmem>>, %arg8: memref<40x128xi32, #tpu.memory_space<vmem>>, %arg9: memref<128x128xf32, #tpu.memory_space<vmem>>, %arg10: memref<128x128xf32, #tpu.memory_space<vmem>>, %arg11: memref<10240x128xf32, #tpu.memory_space<vmem_shared>>, %arg12: memref<!tpu.dma_semaphore, #tpu.memory_space<semaphore_mem>>) attributes {dimension_semantics = [#tpu.dimension_semantics<core_parallel>, #tpu.dimension_semantics<subcore_parallel>], iteration_bounds = array<i64: 2, 16>, scalar_prefetch = 0 : i64, scratch_operands = 6 : i64, tpu.core_type = #tpu.core_type<sc_vector_subcore>, window_params = [{transform_indices = #map}, {transform_indices = #map1}, {transform_indices = #map1}, {transform_indices = #map}, {transform_indices = #map1}]} {
    %mul3A = arith.constant 2 : i32
    %mul3A_0 = arith.muli %arg1, %mul3A : i32
    %add3A = arith.addi %mul3A_0, %arg0 : i32
    %mul3A_1 = arith.constant 640 : i32
    %mul3A_2 = arith.muli %arg1, %mul3A_1 : i32
    %add3A_3 = arith.constant 0 : i32
    %add3A_4 = arith.addi %mul3A_2, %add3A_3 : i32
    "tpu.region"() ({
      %run_scoped3A = tpu.sem_alloc : memref<!tpu.dma_semaphore, #tpu.memory_space<semaphore_mem>>
      %dma_start3A = arith.constant 0 : i32
      %dma_start3A_25 = tpu.memref_slice %arg11[%add3A_4, %dma_start3A] : memref<10240x128xf32, #tpu.memory_space<vmem_shared>> -> memref<128x128xf32, #tpu.memory_space<vmem_shared>>
      tpu.enqueue_dma source(%arg5 : memref<128x128xf32, #tpu.memory_space<hbm>>) target(%dma_start3A_25 : memref<128x128xf32, #tpu.memory_space<vmem_shared>>) target_semaphore(%run_scoped3A : memref<!tpu.dma_semaphore, #tpu.memory_space<semaphore_mem>>)
      %dma_wait3A = arith.constant 0 : i32
      %dma_wait3A_26 = tpu.memref_slice %arg11[%add3A_4, %dma_wait3A] : memref<10240x128xf32, #tpu.memory_space<vmem_shared>> -> memref<128x128xf32, #tpu.memory_space<vmem_shared>>
      tpu.wait_dma2 semaphore(%run_scoped3A : memref<!tpu.dma_semaphore, #tpu.memory_space<semaphore_mem>>) src(%arg5 : memref<128x128xf32, #tpu.memory_space<hbm>>) dst(%dma_wait3A_26 : memref<128x128xf32, #tpu.memory_space<vmem_shared>>)
      tpu.yield
    }) : () -> ()
    %add3A_5 = arith.constant 128 : i32
    %add3A_6 = arith.addi %mul3A_2, %add3A_5 : i32
    "tpu.region"() ({
      %run_scoped3A = tpu.sem_alloc : memref<!tpu.dma_semaphore, #tpu.memory_space<semaphore_mem>>
      %dma_start3A = arith.constant 0 : i32
      %dma_start3A_25 = tpu.memref_slice %arg11[%add3A_6, %dma_start3A] : memref<10240x128xf32, #tpu.memory_space<vmem_shared>> -> memref<128x128xf32, #tpu.memory_space<vmem_shared>>
      tpu.enqueue_dma source(%arg5 : memref<128x128xf32, #tpu.memory_space<hbm>>) target(%dma_start3A_25 : memref<128x128xf32, #tpu.memory_space<vmem_shared>>) target_semaphore(%run_scoped3A : memref<!tpu.dma_semaphore, #tpu.memory_space<semaphore_mem>>)
      %dma_wait3A = arith.constant 0 : i32
      %dma_wait3A_26 = tpu.memref_slice %arg11[%add3A_6, %dma_wait3A] : memref<10240x128xf32, #tpu.memory_space<vmem_shared>> -> memref<128x128xf32, #tpu.memory_space<vmem_shared>>
      tpu.wait_dma2 semaphore(%run_scoped3A : memref<!tpu.dma_semaphore, #tpu.memory_space<semaphore_mem>>) src(%arg5 : memref<128x128xf32, #tpu.memory_space<hbm>>) dst(%dma_wait3A_26 : memref<128x128xf32, #tpu.memory_space<vmem_shared>>)
      tpu.yield
    }) : () -> ()
    %add3A_7 = arith.constant 256 : i32
    %add3A_8 = arith.addi %mul3A_2, %add3A_7 : i32
    "tpu.region"() ({
      %run_scoped3A = tpu.sem_alloc : memref<!tpu.dma_semaphore, #tpu.memory_space<semaphore_mem>>
      %dma_start3A = arith.constant 0 : i32
      %dma_start3A_25 = tpu.memref_slice %arg11[%add3A_8, %dma_start3A] : memref<10240x128xf32, #tpu.memory_space<vmem_shared>> -> memref<128x128xf32, #tpu.memory_space<vmem_shared>>
      tpu.enqueue_dma source(%arg5 : memref<128x128xf32, #tpu.memory_space<hbm>>) target(%dma_start3A_25 : memref<128x128xf32, #tpu.memory_space<vmem_shared>>) target_semaphore(%run_scoped3A : memref<!tpu.dma_semaphore, #tpu.memory_space<semaphore_mem>>)
      %dma_wait3A = arith.constant 0 : i32
      %dma_wait3A_26 = tpu.memref_slice %arg11[%add3A_8, %dma_wait3A] : memref<10240x128xf32, #tpu.memory_space<vmem_shared>> -> memref<128x128xf32, #tpu.memory_space<vmem_shared>>
      tpu.wait_dma2 semaphore(%run_scoped3A : memref<!tpu.dma_semaphore, #tpu.memory_space<semaphore_mem>>) src(%arg5 : memref<128x128xf32, #tpu.memory_space<hbm>>) dst(%dma_wait3A_26 : memref<128x128xf32, #tpu.memory_space<vmem_shared>>)
      tpu.yield
    }) : () -> ()
    %add3A_9 = arith.constant 384 : i32
    %add3A_10 = arith.addi %mul3A_2, %add3A_9 : i32
    "tpu.region"() ({
      %run_scoped3A = tpu.sem_alloc : memref<!tpu.dma_semaphore, #tpu.memory_space<semaphore_mem>>
      %dma_start3A = arith.constant 0 : i32
      %dma_start3A_25 = tpu.memref_slice %arg11[%add3A_10, %dma_start3A] : memref<10240x128xf32, #tpu.memory_space<vmem_shared>> -> memref<128x128xf32, #tpu.memory_space<vmem_shared>>
      tpu.enqueue_dma source(%arg5 : memref<128x128xf32, #tpu.memory_space<hbm>>) target(%dma_start3A_25 : memref<128x128xf32, #tpu.memory_space<vmem_shared>>) target_semaphore(%run_scoped3A : memref<!tpu.dma_semaphore, #tpu.memory_space<semaphore_mem>>)
      %dma_wait3A = arith.constant 0 : i32
      %dma_wait3A_26 = tpu.memref_slice %arg11[%add3A_10, %dma_wait3A] : memref<10240x128xf32, #tpu.memory_space<vmem_shared>> -> memref<128x128xf32, #tpu.memory_space<vmem_shared>>
      tpu.wait_dma2 semaphore(%run_scoped3A : memref<!tpu.dma_semaphore, #tpu.memory_space<semaphore_mem>>) src(%arg5 : memref<128x128xf32, #tpu.memory_space<hbm>>) dst(%dma_wait3A_26 : memref<128x128xf32, #tpu.memory_space<vmem_shared>>)
      tpu.yield
    }) : () -> ()
    %add3A_11 = arith.constant 512 : i32
    %add3A_12 = arith.addi %mul3A_2, %add3A_11 : i32
    "tpu.region"() ({
      %run_scoped3A = tpu.sem_alloc : memref<!tpu.dma_semaphore, #tpu.memory_space<semaphore_mem>>
      %dma_start3A = arith.constant 0 : i32
      %dma_start3A_25 = tpu.memref_slice %arg11[%add3A_12, %dma_start3A] : memref<10240x128xf32, #tpu.memory_space<vmem_shared>> -> memref<128x128xf32, #tpu.memory_space<vmem_shared>>
      tpu.enqueue_dma source(%arg5 : memref<128x128xf32, #tpu.memory_space<hbm>>) target(%dma_start3A_25 : memref<128x128xf32, #tpu.memory_space<vmem_shared>>) target_semaphore(%run_scoped3A : memref<!tpu.dma_semaphore, #tpu.memory_space<semaphore_mem>>)
      %dma_wait3A = arith.constant 0 : i32
      %dma_wait3A_26 = tpu.memref_slice %arg11[%add3A_12, %dma_wait3A] : memref<10240x128xf32, #tpu.memory_space<vmem_shared>> -> memref<128x128xf32, #tpu.memory_space<vmem_shared>>
      tpu.wait_dma2 semaphore(%run_scoped3A : memref<!tpu.dma_semaphore, #tpu.memory_space<semaphore_mem>>) src(%arg5 : memref<128x128xf32, #tpu.memory_space<hbm>>) dst(%dma_wait3A_26 : memref<128x128xf32, #tpu.memory_space<vmem_shared>>)
      tpu.yield
    }) : () -> ()
    %barrier3A = arith.constant 0 : index
    tpu.barrier barrier_id(%barrier3A)
    "tpu.region"() ({
      %run_scoped3A = tpu.sem_alloc : memref<!tpu.dma_semaphore, #tpu.memory_space<semaphore_mem>>
      %dma_start3A = arith.constant 0 : i32
      %dma_start3A_25 = arith.constant 0 : i32
      %dma_start3A_26 = tpu.memref_slice %arg3[%add3A, %dma_start3A, %dma_start3A_25] : memref<32x80x128xi32, #tpu.memory_space<hbm>> -> memref<1x40x128xi32, #tpu.memory_space<hbm>>
      %dma_start3A_27 = tpu.memref_squeeze %dma_start3A_26 : memref<1x40x128xi32, #tpu.memory_space<hbm>> -> memref<40x128xi32, #tpu.memory_space<hbm>>
      %dma_start3A_28 = arith.constant 0 : i32
      %dma_start3A_29 = arith.constant 0 : i32
      %dma_start3A_30 = tpu.memref_slice %arg3[%add3A, %dma_start3A_28, %dma_start3A_29] : memref<32x80x128xi32, #tpu.memory_space<hbm>> -> memref<1x40x128xi32, #tpu.memory_space<hbm>>
      %dma_start3A_31 = tpu.memref_squeeze %dma_start3A_30 : memref<1x40x128xi32, #tpu.memory_space<hbm>> -> memref<40x128xi32, #tpu.memory_space<hbm>>
      tpu.enqueue_dma source(%dma_start3A_31 : memref<40x128xi32, #tpu.memory_space<hbm>>) target(%arg7 : memref<40x128xi32, #tpu.memory_space<vmem>>) target_semaphore(%run_scoped3A : memref<!tpu.dma_semaphore, #tpu.memory_space<semaphore_mem>>)
      %dma_wait3A = arith.constant 0 : i32
      %dma_wait3A_32 = arith.constant 0 : i32
      %dma_wait3A_33 = tpu.memref_slice %arg3[%add3A, %dma_wait3A, %dma_wait3A_32] : memref<32x80x128xi32, #tpu.memory_space<hbm>> -> memref<1x40x128xi32, #tpu.memory_space<hbm>>
      %dma_wait3A_34 = tpu.memref_squeeze %dma_wait3A_33 : memref<1x40x128xi32, #tpu.memory_space<hbm>> -> memref<40x128xi32, #tpu.memory_space<hbm>>
      %dma_wait3A_35 = arith.constant 0 : i32
      %dma_wait3A_36 = arith.constant 0 : i32
      %dma_wait3A_37 = tpu.memref_slice %arg3[%add3A, %dma_wait3A_35, %dma_wait3A_36] : memref<32x80x128xi32, #tpu.memory_space<hbm>> -> memref<1x40x128xi32, #tpu.memory_space<hbm>>
      %dma_wait3A_38 = tpu.memref_squeeze %dma_wait3A_37 : memref<1x40x128xi32, #tpu.memory_space<hbm>> -> memref<40x128xi32, #tpu.memory_space<hbm>>
      tpu.wait_dma2 semaphore(%run_scoped3A : memref<!tpu.dma_semaphore, #tpu.memory_space<semaphore_mem>>) src(%dma_wait3A_38 : memref<40x128xi32, #tpu.memory_space<hbm>>) dst(%arg7 : memref<40x128xi32, #tpu.memory_space<vmem>>)
      tpu.yield
    }) : () -> ()
    "tpu.region"() ({
      %run_scoped3A = tpu.sem_alloc : memref<!tpu.dma_semaphore, #tpu.memory_space<semaphore_mem>>
      %dma_start3A = arith.constant 0 : i32
      %dma_start3A_25 = arith.constant 0 : i32
      %dma_start3A_26 = tpu.memref_slice %arg4[%add3A, %dma_start3A, %dma_start3A_25] : memref<32x80x128xi32, #tpu.memory_space<hbm>> -> memref<1x40x128xi32, #tpu.memory_space<hbm>>
      %dma_start3A_27 = tpu.memref_squeeze %dma_start3A_26 : memref<1x40x128xi32, #tpu.memory_space<hbm>> -> memref<40x128xi32, #tpu.memory_space<hbm>>
      %dma_start3A_28 = arith.constant 0 : i32
      %dma_start3A_29 = arith.constant 0 : i32
      %dma_start3A_30 = tpu.memref_slice %arg4[%add3A, %dma_start3A_28, %dma_start3A_29] : memref<32x80x128xi32, #tpu.memory_space<hbm>> -> memref<1x40x128xi32, #tpu.memory_space<hbm>>
      %dma_start3A_31 = tpu.memref_squeeze %dma_start3A_30 : memref<1x40x128xi32, #tpu.memory_space<hbm>> -> memref<40x128xi32, #tpu.memory_space<hbm>>
      tpu.enqueue_dma source(%dma_start3A_31 : memref<40x128xi32, #tpu.memory_space<hbm>>) target(%arg8 : memref<40x128xi32, #tpu.memory_space<vmem>>) target_semaphore(%run_scoped3A : memref<!tpu.dma_semaphore, #tpu.memory_space<semaphore_mem>>)
      %dma_wait3A = arith.constant 0 : i32
      %dma_wait3A_32 = arith.constant 0 : i32
      %dma_wait3A_33 = tpu.memref_slice %arg4[%add3A, %dma_wait3A, %dma_wait3A_32] : memref<32x80x128xi32, #tpu.memory_space<hbm>> -> memref<1x40x128xi32, #tpu.memory_space<hbm>>
      %dma_wait3A_34 = tpu.memref_squeeze %dma_wait3A_33 : memref<1x40x128xi32, #tpu.memory_space<hbm>> -> memref<40x128xi32, #tpu.memory_space<hbm>>
      %dma_wait3A_35 = arith.constant 0 : i32
      %dma_wait3A_36 = arith.constant 0 : i32
      %dma_wait3A_37 = tpu.memref_slice %arg4[%add3A, %dma_wait3A_35, %dma_wait3A_36] : memref<32x80x128xi32, #tpu.memory_space<hbm>> -> memref<1x40x128xi32, #tpu.memory_space<hbm>>
      %dma_wait3A_38 = tpu.memref_squeeze %dma_wait3A_37 : memref<1x40x128xi32, #tpu.memory_space<hbm>> -> memref<40x128xi32, #tpu.memory_space<hbm>>
      tpu.wait_dma2 semaphore(%run_scoped3A : memref<!tpu.dma_semaphore, #tpu.memory_space<semaphore_mem>>) src(%dma_wait3A_38 : memref<40x128xi32, #tpu.memory_space<hbm>>) dst(%arg8 : memref<40x128xi32, #tpu.memory_space<vmem>>)
      tpu.yield
    }) : () -> ()
    %scan3A = arith.constant 0 : i32
    %scan3A_13 = arith.constant 0 : i32
    %scan3A_14 = arith.constant 20 : i32
    %scan3A_15 = arith.addi %scan3A_13, %scan3A_14 : i32
    %scan3A_16 = arith.constant 1 : i32
    scf.for %scan3A_25 = %scan3A_13 to %scan3A_15 step %scan3A_16  : i32 {
      %mul3A_26 = arith.constant 2 : i32
      %mul3A_27 = arith.muli %mul3A_26, %scan3A_25 : i32
      %dma_start3A = arith.constant 0 : i32
      %dma_start3A_28 = tpu.memref_slice %arg7[%mul3A_27, %dma_start3A] : memref<40x128xi32, #tpu.memory_space<vmem>> -> memref<1x128xi32, #tpu.memory_space<vmem>>
      %dma_start3A_29 = tpu.memref_squeeze %dma_start3A_28 : memref<1x128xi32, #tpu.memory_space<vmem>> -> memref<128xi32, #tpu.memory_space<vmem>>
      %dma_start3A_30 = arith.constant 0 : i32
      %dma_start3A_31 = arith.constant 0 : i32
      %dma_start3A_32 = tpu.memref_slice %arg2[%dma_start3A_30, %dma_start3A_31] : memref<10240x128xf32, #tpu.memory_space<hbm>> -> memref<10240x128xf32, #tpu.memory_space<hbm>>
      tpu.enqueue_indirect_dma source(%dma_start3A_32 : memref<10240x128xf32, #tpu.memory_space<hbm>>) target(%arg9 : memref<128x128xf32, #tpu.memory_space<vmem>>) offsets(%dma_start3A_29 : memref<128xi32, #tpu.memory_space<vmem>>) semaphore(%arg12 : memref<!tpu.dma_semaphore, #tpu.memory_space<semaphore_mem>>)
      %add3A_33 = arith.constant 1 : i32
      %add3A_34 = arith.addi %mul3A_27, %add3A_33 : i32
      %dma_start3A_35 = arith.constant 0 : i32
      %dma_start3A_36 = tpu.memref_slice %arg7[%add3A_34, %dma_start3A_35] : memref<40x128xi32, #tpu.memory_space<vmem>> -> memref<1x128xi32, #tpu.memory_space<vmem>>
      %dma_start3A_37 = tpu.memref_squeeze %dma_start3A_36 : memref<1x128xi32, #tpu.memory_space<vmem>> -> memref<128xi32, #tpu.memory_space<vmem>>
      %dma_start3A_38 = arith.constant 0 : i32
      %dma_start3A_39 = arith.constant 0 : i32
      %dma_start3A_40 = tpu.memref_slice %arg2[%dma_start3A_38, %dma_start3A_39] : memref<10240x128xf32, #tpu.memory_space<hbm>> -> memref<10240x128xf32, #tpu.memory_space<hbm>>
      tpu.enqueue_indirect_dma source(%dma_start3A_40 : memref<10240x128xf32, #tpu.memory_space<hbm>>) target(%arg10 : memref<128x128xf32, #tpu.memory_space<vmem>>) offsets(%dma_start3A_37 : memref<128xi32, #tpu.memory_space<vmem>>) semaphore(%arg12 : memref<!tpu.dma_semaphore, #tpu.memory_space<semaphore_mem>>)
      %dma_wait3A = arith.constant 0 : i32
      %dma_wait3A_41 = tpu.memref_slice %arg7[%mul3A_27, %dma_wait3A] : memref<40x128xi32, #tpu.memory_space<vmem>> -> memref<1x128xi32, #tpu.memory_space<vmem>>
      %dma_wait3A_42 = tpu.memref_squeeze %dma_wait3A_41 : memref<1x128xi32, #tpu.memory_space<vmem>> -> memref<128xi32, #tpu.memory_space<vmem>>
      %dma_wait3A_43 = arith.constant 0 : i32
      %dma_wait3A_44 = arith.constant 0 : i32
      %dma_wait3A_45 = tpu.memref_slice %arg2[%dma_wait3A_43, %dma_wait3A_44] : memref<10240x128xf32, #tpu.memory_space<hbm>> -> memref<10240x128xf32, #tpu.memory_space<hbm>>
      tpu.wait_indirect_dma semaphore(%arg12 : memref<!tpu.dma_semaphore, #tpu.memory_space<semaphore_mem>>) src(%dma_wait3A_45 : memref<10240x128xf32, #tpu.memory_space<hbm>>) dst(%arg9 : memref<128x128xf32, #tpu.memory_space<vmem>>)
      "tpu.region"() ({
        %run_scoped3A = tpu.sem_alloc : memref<!tpu.dma_semaphore, #tpu.memory_space<semaphore_mem>>
        %dma_start3A_54 = arith.constant 0 : i32
        %dma_start3A_55 = tpu.memref_slice %arg8[%mul3A_27, %dma_start3A_54] : memref<40x128xi32, #tpu.memory_space<vmem>> -> memref<1x128xi32, #tpu.memory_space<vmem>>
        %dma_start3A_56 = tpu.memref_squeeze %dma_start3A_55 : memref<1x128xi32, #tpu.memory_space<vmem>> -> memref<128xi32, #tpu.memory_space<vmem>>
        %dma_start3A_57 = arith.constant 0 : i32
        %dma_start3A_58 = arith.constant 0 : i32
        %dma_start3A_59 = tpu.memref_slice %arg11[%dma_start3A_57, %dma_start3A_58] : memref<10240x128xf32, #tpu.memory_space<vmem_shared>> -> memref<10240x128xf32, #tpu.memory_space<vmem_shared>>
        tpu.enqueue_indirect_dma source(%arg9 : memref<128x128xf32, #tpu.memory_space<vmem>>) target(%dma_start3A_59 : memref<10240x128xf32, #tpu.memory_space<vmem_shared>>) offsets(%dma_start3A_56 : memref<128xi32, #tpu.memory_space<vmem>>) semaphore(%run_scoped3A : memref<!tpu.dma_semaphore, #tpu.memory_space<semaphore_mem>>) {add = true}
        %dma_wait3A_60 = arith.constant 0 : i32
        %dma_wait3A_61 = tpu.memref_slice %arg8[%mul3A_27, %dma_wait3A_60] : memref<40x128xi32, #tpu.memory_space<vmem>> -> memref<1x128xi32, #tpu.memory_space<vmem>>
        %dma_wait3A_62 = tpu.memref_squeeze %dma_wait3A_61 : memref<1x128xi32, #tpu.memory_space<vmem>> -> memref<128xi32, #tpu.memory_space<vmem>>
        %dma_wait3A_63 = arith.constant 0 : i32
        %dma_wait3A_64 = arith.constant 0 : i32
        %dma_wait3A_65 = tpu.memref_slice %arg11[%dma_wait3A_63, %dma_wait3A_64] : memref<10240x128xf32, #tpu.memory_space<vmem_shared>> -> memref<10240x128xf32, #tpu.memory_space<vmem_shared>>
        tpu.wait_indirect_dma semaphore(%run_scoped3A : memref<!tpu.dma_semaphore, #tpu.memory_space<semaphore_mem>>) src(%arg9 : memref<128x128xf32, #tpu.memory_space<vmem>>) dst(%dma_wait3A_65 : memref<10240x128xf32, #tpu.memory_space<vmem_shared>>)
        tpu.yield
      }) : () -> ()
      %dma_wait3A_46 = arith.constant 0 : i32
      %dma_wait3A_47 = tpu.memref_slice %arg7[%add3A_34, %dma_wait3A_46] : memref<40x128xi32, #tpu.memory_space<vmem>> -> memref<1x128xi32, #tpu.memory_space<vmem>>
      %dma_wait3A_48 = tpu.memref_squeeze %dma_wait3A_47 : memref<1x128xi32, #tpu.memory_space<vmem>> -> memref<128xi32, #tpu.memory_space<vmem>>
      %dma_wait3A_49 = arith.constant 0 : i32
      %dma_wait3A_50 = arith.constant 0 : i32
      %dma_wait3A_51 = tpu.memref_slice %arg2[%dma_wait3A_49, %dma_wait3A_50] : memref<10240x128xf32, #tpu.memory_space<hbm>> -> memref<10240x128xf32, #tpu.memory_space<hbm>>
      tpu.wait_indirect_dma semaphore(%arg12 : memref<!tpu.dma_semaphore, #tpu.memory_space<semaphore_mem>>) src(%dma_wait3A_51 : memref<10240x128xf32, #tpu.memory_space<hbm>>) dst(%arg10 : memref<128x128xf32, #tpu.memory_space<vmem>>)
      %add3A_52 = arith.constant 1 : i32
      %add3A_53 = arith.addi %mul3A_27, %add3A_52 : i32
      "tpu.region"() ({
        %run_scoped3A = tpu.sem_alloc : memref<!tpu.dma_semaphore, #tpu.memory_space<semaphore_mem>>
        %dma_start3A_54 = arith.constant 0 : i32
        %dma_start3A_55 = tpu.memref_slice %arg8[%add3A_53, %dma_start3A_54] : memref<40x128xi32, #tpu.memory_space<vmem>> -> memref<1x128xi32, #tpu.memory_space<vmem>>
        %dma_start3A_56 = tpu.memref_squeeze %dma_start3A_55 : memref<1x128xi32, #tpu.memory_space<vmem>> -> memref<128xi32, #tpu.memory_space<vmem>>
        %dma_start3A_57 = arith.constant 0 : i32
        %dma_start3A_58 = arith.constant 0 : i32
        %dma_start3A_59 = tpu.memref_slice %arg11[%dma_start3A_57, %dma_start3A_58] : memref<10240x128xf32, #tpu.memory_space<vmem_shared>> -> memref<10240x128xf32, #tpu.memory_space<vmem_shared>>
        tpu.enqueue_indirect_dma source(%arg10 : memref<128x128xf32, #tpu.memory_space<vmem>>) target(%dma_start3A_59 : memref<10240x128xf32, #tpu.memory_space<vmem_shared>>) offsets(%dma_start3A_56 : memref<128xi32, #tpu.memory_space<vmem>>) semaphore(%run_scoped3A : memref<!tpu.dma_semaphore, #tpu.memory_space<semaphore_mem>>) {add = true}
        %dma_wait3A_60 = arith.constant 0 : i32
        %dma_wait3A_61 = tpu.memref_slice %arg8[%add3A_53, %dma_wait3A_60] : memref<40x128xi32, #tpu.memory_space<vmem>> -> memref<1x128xi32, #tpu.memory_space<vmem>>
        %dma_wait3A_62 = tpu.memref_squeeze %dma_wait3A_61 : memref<1x128xi32, #tpu.memory_space<vmem>> -> memref<128xi32, #tpu.memory_space<vmem>>
        %dma_wait3A_63 = arith.constant 0 : i32
        %dma_wait3A_64 = arith.constant 0 : i32
        %dma_wait3A_65 = tpu.memref_slice %arg11[%dma_wait3A_63, %dma_wait3A_64] : memref<10240x128xf32, #tpu.memory_space<vmem_shared>> -> memref<10240x128xf32, #tpu.memory_space<vmem_shared>>
        tpu.wait_indirect_dma semaphore(%run_scoped3A : memref<!tpu.dma_semaphore, #tpu.memory_space<semaphore_mem>>) src(%arg10 : memref<128x128xf32, #tpu.memory_space<vmem>>) dst(%dma_wait3A_65 : memref<10240x128xf32, #tpu.memory_space<vmem_shared>>)
        tpu.yield
      }) : () -> ()
    }
    %scan3A_17 = arith.constant 20 : i32
    "tpu.region"() ({
      %run_scoped3A = tpu.sem_alloc : memref<!tpu.dma_semaphore, #tpu.memory_space<semaphore_mem>>
      %dma_start3A = arith.constant 40 : i32
      %dma_start3A_25 = arith.constant 0 : i32
      %dma_start3A_26 = tpu.memref_slice %arg3[%add3A, %dma_start3A, %dma_start3A_25] : memref<32x80x128xi32, #tpu.memory_space<hbm>> -> memref<1x40x128xi32, #tpu.memory_space<hbm>>
      %dma_start3A_27 = tpu.memref_squeeze %dma_start3A_26 : memref<1x40x128xi32, #tpu.memory_space<hbm>> -> memref<40x128xi32, #tpu.memory_space<hbm>>
      %dma_start3A_28 = arith.constant 40 : i32
      %dma_start3A_29 = arith.constant 0 : i32
      %dma_start3A_30 = tpu.memref_slice %arg3[%add3A, %dma_start3A_28, %dma_start3A_29] : memref<32x80x128xi32, #tpu.memory_space<hbm>> -> memref<1x40x128xi32, #tpu.memory_space<hbm>>
      %dma_start3A_31 = tpu.memref_squeeze %dma_start3A_30 : memref<1x40x128xi32, #tpu.memory_space<hbm>> -> memref<40x128xi32, #tpu.memory_space<hbm>>
      tpu.enqueue_dma source(%dma_start3A_31 : memref<40x128xi32, #tpu.memory_space<hbm>>) target(%arg7 : memref<40x128xi32, #tpu.memory_space<vmem>>) target_semaphore(%run_scoped3A : memref<!tpu.dma_semaphore, #tpu.memory_space<semaphore_mem>>)
      %dma_wait3A = arith.constant 40 : i32
      %dma_wait3A_32 = arith.constant 0 : i32
      %dma_wait3A_33 = tpu.memref_slice %arg3[%add3A, %dma_wait3A, %dma_wait3A_32] : memref<32x80x128xi32, #tpu.memory_space<hbm>> -> memref<1x40x128xi32, #tpu.memory_space<hbm>>
      %dma_wait3A_34 = tpu.memref_squeeze %dma_wait3A_33 : memref<1x40x128xi32, #tpu.memory_space<hbm>> -> memref<40x128xi32, #tpu.memory_space<hbm>>
      %dma_wait3A_35 = arith.constant 40 : i32
      %dma_wait3A_36 = arith.constant 0 : i32
      %dma_wait3A_37 = tpu.memref_slice %arg3[%add3A, %dma_wait3A_35, %dma_wait3A_36] : memref<32x80x128xi32, #tpu.memory_space<hbm>> -> memref<1x40x128xi32, #tpu.memory_space<hbm>>
      %dma_wait3A_38 = tpu.memref_squeeze %dma_wait3A_37 : memref<1x40x128xi32, #tpu.memory_space<hbm>> -> memref<40x128xi32, #tpu.memory_space<hbm>>
      tpu.wait_dma2 semaphore(%run_scoped3A : memref<!tpu.dma_semaphore, #tpu.memory_space<semaphore_mem>>) src(%dma_wait3A_38 : memref<40x128xi32, #tpu.memory_space<hbm>>) dst(%arg7 : memref<40x128xi32, #tpu.memory_space<vmem>>)
      tpu.yield
    }) : () -> ()
    "tpu.region"() ({
      %run_scoped3A = tpu.sem_alloc : memref<!tpu.dma_semaphore, #tpu.memory_space<semaphore_mem>>
      %dma_start3A = arith.constant 40 : i32
      %dma_start3A_25 = arith.constant 0 : i32
      %dma_start3A_26 = tpu.memref_slice %arg4[%add3A, %dma_start3A, %dma_start3A_25] : memref<32x80x128xi32, #tpu.memory_space<hbm>> -> memref<1x40x128xi32, #tpu.memory_space<hbm>>
      %dma_start3A_27 = tpu.memref_squeeze %dma_start3A_26 : memref<1x40x128xi32, #tpu.memory_space<hbm>> -> memref<40x128xi32, #tpu.memory_space<hbm>>
      %dma_start3A_28 = arith.constant 40 : i32
      %dma_start3A_29 = arith.constant 0 : i32
      %dma_start3A_30 = tpu.memref_slice %arg4[%add3A, %dma_start3A_28, %dma_start3A_29] : memref<32x80x128xi32, #tpu.memory_space<hbm>> -> memref<1x40x128xi32, #tpu.memory_space<hbm>>
      %dma_start3A_31 = tpu.memref_squeeze %dma_start3A_30 : memref<1x40x128xi32, #tpu.memory_space<hbm>> -> memref<40x128xi32, #tpu.memory_space<hbm>>
      tpu.enqueue_dma source(%dma_start3A_31 : memref<40x128xi32, #tpu.memory_space<hbm>>) target(%arg8 : memref<40x128xi32, #tpu.memory_space<vmem>>) target_semaphore(%run_scoped3A : memref<!tpu.dma_semaphore, #tpu.memory_space<semaphore_mem>>)
      %dma_wait3A = arith.constant 40 : i32
      %dma_wait3A_32 = arith.constant 0 : i32
      %dma_wait3A_33 = tpu.memref_slice %arg4[%add3A, %dma_wait3A, %dma_wait3A_32] : memref<32x80x128xi32, #tpu.memory_space<hbm>> -> memref<1x40x128xi32, #tpu.memory_space<hbm>>
      %dma_wait3A_34 = tpu.memref_squeeze %dma_wait3A_33 : memref<1x40x128xi32, #tpu.memory_space<hbm>> -> memref<40x128xi32, #tpu.memory_space<hbm>>
      %dma_wait3A_35 = arith.constant 40 : i32
      %dma_wait3A_36 = arith.constant 0 : i32
      %dma_wait3A_37 = tpu.memref_slice %arg4[%add3A, %dma_wait3A_35, %dma_wait3A_36] : memref<32x80x128xi32, #tpu.memory_space<hbm>> -> memref<1x40x128xi32, #tpu.memory_space<hbm>>
      %dma_wait3A_38 = tpu.memref_squeeze %dma_wait3A_37 : memref<1x40x128xi32, #tpu.memory_space<hbm>> -> memref<40x128xi32, #tpu.memory_space<hbm>>
      tpu.wait_dma2 semaphore(%run_scoped3A : memref<!tpu.dma_semaphore, #tpu.memory_space<semaphore_mem>>) src(%dma_wait3A_38 : memref<40x128xi32, #tpu.memory_space<hbm>>) dst(%arg8 : memref<40x128xi32, #tpu.memory_space<vmem>>)
      tpu.yield
    }) : () -> ()
    %scan3A_18 = arith.constant 0 : i32
    %scan3A_19 = arith.constant 0 : i32
    %scan3A_20 = arith.constant 20 : i32
    %scan3A_21 = arith.addi %scan3A_19, %scan3A_20 : i32
    %scan3A_22 = arith.constant 1 : i32
    scf.for %scan3A_25 = %scan3A_19 to %scan3A_21 step %scan3A_22  : i32 {
      %mul3A_26 = arith.constant 2 : i32
      %mul3A_27 = arith.muli %mul3A_26, %scan3A_25 : i32
      %dma_start3A = arith.constant 0 : i32
      %dma_start3A_28 = tpu.memref_slice %arg7[%mul3A_27, %dma_start3A] : memref<40x128xi32, #tpu.memory_space<vmem>> -> memref<1x128xi32, #tpu.memory_space<vmem>>
      %dma_start3A_29 = tpu.memref_squeeze %dma_start3A_28 : memref<1x128xi32, #tpu.memory_space<vmem>> -> memref<128xi32, #tpu.memory_space<vmem>>
      %dma_start3A_30 = arith.constant 0 : i32
      %dma_start3A_31 = arith.constant 0 : i32
      %dma_start3A_32 = tpu.memref_slice %arg2[%dma_start3A_30, %dma_start3A_31] : memref<10240x128xf32, #tpu.memory_space<hbm>> -> memref<10240x128xf32, #tpu.memory_space<hbm>>
      tpu.enqueue_indirect_dma source(%dma_start3A_32 : memref<10240x128xf32, #tpu.memory_space<hbm>>) target(%arg9 : memref<128x128xf32, #tpu.memory_space<vmem>>) offsets(%dma_start3A_29 : memref<128xi32, #tpu.memory_space<vmem>>) semaphore(%arg12 : memref<!tpu.dma_semaphore, #tpu.memory_space<semaphore_mem>>)
      %add3A_33 = arith.constant 1 : i32
      %add3A_34 = arith.addi %mul3A_27, %add3A_33 : i32
      %dma_start3A_35 = arith.constant 0 : i32
      %dma_start3A_36 = tpu.memref_slice %arg7[%add3A_34, %dma_start3A_35] : memref<40x128xi32, #tpu.memory_space<vmem>> -> memref<1x128xi32, #tpu.memory_space<vmem>>
      %dma_start3A_37 = tpu.memref_squeeze %dma_start3A_36 : memref<1x128xi32, #tpu.memory_space<vmem>> -> memref<128xi32, #tpu.memory_space<vmem>>
      %dma_start3A_38 = arith.constant 0 : i32
      %dma_start3A_39 = arith.constant 0 : i32
      %dma_start3A_40 = tpu.memref_slice %arg2[%dma_start3A_38, %dma_start3A_39] : memref<10240x128xf32, #tpu.memory_space<hbm>> -> memref<10240x128xf32, #tpu.memory_space<hbm>>
      tpu.enqueue_indirect_dma source(%dma_start3A_40 : memref<10240x128xf32, #tpu.memory_space<hbm>>) target(%arg10 : memref<128x128xf32, #tpu.memory_space<vmem>>) offsets(%dma_start3A_37 : memref<128xi32, #tpu.memory_space<vmem>>) semaphore(%arg12 : memref<!tpu.dma_semaphore, #tpu.memory_space<semaphore_mem>>)
      %dma_wait3A = arith.constant 0 : i32
      %dma_wait3A_41 = tpu.memref_slice %arg7[%mul3A_27, %dma_wait3A] : memref<40x128xi32, #tpu.memory_space<vmem>> -> memref<1x128xi32, #tpu.memory_space<vmem>>
      %dma_wait3A_42 = tpu.memref_squeeze %dma_wait3A_41 : memref<1x128xi32, #tpu.memory_space<vmem>> -> memref<128xi32, #tpu.memory_space<vmem>>
      %dma_wait3A_43 = arith.constant 0 : i32
      %dma_wait3A_44 = arith.constant 0 : i32
      %dma_wait3A_45 = tpu.memref_slice %arg2[%dma_wait3A_43, %dma_wait3A_44] : memref<10240x128xf32, #tpu.memory_space<hbm>> -> memref<10240x128xf32, #tpu.memory_space<hbm>>
      tpu.wait_indirect_dma semaphore(%arg12 : memref<!tpu.dma_semaphore, #tpu.memory_space<semaphore_mem>>) src(%dma_wait3A_45 : memref<10240x128xf32, #tpu.memory_space<hbm>>) dst(%arg9 : memref<128x128xf32, #tpu.memory_space<vmem>>)
      "tpu.region"() ({
        %run_scoped3A = tpu.sem_alloc : memref<!tpu.dma_semaphore, #tpu.memory_space<semaphore_mem>>
        %dma_start3A_54 = arith.constant 0 : i32
        %dma_start3A_55 = tpu.memref_slice %arg8[%mul3A_27, %dma_start3A_54] : memref<40x128xi32, #tpu.memory_space<vmem>> -> memref<1x128xi32, #tpu.memory_space<vmem>>
        %dma_start3A_56 = tpu.memref_squeeze %dma_start3A_55 : memref<1x128xi32, #tpu.memory_space<vmem>> -> memref<128xi32, #tpu.memory_space<vmem>>
        %dma_start3A_57 = arith.constant 0 : i32
        %dma_start3A_58 = arith.constant 0 : i32
        %dma_start3A_59 = tpu.memref_slice %arg11[%dma_start3A_57, %dma_start3A_58] : memref<10240x128xf32, #tpu.memory_space<vmem_shared>> -> memref<10240x128xf32, #tpu.memory_space<vmem_shared>>
        tpu.enqueue_indirect_dma source(%arg9 : memref<128x128xf32, #tpu.memory_space<vmem>>) target(%dma_start3A_59 : memref<10240x128xf32, #tpu.memory_space<vmem_shared>>) offsets(%dma_start3A_56 : memref<128xi32, #tpu.memory_space<vmem>>) semaphore(%run_scoped3A : memref<!tpu.dma_semaphore, #tpu.memory_space<semaphore_mem>>) {add = true}
        %dma_wait3A_60 = arith.constant 0 : i32
        %dma_wait3A_61 = tpu.memref_slice %arg8[%mul3A_27, %dma_wait3A_60] : memref<40x128xi32, #tpu.memory_space<vmem>> -> memref<1x128xi32, #tpu.memory_space<vmem>>
        %dma_wait3A_62 = tpu.memref_squeeze %dma_wait3A_61 : memref<1x128xi32, #tpu.memory_space<vmem>> -> memref<128xi32, #tpu.memory_space<vmem>>
        %dma_wait3A_63 = arith.constant 0 : i32
        %dma_wait3A_64 = arith.constant 0 : i32
        %dma_wait3A_65 = tpu.memref_slice %arg11[%dma_wait3A_63, %dma_wait3A_64] : memref<10240x128xf32, #tpu.memory_space<vmem_shared>> -> memref<10240x128xf32, #tpu.memory_space<vmem_shared>>
        tpu.wait_indirect_dma semaphore(%run_scoped3A : memref<!tpu.dma_semaphore, #tpu.memory_space<semaphore_mem>>) src(%arg9 : memref<128x128xf32, #tpu.memory_space<vmem>>) dst(%dma_wait3A_65 : memref<10240x128xf32, #tpu.memory_space<vmem_shared>>)
        tpu.yield
      }) : () -> ()
      %dma_wait3A_46 = arith.constant 0 : i32
      %dma_wait3A_47 = tpu.memref_slice %arg7[%add3A_34, %dma_wait3A_46] : memref<40x128xi32, #tpu.memory_space<vmem>> -> memref<1x128xi32, #tpu.memory_space<vmem>>
      %dma_wait3A_48 = tpu.memref_squeeze %dma_wait3A_47 : memref<1x128xi32, #tpu.memory_space<vmem>> -> memref<128xi32, #tpu.memory_space<vmem>>
      %dma_wait3A_49 = arith.constant 0 : i32
      %dma_wait3A_50 = arith.constant 0 : i32
      %dma_wait3A_51 = tpu.memref_slice %arg2[%dma_wait3A_49, %dma_wait3A_50] : memref<10240x128xf32, #tpu.memory_space<hbm>> -> memref<10240x128xf32, #tpu.memory_space<hbm>>
      tpu.wait_indirect_dma semaphore(%arg12 : memref<!tpu.dma_semaphore, #tpu.memory_space<semaphore_mem>>) src(%dma_wait3A_51 : memref<10240x128xf32, #tpu.memory_space<hbm>>) dst(%arg10 : memref<128x128xf32, #tpu.memory_space<vmem>>)
      %add3A_52 = arith.constant 1 : i32
      %add3A_53 = arith.addi %mul3A_27, %add3A_52 : i32
      "tpu.region"() ({
        %run_scoped3A = tpu.sem_alloc : memref<!tpu.dma_semaphore, #tpu.memory_space<semaphore_mem>>
        %dma_start3A_54 = arith.constant 0 : i32
        %dma_start3A_55 = tpu.memref_slice %arg8[%add3A_53, %dma_start3A_54] : memref<40x128xi32, #tpu.memory_space<vmem>> -> memref<1x128xi32, #tpu.memory_space<vmem>>
        %dma_start3A_56 = tpu.memref_squeeze %dma_start3A_55 : memref<1x128xi32, #tpu.memory_space<vmem>> -> memref<128xi32, #tpu.memory_space<vmem>>
        %dma_start3A_57 = arith.constant 0 : i32
        %dma_start3A_58 = arith.constant 0 : i32
        %dma_start3A_59 = tpu.memref_slice %arg11[%dma_start3A_57, %dma_start3A_58] : memref<10240x128xf32, #tpu.memory_space<vmem_shared>> -> memref<10240x128xf32, #tpu.memory_space<vmem_shared>>
        tpu.enqueue_indirect_dma source(%arg10 : memref<128x128xf32, #tpu.memory_space<vmem>>) target(%dma_start3A_59 : memref<10240x128xf32, #tpu.memory_space<vmem_shared>>) offsets(%dma_start3A_56 : memref<128xi32, #tpu.memory_space<vmem>>) semaphore(%run_scoped3A : memref<!tpu.dma_semaphore, #tpu.memory_space<semaphore_mem>>) {add = true}
        %dma_wait3A_60 = arith.constant 0 : i32
        %dma_wait3A_61 = tpu.memref_slice %arg8[%add3A_53, %dma_wait3A_60] : memref<40x128xi32, #tpu.memory_space<vmem>> -> memref<1x128xi32, #tpu.memory_space<vmem>>
        %dma_wait3A_62 = tpu.memref_squeeze %dma_wait3A_61 : memref<1x128xi32, #tpu.memory_space<vmem>> -> memref<128xi32, #tpu.memory_space<vmem>>
        %dma_wait3A_63 = arith.constant 0 : i32
        %dma_wait3A_64 = arith.constant 0 : i32
        %dma_wait3A_65 = tpu.memref_slice %arg11[%dma_wait3A_63, %dma_wait3A_64] : memref<10240x128xf32, #tpu.memory_space<vmem_shared>> -> memref<10240x128xf32, #tpu.memory_space<vmem_shared>>
        tpu.wait_indirect_dma semaphore(%run_scoped3A : memref<!tpu.dma_semaphore, #tpu.memory_space<semaphore_mem>>) src(%arg10 : memref<128x128xf32, #tpu.memory_space<vmem>>) dst(%dma_wait3A_65 : memref<10240x128xf32, #tpu.memory_space<vmem_shared>>)
        tpu.yield
      }) : () -> ()
    }
    %scan3A_23 = arith.constant 20 : i32
    %barrier3A_24 = arith.constant 0 : index
    tpu.barrier barrier_id(%barrier3A_24)
    "tpu.region"() ({
      %run_scoped3A = tpu.sem_alloc : memref<!tpu.dma_semaphore, #tpu.memory_space<semaphore_mem>>
      %dma_start3A = arith.constant 0 : i32
      %dma_start3A_25 = tpu.memref_slice %arg6[%arg0, %mul3A_2, %dma_start3A] : memref<2x10240x128xf32, #tpu.memory_space<hbm>> -> memref<1x640x128xf32, #tpu.memory_space<hbm>>
      %dma_start3A_26 = tpu.memref_squeeze %dma_start3A_25 : memref<1x640x128xf32, #tpu.memory_space<hbm>> -> memref<640x128xf32, #tpu.memory_space<hbm>>
      %dma_start3A_27 = arith.constant 0 : i32
      %dma_start3A_28 = tpu.memref_slice %arg11[%mul3A_2, %dma_start3A_27] : memref<10240x128xf32, #tpu.memory_space<vmem_shared>> -> memref<640x128xf32, #tpu.memory_space<vmem_shared>>
      tpu.enqueue_dma source(%dma_start3A_28 : memref<640x128xf32, #tpu.memory_space<vmem_shared>>) target(%dma_start3A_26 : memref<640x128xf32, #tpu.memory_space<hbm>>) target_semaphore(%run_scoped3A : memref<!tpu.dma_semaphore, #tpu.memory_space<semaphore_mem>>)
      %dma_wait3A = arith.constant 0 : i32
      %dma_wait3A_29 = tpu.memref_slice %arg6[%arg0, %mul3A_2, %dma_wait3A] : memref<2x10240x128xf32, #tpu.memory_space<hbm>> -> memref<1x640x128xf32, #tpu.memory_space<hbm>>
      %dma_wait3A_30 = tpu.memref_squeeze %dma_wait3A_29 : memref<1x640x128xf32, #tpu.memory_space<hbm>> -> memref<640x128xf32, #tpu.memory_space<hbm>>
      %dma_wait3A_31 = arith.constant 0 : i32
      %dma_wait3A_32 = tpu.memref_slice %arg11[%mul3A_2, %dma_wait3A_31] : memref<10240x128xf32, #tpu.memory_space<vmem_shared>> -> memref<640x128xf32, #tpu.memory_space<vmem_shared>>
      tpu.wait_dma2 semaphore(%run_scoped3A : memref<!tpu.dma_semaphore, #tpu.memory_space<semaphore_mem>>) src(%dma_wait3A_32 : memref<640x128xf32, #tpu.memory_space<vmem_shared>>) dst(%dma_wait3A_30 : memref<640x128xf32, #tpu.memory_space<hbm>>)
      tpu.yield
    }) : () -> ()
    return
  }
}

#map = affine_map<(d0, d1) -> (0, 0, 0)>
#map1 = affine_map<(d0, d1) -> (0, 0)>
module attributes {stable_mosaic.version = 14 : i64} {
  func.func @_sc_degree(%arg0: i32, %arg1: i32, %arg2: memref<32x80x128xi32, #tpu.memory_space<hbm>>, %arg3: memref<128x1xf32, #tpu.memory_space<hbm>>, %arg4: memref<640x1xf32, #tpu.memory_space<hbm>>, %arg5: memref<2x10240x1xf32, #tpu.memory_space<hbm>>, %arg6: memref<80x128xi32, #tpu.memory_space<vmem>>, %arg7: memref<128x1xf32, #tpu.memory_space<vmem>>, %arg8: memref<10240x1xf32, #tpu.memory_space<vmem_shared>>, %arg9: memref<!tpu.dma_semaphore, #tpu.memory_space<semaphore_mem>>) attributes {dimension_semantics = [#tpu.dimension_semantics<core_parallel>, #tpu.dimension_semantics<subcore_parallel>], iteration_bounds = array<i64: 2, 16>, scalar_prefetch = 0 : i64, scratch_operands = 4 : i64, tpu.core_type = #tpu.core_type<sc_vector_subcore>, window_params = [{transform_indices = #map}, {transform_indices = #map1}, {transform_indices = #map1}, {transform_indices = #map}]} {
    %mul3A = arith.constant 2 : i32
    %mul3A_0 = arith.muli %arg1, %mul3A : i32
    %add3A = arith.addi %mul3A_0, %arg0 : i32
    %mul3A_1 = arith.constant 640 : i32
    %mul3A_2 = arith.muli %arg1, %mul3A_1 : i32
    "tpu.region"() ({
      %run_scoped3A = tpu.sem_alloc : memref<!tpu.dma_semaphore, #tpu.memory_space<semaphore_mem>>
      tpu.enqueue_dma source(%arg3 : memref<128x1xf32, #tpu.memory_space<hbm>>) target(%arg7 : memref<128x1xf32, #tpu.memory_space<vmem>>) target_semaphore(%run_scoped3A : memref<!tpu.dma_semaphore, #tpu.memory_space<semaphore_mem>>)
      tpu.wait_dma2 semaphore(%run_scoped3A : memref<!tpu.dma_semaphore, #tpu.memory_space<semaphore_mem>>) src(%arg3 : memref<128x1xf32, #tpu.memory_space<hbm>>) dst(%arg7 : memref<128x1xf32, #tpu.memory_space<vmem>>)
      tpu.yield
    }) : () -> ()
    "tpu.region"() ({
      %run_scoped3A = tpu.sem_alloc : memref<!tpu.dma_semaphore, #tpu.memory_space<semaphore_mem>>
      %dma_start3A = arith.constant 0 : i32
      %dma_start3A_9 = arith.constant 0 : i32
      %dma_start3A_10 = tpu.memref_slice %arg2[%add3A, %dma_start3A, %dma_start3A_9] : memref<32x80x128xi32, #tpu.memory_space<hbm>> -> memref<1x80x128xi32, #tpu.memory_space<hbm>>
      %dma_start3A_11 = tpu.memref_squeeze %dma_start3A_10 : memref<1x80x128xi32, #tpu.memory_space<hbm>> -> memref<80x128xi32, #tpu.memory_space<hbm>>
      %dma_start3A_12 = arith.constant 0 : i32
      %dma_start3A_13 = arith.constant 0 : i32
      %dma_start3A_14 = tpu.memref_slice %arg2[%add3A, %dma_start3A_12, %dma_start3A_13] : memref<32x80x128xi32, #tpu.memory_space<hbm>> -> memref<1x80x128xi32, #tpu.memory_space<hbm>>
      %dma_start3A_15 = tpu.memref_squeeze %dma_start3A_14 : memref<1x80x128xi32, #tpu.memory_space<hbm>> -> memref<80x128xi32, #tpu.memory_space<hbm>>
      tpu.enqueue_dma source(%dma_start3A_15 : memref<80x128xi32, #tpu.memory_space<hbm>>) target(%arg6 : memref<80x128xi32, #tpu.memory_space<vmem>>) target_semaphore(%run_scoped3A : memref<!tpu.dma_semaphore, #tpu.memory_space<semaphore_mem>>)
      %dma_wait3A = arith.constant 0 : i32
      %dma_wait3A_16 = arith.constant 0 : i32
      %dma_wait3A_17 = tpu.memref_slice %arg2[%add3A, %dma_wait3A, %dma_wait3A_16] : memref<32x80x128xi32, #tpu.memory_space<hbm>> -> memref<1x80x128xi32, #tpu.memory_space<hbm>>
      %dma_wait3A_18 = tpu.memref_squeeze %dma_wait3A_17 : memref<1x80x128xi32, #tpu.memory_space<hbm>> -> memref<80x128xi32, #tpu.memory_space<hbm>>
      %dma_wait3A_19 = arith.constant 0 : i32
      %dma_wait3A_20 = arith.constant 0 : i32
      %dma_wait3A_21 = tpu.memref_slice %arg2[%add3A, %dma_wait3A_19, %dma_wait3A_20] : memref<32x80x128xi32, #tpu.memory_space<hbm>> -> memref<1x80x128xi32, #tpu.memory_space<hbm>>
      %dma_wait3A_22 = tpu.memref_squeeze %dma_wait3A_21 : memref<1x80x128xi32, #tpu.memory_space<hbm>> -> memref<80x128xi32, #tpu.memory_space<hbm>>
      tpu.wait_dma2 semaphore(%run_scoped3A : memref<!tpu.dma_semaphore, #tpu.memory_space<semaphore_mem>>) src(%dma_wait3A_22 : memref<80x128xi32, #tpu.memory_space<hbm>>) dst(%arg6 : memref<80x128xi32, #tpu.memory_space<vmem>>)
      tpu.yield
    }) : () -> ()
    "tpu.region"() ({
      %run_scoped3A = tpu.sem_alloc : memref<!tpu.dma_semaphore, #tpu.memory_space<semaphore_mem>>
      %dma_start3A = arith.constant 0 : i32
      %dma_start3A_9 = tpu.memref_slice %arg8[%mul3A_2, %dma_start3A] : memref<10240x1xf32, #tpu.memory_space<vmem_shared>> -> memref<640x1xf32, #tpu.memory_space<vmem_shared>>
      tpu.enqueue_dma source(%arg4 : memref<640x1xf32, #tpu.memory_space<hbm>>) target(%dma_start3A_9 : memref<640x1xf32, #tpu.memory_space<vmem_shared>>) target_semaphore(%run_scoped3A : memref<!tpu.dma_semaphore, #tpu.memory_space<semaphore_mem>>)
      %dma_wait3A = arith.constant 0 : i32
      %dma_wait3A_10 = tpu.memref_slice %arg8[%mul3A_2, %dma_wait3A] : memref<10240x1xf32, #tpu.memory_space<vmem_shared>> -> memref<640x1xf32, #tpu.memory_space<vmem_shared>>
      tpu.wait_dma2 semaphore(%run_scoped3A : memref<!tpu.dma_semaphore, #tpu.memory_space<semaphore_mem>>) src(%arg4 : memref<640x1xf32, #tpu.memory_space<hbm>>) dst(%dma_wait3A_10 : memref<640x1xf32, #tpu.memory_space<vmem_shared>>)
      tpu.yield
    }) : () -> ()
    %barrier3A = arith.constant 0 : index
    tpu.barrier barrier_id(%barrier3A)
    %scan3A = arith.constant 0 : i32
    %scan3A_3 = arith.constant 0 : i32
    %scan3A_4 = arith.constant 80 : i32
    %scan3A_5 = arith.addi %scan3A_3, %scan3A_4 : i32
    %scan3A_6 = arith.constant 1 : i32
    scf.for %scan3A_9 = %scan3A_3 to %scan3A_5 step %scan3A_6  : i32 {
      "tpu.region"() ({
        %run_scoped3A = tpu.sem_alloc : memref<!tpu.dma_semaphore, #tpu.memory_space<semaphore_mem>>
        %dma_start3A = arith.constant 0 : i32
        %dma_start3A_10 = tpu.memref_slice %arg6[%scan3A_9, %dma_start3A] : memref<80x128xi32, #tpu.memory_space<vmem>> -> memref<1x128xi32, #tpu.memory_space<vmem>>
        %dma_start3A_11 = tpu.memref_squeeze %dma_start3A_10 : memref<1x128xi32, #tpu.memory_space<vmem>> -> memref<128xi32, #tpu.memory_space<vmem>>
        %dma_start3A_12 = arith.constant 0 : i32
        %dma_start3A_13 = arith.constant 0 : i32
        %dma_start3A_14 = tpu.memref_slice %arg8[%dma_start3A_12, %dma_start3A_13] : memref<10240x1xf32, #tpu.memory_space<vmem_shared>> -> memref<10240x1xf32, #tpu.memory_space<vmem_shared>>
        tpu.enqueue_indirect_dma source(%arg7 : memref<128x1xf32, #tpu.memory_space<vmem>>) target(%dma_start3A_14 : memref<10240x1xf32, #tpu.memory_space<vmem_shared>>) offsets(%dma_start3A_11 : memref<128xi32, #tpu.memory_space<vmem>>) semaphore(%run_scoped3A : memref<!tpu.dma_semaphore, #tpu.memory_space<semaphore_mem>>) {add = true}
        %dma_wait3A = arith.constant 0 : i32
        %dma_wait3A_15 = tpu.memref_slice %arg6[%scan3A_9, %dma_wait3A] : memref<80x128xi32, #tpu.memory_space<vmem>> -> memref<1x128xi32, #tpu.memory_space<vmem>>
        %dma_wait3A_16 = tpu.memref_squeeze %dma_wait3A_15 : memref<1x128xi32, #tpu.memory_space<vmem>> -> memref<128xi32, #tpu.memory_space<vmem>>
        %dma_wait3A_17 = arith.constant 0 : i32
        %dma_wait3A_18 = arith.constant 0 : i32
        %dma_wait3A_19 = tpu.memref_slice %arg8[%dma_wait3A_17, %dma_wait3A_18] : memref<10240x1xf32, #tpu.memory_space<vmem_shared>> -> memref<10240x1xf32, #tpu.memory_space<vmem_shared>>
        tpu.wait_indirect_dma semaphore(%run_scoped3A : memref<!tpu.dma_semaphore, #tpu.memory_space<semaphore_mem>>) src(%arg7 : memref<128x1xf32, #tpu.memory_space<vmem>>) dst(%dma_wait3A_19 : memref<10240x1xf32, #tpu.memory_space<vmem_shared>>)
        tpu.yield
      }) : () -> ()
    }
    %scan3A_7 = arith.constant 80 : i32
    %barrier3A_8 = arith.constant 0 : index
    tpu.barrier barrier_id(%barrier3A_8)
    "tpu.region"() ({
      %run_scoped3A = tpu.sem_alloc : memref<!tpu.dma_semaphore, #tpu.memory_space<semaphore_mem>>
      %dma_start3A = arith.constant 0 : i32
      %dma_start3A_9 = tpu.memref_slice %arg5[%arg0, %mul3A_2, %dma_start3A] : memref<2x10240x1xf32, #tpu.memory_space<hbm>> -> memref<1x640x1xf32, #tpu.memory_space<hbm>>
      %dma_start3A_10 = tpu.memref_squeeze %dma_start3A_9 : memref<1x640x1xf32, #tpu.memory_space<hbm>> -> memref<640x1xf32, #tpu.memory_space<hbm>>
      %dma_start3A_11 = arith.constant 0 : i32
      %dma_start3A_12 = tpu.memref_slice %arg8[%mul3A_2, %dma_start3A_11] : memref<10240x1xf32, #tpu.memory_space<vmem_shared>> -> memref<640x1xf32, #tpu.memory_space<vmem_shared>>
      tpu.enqueue_dma source(%dma_start3A_12 : memref<640x1xf32, #tpu.memory_space<vmem_shared>>) target(%dma_start3A_10 : memref<640x1xf32, #tpu.memory_space<hbm>>) target_semaphore(%run_scoped3A : memref<!tpu.dma_semaphore, #tpu.memory_space<semaphore_mem>>)
      %dma_wait3A = arith.constant 0 : i32
      %dma_wait3A_13 = tpu.memref_slice %arg5[%arg0, %mul3A_2, %dma_wait3A] : memref<2x10240x1xf32, #tpu.memory_space<hbm>> -> memref<1x640x1xf32, #tpu.memory_space<hbm>>
      %dma_wait3A_14 = tpu.memref_squeeze %dma_wait3A_13 : memref<1x640x1xf32, #tpu.memory_space<hbm>> -> memref<640x1xf32, #tpu.memory_space<hbm>>
      %dma_wait3A_15 = arith.constant 0 : i32
      %dma_wait3A_16 = tpu.memref_slice %arg8[%mul3A_2, %dma_wait3A_15] : memref<10240x1xf32, #tpu.memory_space<vmem_shared>> -> memref<640x1xf32, #tpu.memory_space<vmem_shared>>
      tpu.wait_dma2 semaphore(%run_scoped3A : memref<!tpu.dma_semaphore, #tpu.memory_space<semaphore_mem>>) src(%dma_wait3A_16 : memref<640x1xf32, #tpu.memory_space<vmem_shared>>) dst(%dma_wait3A_14 : memref<640x1xf32, #tpu.memory_space<hbm>>)
      tpu.yield
    }) : () -> ()
    return
  }
}

#map = affine_map<(d0, d1) -> (0, 0)>
#map1 = affine_map<(d0, d1) -> (0, 0, 0)>
module attributes {stable_mosaic.version = 14 : i64} {
  func.func @_sc_scatter(%arg0: i32, %arg1: i32, %arg2: memref<10240x128xf32, #tpu.memory_space<hbm>>, %arg3: memref<32x80x128xi32, #tpu.memory_space<hbm>>, %arg4: memref<32x80x128xi32, #tpu.memory_space<hbm>>, %arg5: memref<128x128xf32, #tpu.memory_space<hbm>>, %arg6: memref<2x10240x128xf32, #tpu.memory_space<hbm>>, %arg7: memref<40x128xi32, #tpu.memory_space<vmem>>, %arg8: memref<40x128xi32, #tpu.memory_space<vmem>>, %arg9: memref<128x128xf32, #tpu.memory_space<vmem>>, %arg10: memref<128x128xf32, #tpu.memory_space<vmem>>, %arg11: memref<10240x128xf32, #tpu.memory_space<vmem_shared>>, %arg12: memref<!tpu.dma_semaphore, #tpu.memory_space<semaphore_mem>>) attributes {dimension_semantics = [#tpu.dimension_semantics<core_parallel>, #tpu.dimension_semantics<subcore_parallel>], iteration_bounds = array<i64: 2, 16>, scalar_prefetch = 0 : i64, scratch_operands = 6 : i64, tpu.core_type = #tpu.core_type<sc_vector_subcore>, window_params = [{transform_indices = #map}, {transform_indices = #map1}, {transform_indices = #map1}, {transform_indices = #map}, {transform_indices = #map1}]} {
    %mul3A = arith.constant 2 : i32
    %mul3A_0 = arith.muli %arg1, %mul3A : i32
    %add3A = arith.addi %mul3A_0, %arg0 : i32
    %mul3A_1 = arith.constant 640 : i32
    %mul3A_2 = arith.muli %arg1, %mul3A_1 : i32
    %add3A_3 = arith.constant 0 : i32
    %add3A_4 = arith.addi %mul3A_2, %add3A_3 : i32
    "tpu.region"() ({
      %run_scoped3A = tpu.sem_alloc : memref<!tpu.dma_semaphore, #tpu.memory_space<semaphore_mem>>
      %dma_start3A = arith.constant 0 : i32
      %dma_start3A_25 = tpu.memref_slice %arg11[%add3A_4, %dma_start3A] : memref<10240x128xf32, #tpu.memory_space<vmem_shared>> -> memref<128x128xf32, #tpu.memory_space<vmem_shared>>
      tpu.enqueue_dma source(%arg5 : memref<128x128xf32, #tpu.memory_space<hbm>>) target(%dma_start3A_25 : memref<128x128xf32, #tpu.memory_space<vmem_shared>>) target_semaphore(%run_scoped3A : memref<!tpu.dma_semaphore, #tpu.memory_space<semaphore_mem>>)
      %dma_wait3A = arith.constant 0 : i32
      %dma_wait3A_26 = tpu.memref_slice %arg11[%add3A_4, %dma_wait3A] : memref<10240x128xf32, #tpu.memory_space<vmem_shared>> -> memref<128x128xf32, #tpu.memory_space<vmem_shared>>
      tpu.wait_dma2 semaphore(%run_scoped3A : memref<!tpu.dma_semaphore, #tpu.memory_space<semaphore_mem>>) src(%arg5 : memref<128x128xf32, #tpu.memory_space<hbm>>) dst(%dma_wait3A_26 : memref<128x128xf32, #tpu.memory_space<vmem_shared>>)
      tpu.yield
    }) : () -> ()
    %add3A_5 = arith.constant 128 : i32
    %add3A_6 = arith.addi %mul3A_2, %add3A_5 : i32
    "tpu.region"() ({
      %run_scoped3A = tpu.sem_alloc : memref<!tpu.dma_semaphore, #tpu.memory_space<semaphore_mem>>
      %dma_start3A = arith.constant 0 : i32
      %dma_start3A_25 = tpu.memref_slice %arg11[%add3A_6, %dma_start3A] : memref<10240x128xf32, #tpu.memory_space<vmem_shared>> -> memref<128x128xf32, #tpu.memory_space<vmem_shared>>
      tpu.enqueue_dma source(%arg5 : memref<128x128xf32, #tpu.memory_space<hbm>>) target(%dma_start3A_25 : memref<128x128xf32, #tpu.memory_space<vmem_shared>>) target_semaphore(%run_scoped3A : memref<!tpu.dma_semaphore, #tpu.memory_space<semaphore_mem>>)
      %dma_wait3A = arith.constant 0 : i32
      %dma_wait3A_26 = tpu.memref_slice %arg11[%add3A_6, %dma_wait3A] : memref<10240x128xf32, #tpu.memory_space<vmem_shared>> -> memref<128x128xf32, #tpu.memory_space<vmem_shared>>
      tpu.wait_dma2 semaphore(%run_scoped3A : memref<!tpu.dma_semaphore, #tpu.memory_space<semaphore_mem>>) src(%arg5 : memref<128x128xf32, #tpu.memory_space<hbm>>) dst(%dma_wait3A_26 : memref<128x128xf32, #tpu.memory_space<vmem_shared>>)
      tpu.yield
    }) : () -> ()
    %add3A_7 = arith.constant 256 : i32
    %add3A_8 = arith.addi %mul3A_2, %add3A_7 : i32
    "tpu.region"() ({
      %run_scoped3A = tpu.sem_alloc : memref<!tpu.dma_semaphore, #tpu.memory_space<semaphore_mem>>
      %dma_start3A = arith.constant 0 : i32
      %dma_start3A_25 = tpu.memref_slice %arg11[%add3A_8, %dma_start3A] : memref<10240x128xf32, #tpu.memory_space<vmem_shared>> -> memref<128x128xf32, #tpu.memory_space<vmem_shared>>
      tpu.enqueue_dma source(%arg5 : memref<128x128xf32, #tpu.memory_space<hbm>>) target(%dma_start3A_25 : memref<128x128xf32, #tpu.memory_space<vmem_shared>>) target_semaphore(%run_scoped3A : memref<!tpu.dma_semaphore, #tpu.memory_space<semaphore_mem>>)
      %dma_wait3A = arith.constant 0 : i32
      %dma_wait3A_26 = tpu.memref_slice %arg11[%add3A_8, %dma_wait3A] : memref<10240x128xf32, #tpu.memory_space<vmem_shared>> -> memref<128x128xf32, #tpu.memory_space<vmem_shared>>
      tpu.wait_dma2 semaphore(%run_scoped3A : memref<!tpu.dma_semaphore, #tpu.memory_space<semaphore_mem>>) src(%arg5 : memref<128x128xf32, #tpu.memory_space<hbm>>) dst(%dma_wait3A_26 : memref<128x128xf32, #tpu.memory_space<vmem_shared>>)
      tpu.yield
    }) : () -> ()
    %add3A_9 = arith.constant 384 : i32
    %add3A_10 = arith.addi %mul3A_2, %add3A_9 : i32
    "tpu.region"() ({
      %run_scoped3A = tpu.sem_alloc : memref<!tpu.dma_semaphore, #tpu.memory_space<semaphore_mem>>
      %dma_start3A = arith.constant 0 : i32
      %dma_start3A_25 = tpu.memref_slice %arg11[%add3A_10, %dma_start3A] : memref<10240x128xf32, #tpu.memory_space<vmem_shared>> -> memref<128x128xf32, #tpu.memory_space<vmem_shared>>
      tpu.enqueue_dma source(%arg5 : memref<128x128xf32, #tpu.memory_space<hbm>>) target(%dma_start3A_25 : memref<128x128xf32, #tpu.memory_space<vmem_shared>>) target_semaphore(%run_scoped3A : memref<!tpu.dma_semaphore, #tpu.memory_space<semaphore_mem>>)
      %dma_wait3A = arith.constant 0 : i32
      %dma_wait3A_26 = tpu.memref_slice %arg11[%add3A_10, %dma_wait3A] : memref<10240x128xf32, #tpu.memory_space<vmem_shared>> -> memref<128x128xf32, #tpu.memory_space<vmem_shared>>
      tpu.wait_dma2 semaphore(%run_scoped3A : memref<!tpu.dma_semaphore, #tpu.memory_space<semaphore_mem>>) src(%arg5 : memref<128x128xf32, #tpu.memory_space<hbm>>) dst(%dma_wait3A_26 : memref<128x128xf32, #tpu.memory_space<vmem_shared>>)
      tpu.yield
    }) : () -> ()
    %add3A_11 = arith.constant 512 : i32
    %add3A_12 = arith.addi %mul3A_2, %add3A_11 : i32
    "tpu.region"() ({
      %run_scoped3A = tpu.sem_alloc : memref<!tpu.dma_semaphore, #tpu.memory_space<semaphore_mem>>
      %dma_start3A = arith.constant 0 : i32
      %dma_start3A_25 = tpu.memref_slice %arg11[%add3A_12, %dma_start3A] : memref<10240x128xf32, #tpu.memory_space<vmem_shared>> -> memref<128x128xf32, #tpu.memory_space<vmem_shared>>
      tpu.enqueue_dma source(%arg5 : memref<128x128xf32, #tpu.memory_space<hbm>>) target(%dma_start3A_25 : memref<128x128xf32, #tpu.memory_space<vmem_shared>>) target_semaphore(%run_scoped3A : memref<!tpu.dma_semaphore, #tpu.memory_space<semaphore_mem>>)
      %dma_wait3A = arith.constant 0 : i32
      %dma_wait3A_26 = tpu.memref_slice %arg11[%add3A_12, %dma_wait3A] : memref<10240x128xf32, #tpu.memory_space<vmem_shared>> -> memref<128x128xf32, #tpu.memory_space<vmem_shared>>
      tpu.wait_dma2 semaphore(%run_scoped3A : memref<!tpu.dma_semaphore, #tpu.memory_space<semaphore_mem>>) src(%arg5 : memref<128x128xf32, #tpu.memory_space<hbm>>) dst(%dma_wait3A_26 : memref<128x128xf32, #tpu.memory_space<vmem_shared>>)
      tpu.yield
    }) : () -> ()
    %barrier3A = arith.constant 0 : index
    tpu.barrier barrier_id(%barrier3A)
    "tpu.region"() ({
      %run_scoped3A = tpu.sem_alloc : memref<!tpu.dma_semaphore, #tpu.memory_space<semaphore_mem>>
      %dma_start3A = arith.constant 0 : i32
      %dma_start3A_25 = arith.constant 0 : i32
      %dma_start3A_26 = tpu.memref_slice %arg3[%add3A, %dma_start3A, %dma_start3A_25] : memref<32x80x128xi32, #tpu.memory_space<hbm>> -> memref<1x40x128xi32, #tpu.memory_space<hbm>>
      %dma_start3A_27 = tpu.memref_squeeze %dma_start3A_26 : memref<1x40x128xi32, #tpu.memory_space<hbm>> -> memref<40x128xi32, #tpu.memory_space<hbm>>
      %dma_start3A_28 = arith.constant 0 : i32
      %dma_start3A_29 = arith.constant 0 : i32
      %dma_start3A_30 = tpu.memref_slice %arg3[%add3A, %dma_start3A_28, %dma_start3A_29] : memref<32x80x128xi32, #tpu.memory_space<hbm>> -> memref<1x40x128xi32, #tpu.memory_space<hbm>>
      %dma_start3A_31 = tpu.memref_squeeze %dma_start3A_30 : memref<1x40x128xi32, #tpu.memory_space<hbm>> -> memref<40x128xi32, #tpu.memory_space<hbm>>
      tpu.enqueue_dma source(%dma_start3A_31 : memref<40x128xi32, #tpu.memory_space<hbm>>) target(%arg7 : memref<40x128xi32, #tpu.memory_space<vmem>>) target_semaphore(%run_scoped3A : memref<!tpu.dma_semaphore, #tpu.memory_space<semaphore_mem>>)
      %dma_wait3A = arith.constant 0 : i32
      %dma_wait3A_32 = arith.constant 0 : i32
      %dma_wait3A_33 = tpu.memref_slice %arg3[%add3A, %dma_wait3A, %dma_wait3A_32] : memref<32x80x128xi32, #tpu.memory_space<hbm>> -> memref<1x40x128xi32, #tpu.memory_space<hbm>>
      %dma_wait3A_34 = tpu.memref_squeeze %dma_wait3A_33 : memref<1x40x128xi32, #tpu.memory_space<hbm>> -> memref<40x128xi32, #tpu.memory_space<hbm>>
      %dma_wait3A_35 = arith.constant 0 : i32
      %dma_wait3A_36 = arith.constant 0 : i32
      %dma_wait3A_37 = tpu.memref_slice %arg3[%add3A, %dma_wait3A_35, %dma_wait3A_36] : memref<32x80x128xi32, #tpu.memory_space<hbm>> -> memref<1x40x128xi32, #tpu.memory_space<hbm>>
      %dma_wait3A_38 = tpu.memref_squeeze %dma_wait3A_37 : memref<1x40x128xi32, #tpu.memory_space<hbm>> -> memref<40x128xi32, #tpu.memory_space<hbm>>
      tpu.wait_dma2 semaphore(%run_scoped3A : memref<!tpu.dma_semaphore, #tpu.memory_space<semaphore_mem>>) src(%dma_wait3A_38 : memref<40x128xi32, #tpu.memory_space<hbm>>) dst(%arg7 : memref<40x128xi32, #tpu.memory_space<vmem>>)
      tpu.yield
    }) : () -> ()
    "tpu.region"() ({
      %run_scoped3A = tpu.sem_alloc : memref<!tpu.dma_semaphore, #tpu.memory_space<semaphore_mem>>
      %dma_start3A = arith.constant 0 : i32
      %dma_start3A_25 = arith.constant 0 : i32
      %dma_start3A_26 = tpu.memref_slice %arg4[%add3A, %dma_start3A, %dma_start3A_25] : memref<32x80x128xi32, #tpu.memory_space<hbm>> -> memref<1x40x128xi32, #tpu.memory_space<hbm>>
      %dma_start3A_27 = tpu.memref_squeeze %dma_start3A_26 : memref<1x40x128xi32, #tpu.memory_space<hbm>> -> memref<40x128xi32, #tpu.memory_space<hbm>>
      %dma_start3A_28 = arith.constant 0 : i32
      %dma_start3A_29 = arith.constant 0 : i32
      %dma_start3A_30 = tpu.memref_slice %arg4[%add3A, %dma_start3A_28, %dma_start3A_29] : memref<32x80x128xi32, #tpu.memory_space<hbm>> -> memref<1x40x128xi32, #tpu.memory_space<hbm>>
      %dma_start3A_31 = tpu.memref_squeeze %dma_start3A_30 : memref<1x40x128xi32, #tpu.memory_space<hbm>> -> memref<40x128xi32, #tpu.memory_space<hbm>>
      tpu.enqueue_dma source(%dma_start3A_31 : memref<40x128xi32, #tpu.memory_space<hbm>>) target(%arg8 : memref<40x128xi32, #tpu.memory_space<vmem>>) target_semaphore(%run_scoped3A : memref<!tpu.dma_semaphore, #tpu.memory_space<semaphore_mem>>)
      %dma_wait3A = arith.constant 0 : i32
      %dma_wait3A_32 = arith.constant 0 : i32
      %dma_wait3A_33 = tpu.memref_slice %arg4[%add3A, %dma_wait3A, %dma_wait3A_32] : memref<32x80x128xi32, #tpu.memory_space<hbm>> -> memref<1x40x128xi32, #tpu.memory_space<hbm>>
      %dma_wait3A_34 = tpu.memref_squeeze %dma_wait3A_33 : memref<1x40x128xi32, #tpu.memory_space<hbm>> -> memref<40x128xi32, #tpu.memory_space<hbm>>
      %dma_wait3A_35 = arith.constant 0 : i32
      %dma_wait3A_36 = arith.constant 0 : i32
      %dma_wait3A_37 = tpu.memref_slice %arg4[%add3A, %dma_wait3A_35, %dma_wait3A_36] : memref<32x80x128xi32, #tpu.memory_space<hbm>> -> memref<1x40x128xi32, #tpu.memory_space<hbm>>
      %dma_wait3A_38 = tpu.memref_squeeze %dma_wait3A_37 : memref<1x40x128xi32, #tpu.memory_space<hbm>> -> memref<40x128xi32, #tpu.memory_space<hbm>>
      tpu.wait_dma2 semaphore(%run_scoped3A : memref<!tpu.dma_semaphore, #tpu.memory_space<semaphore_mem>>) src(%dma_wait3A_38 : memref<40x128xi32, #tpu.memory_space<hbm>>) dst(%arg8 : memref<40x128xi32, #tpu.memory_space<vmem>>)
      tpu.yield
    }) : () -> ()
    %scan3A = arith.constant 0 : i32
    %scan3A_13 = arith.constant 0 : i32
    %scan3A_14 = arith.constant 20 : i32
    %scan3A_15 = arith.addi %scan3A_13, %scan3A_14 : i32
    %scan3A_16 = arith.constant 1 : i32
    scf.for %scan3A_25 = %scan3A_13 to %scan3A_15 step %scan3A_16  : i32 {
      %mul3A_26 = arith.constant 2 : i32
      %mul3A_27 = arith.muli %mul3A_26, %scan3A_25 : i32
      %dma_start3A = arith.constant 0 : i32
      %dma_start3A_28 = tpu.memref_slice %arg7[%mul3A_27, %dma_start3A] : memref<40x128xi32, #tpu.memory_space<vmem>> -> memref<1x128xi32, #tpu.memory_space<vmem>>
      %dma_start3A_29 = tpu.memref_squeeze %dma_start3A_28 : memref<1x128xi32, #tpu.memory_space<vmem>> -> memref<128xi32, #tpu.memory_space<vmem>>
      %dma_start3A_30 = arith.constant 0 : i32
      %dma_start3A_31 = arith.constant 0 : i32
      %dma_start3A_32 = tpu.memref_slice %arg2[%dma_start3A_30, %dma_start3A_31] : memref<10240x128xf32, #tpu.memory_space<hbm>> -> memref<10240x128xf32, #tpu.memory_space<hbm>>
      tpu.enqueue_indirect_dma source(%dma_start3A_32 : memref<10240x128xf32, #tpu.memory_space<hbm>>) target(%arg9 : memref<128x128xf32, #tpu.memory_space<vmem>>) offsets(%dma_start3A_29 : memref<128xi32, #tpu.memory_space<vmem>>) semaphore(%arg12 : memref<!tpu.dma_semaphore, #tpu.memory_space<semaphore_mem>>)
      %add3A_33 = arith.constant 1 : i32
      %add3A_34 = arith.addi %mul3A_27, %add3A_33 : i32
      %dma_start3A_35 = arith.constant 0 : i32
      %dma_start3A_36 = tpu.memref_slice %arg7[%add3A_34, %dma_start3A_35] : memref<40x128xi32, #tpu.memory_space<vmem>> -> memref<1x128xi32, #tpu.memory_space<vmem>>
      %dma_start3A_37 = tpu.memref_squeeze %dma_start3A_36 : memref<1x128xi32, #tpu.memory_space<vmem>> -> memref<128xi32, #tpu.memory_space<vmem>>
      %dma_start3A_38 = arith.constant 0 : i32
      %dma_start3A_39 = arith.constant 0 : i32
      %dma_start3A_40 = tpu.memref_slice %arg2[%dma_start3A_38, %dma_start3A_39] : memref<10240x128xf32, #tpu.memory_space<hbm>> -> memref<10240x128xf32, #tpu.memory_space<hbm>>
      tpu.enqueue_indirect_dma source(%dma_start3A_40 : memref<10240x128xf32, #tpu.memory_space<hbm>>) target(%arg10 : memref<128x128xf32, #tpu.memory_space<vmem>>) offsets(%dma_start3A_37 : memref<128xi32, #tpu.memory_space<vmem>>) semaphore(%arg12 : memref<!tpu.dma_semaphore, #tpu.memory_space<semaphore_mem>>)
      %dma_wait3A = arith.constant 0 : i32
      %dma_wait3A_41 = tpu.memref_slice %arg7[%mul3A_27, %dma_wait3A] : memref<40x128xi32, #tpu.memory_space<vmem>> -> memref<1x128xi32, #tpu.memory_space<vmem>>
      %dma_wait3A_42 = tpu.memref_squeeze %dma_wait3A_41 : memref<1x128xi32, #tpu.memory_space<vmem>> -> memref<128xi32, #tpu.memory_space<vmem>>
      %dma_wait3A_43 = arith.constant 0 : i32
      %dma_wait3A_44 = arith.constant 0 : i32
      %dma_wait3A_45 = tpu.memref_slice %arg2[%dma_wait3A_43, %dma_wait3A_44] : memref<10240x128xf32, #tpu.memory_space<hbm>> -> memref<10240x128xf32, #tpu.memory_space<hbm>>
      tpu.wait_indirect_dma semaphore(%arg12 : memref<!tpu.dma_semaphore, #tpu.memory_space<semaphore_mem>>) src(%dma_wait3A_45 : memref<10240x128xf32, #tpu.memory_space<hbm>>) dst(%arg9 : memref<128x128xf32, #tpu.memory_space<vmem>>)
      "tpu.region"() ({
        %run_scoped3A = tpu.sem_alloc : memref<!tpu.dma_semaphore, #tpu.memory_space<semaphore_mem>>
        %dma_start3A_54 = arith.constant 0 : i32
        %dma_start3A_55 = tpu.memref_slice %arg8[%mul3A_27, %dma_start3A_54] : memref<40x128xi32, #tpu.memory_space<vmem>> -> memref<1x128xi32, #tpu.memory_space<vmem>>
        %dma_start3A_56 = tpu.memref_squeeze %dma_start3A_55 : memref<1x128xi32, #tpu.memory_space<vmem>> -> memref<128xi32, #tpu.memory_space<vmem>>
        %dma_start3A_57 = arith.constant 0 : i32
        %dma_start3A_58 = arith.constant 0 : i32
        %dma_start3A_59 = tpu.memref_slice %arg11[%dma_start3A_57, %dma_start3A_58] : memref<10240x128xf32, #tpu.memory_space<vmem_shared>> -> memref<10240x128xf32, #tpu.memory_space<vmem_shared>>
        tpu.enqueue_indirect_dma source(%arg9 : memref<128x128xf32, #tpu.memory_space<vmem>>) target(%dma_start3A_59 : memref<10240x128xf32, #tpu.memory_space<vmem_shared>>) offsets(%dma_start3A_56 : memref<128xi32, #tpu.memory_space<vmem>>) semaphore(%run_scoped3A : memref<!tpu.dma_semaphore, #tpu.memory_space<semaphore_mem>>) {add = true}
        %dma_wait3A_60 = arith.constant 0 : i32
        %dma_wait3A_61 = tpu.memref_slice %arg8[%mul3A_27, %dma_wait3A_60] : memref<40x128xi32, #tpu.memory_space<vmem>> -> memref<1x128xi32, #tpu.memory_space<vmem>>
        %dma_wait3A_62 = tpu.memref_squeeze %dma_wait3A_61 : memref<1x128xi32, #tpu.memory_space<vmem>> -> memref<128xi32, #tpu.memory_space<vmem>>
        %dma_wait3A_63 = arith.constant 0 : i32
        %dma_wait3A_64 = arith.constant 0 : i32
        %dma_wait3A_65 = tpu.memref_slice %arg11[%dma_wait3A_63, %dma_wait3A_64] : memref<10240x128xf32, #tpu.memory_space<vmem_shared>> -> memref<10240x128xf32, #tpu.memory_space<vmem_shared>>
        tpu.wait_indirect_dma semaphore(%run_scoped3A : memref<!tpu.dma_semaphore, #tpu.memory_space<semaphore_mem>>) src(%arg9 : memref<128x128xf32, #tpu.memory_space<vmem>>) dst(%dma_wait3A_65 : memref<10240x128xf32, #tpu.memory_space<vmem_shared>>)
        tpu.yield
      }) : () -> ()
      %dma_wait3A_46 = arith.constant 0 : i32
      %dma_wait3A_47 = tpu.memref_slice %arg7[%add3A_34, %dma_wait3A_46] : memref<40x128xi32, #tpu.memory_space<vmem>> -> memref<1x128xi32, #tpu.memory_space<vmem>>
      %dma_wait3A_48 = tpu.memref_squeeze %dma_wait3A_47 : memref<1x128xi32, #tpu.memory_space<vmem>> -> memref<128xi32, #tpu.memory_space<vmem>>
      %dma_wait3A_49 = arith.constant 0 : i32
      %dma_wait3A_50 = arith.constant 0 : i32
      %dma_wait3A_51 = tpu.memref_slice %arg2[%dma_wait3A_49, %dma_wait3A_50] : memref<10240x128xf32, #tpu.memory_space<hbm>> -> memref<10240x128xf32, #tpu.memory_space<hbm>>
      tpu.wait_indirect_dma semaphore(%arg12 : memref<!tpu.dma_semaphore, #tpu.memory_space<semaphore_mem>>) src(%dma_wait3A_51 : memref<10240x128xf32, #tpu.memory_space<hbm>>) dst(%arg10 : memref<128x128xf32, #tpu.memory_space<vmem>>)
      %add3A_52 = arith.constant 1 : i32
      %add3A_53 = arith.addi %mul3A_27, %add3A_52 : i32
      "tpu.region"() ({
        %run_scoped3A = tpu.sem_alloc : memref<!tpu.dma_semaphore, #tpu.memory_space<semaphore_mem>>
        %dma_start3A_54 = arith.constant 0 : i32
        %dma_start3A_55 = tpu.memref_slice %arg8[%add3A_53, %dma_start3A_54] : memref<40x128xi32, #tpu.memory_space<vmem>> -> memref<1x128xi32, #tpu.memory_space<vmem>>
        %dma_start3A_56 = tpu.memref_squeeze %dma_start3A_55 : memref<1x128xi32, #tpu.memory_space<vmem>> -> memref<128xi32, #tpu.memory_space<vmem>>
        %dma_start3A_57 = arith.constant 0 : i32
        %dma_start3A_58 = arith.constant 0 : i32
        %dma_start3A_59 = tpu.memref_slice %arg11[%dma_start3A_57, %dma_start3A_58] : memref<10240x128xf32, #tpu.memory_space<vmem_shared>> -> memref<10240x128xf32, #tpu.memory_space<vmem_shared>>
        tpu.enqueue_indirect_dma source(%arg10 : memref<128x128xf32, #tpu.memory_space<vmem>>) target(%dma_start3A_59 : memref<10240x128xf32, #tpu.memory_space<vmem_shared>>) offsets(%dma_start3A_56 : memref<128xi32, #tpu.memory_space<vmem>>) semaphore(%run_scoped3A : memref<!tpu.dma_semaphore, #tpu.memory_space<semaphore_mem>>) {add = true}
        %dma_wait3A_60 = arith.constant 0 : i32
        %dma_wait3A_61 = tpu.memref_slice %arg8[%add3A_53, %dma_wait3A_60] : memref<40x128xi32, #tpu.memory_space<vmem>> -> memref<1x128xi32, #tpu.memory_space<vmem>>
        %dma_wait3A_62 = tpu.memref_squeeze %dma_wait3A_61 : memref<1x128xi32, #tpu.memory_space<vmem>> -> memref<128xi32, #tpu.memory_space<vmem>>
        %dma_wait3A_63 = arith.constant 0 : i32
        %dma_wait3A_64 = arith.constant 0 : i32
        %dma_wait3A_65 = tpu.memref_slice %arg11[%dma_wait3A_63, %dma_wait3A_64] : memref<10240x128xf32, #tpu.memory_space<vmem_shared>> -> memref<10240x128xf32, #tpu.memory_space<vmem_shared>>
        tpu.wait_indirect_dma semaphore(%run_scoped3A : memref<!tpu.dma_semaphore, #tpu.memory_space<semaphore_mem>>) src(%arg10 : memref<128x128xf32, #tpu.memory_space<vmem>>) dst(%dma_wait3A_65 : memref<10240x128xf32, #tpu.memory_space<vmem_shared>>)
        tpu.yield
      }) : () -> ()
    }
    %scan3A_17 = arith.constant 20 : i32
    "tpu.region"() ({
      %run_scoped3A = tpu.sem_alloc : memref<!tpu.dma_semaphore, #tpu.memory_space<semaphore_mem>>
      %dma_start3A = arith.constant 40 : i32
      %dma_start3A_25 = arith.constant 0 : i32
      %dma_start3A_26 = tpu.memref_slice %arg3[%add3A, %dma_start3A, %dma_start3A_25] : memref<32x80x128xi32, #tpu.memory_space<hbm>> -> memref<1x40x128xi32, #tpu.memory_space<hbm>>
      %dma_start3A_27 = tpu.memref_squeeze %dma_start3A_26 : memref<1x40x128xi32, #tpu.memory_space<hbm>> -> memref<40x128xi32, #tpu.memory_space<hbm>>
      %dma_start3A_28 = arith.constant 40 : i32
      %dma_start3A_29 = arith.constant 0 : i32
      %dma_start3A_30 = tpu.memref_slice %arg3[%add3A, %dma_start3A_28, %dma_start3A_29] : memref<32x80x128xi32, #tpu.memory_space<hbm>> -> memref<1x40x128xi32, #tpu.memory_space<hbm>>
      %dma_start3A_31 = tpu.memref_squeeze %dma_start3A_30 : memref<1x40x128xi32, #tpu.memory_space<hbm>> -> memref<40x128xi32, #tpu.memory_space<hbm>>
      tpu.enqueue_dma source(%dma_start3A_31 : memref<40x128xi32, #tpu.memory_space<hbm>>) target(%arg7 : memref<40x128xi32, #tpu.memory_space<vmem>>) target_semaphore(%run_scoped3A : memref<!tpu.dma_semaphore, #tpu.memory_space<semaphore_mem>>)
      %dma_wait3A = arith.constant 40 : i32
      %dma_wait3A_32 = arith.constant 0 : i32
      %dma_wait3A_33 = tpu.memref_slice %arg3[%add3A, %dma_wait3A, %dma_wait3A_32] : memref<32x80x128xi32, #tpu.memory_space<hbm>> -> memref<1x40x128xi32, #tpu.memory_space<hbm>>
      %dma_wait3A_34 = tpu.memref_squeeze %dma_wait3A_33 : memref<1x40x128xi32, #tpu.memory_space<hbm>> -> memref<40x128xi32, #tpu.memory_space<hbm>>
      %dma_wait3A_35 = arith.constant 40 : i32
      %dma_wait3A_36 = arith.constant 0 : i32
      %dma_wait3A_37 = tpu.memref_slice %arg3[%add3A, %dma_wait3A_35, %dma_wait3A_36] : memref<32x80x128xi32, #tpu.memory_space<hbm>> -> memref<1x40x128xi32, #tpu.memory_space<hbm>>
      %dma_wait3A_38 = tpu.memref_squeeze %dma_wait3A_37 : memref<1x40x128xi32, #tpu.memory_space<hbm>> -> memref<40x128xi32, #tpu.memory_space<hbm>>
      tpu.wait_dma2 semaphore(%run_scoped3A : memref<!tpu.dma_semaphore, #tpu.memory_space<semaphore_mem>>) src(%dma_wait3A_38 : memref<40x128xi32, #tpu.memory_space<hbm>>) dst(%arg7 : memref<40x128xi32, #tpu.memory_space<vmem>>)
      tpu.yield
    }) : () -> ()
    "tpu.region"() ({
      %run_scoped3A = tpu.sem_alloc : memref<!tpu.dma_semaphore, #tpu.memory_space<semaphore_mem>>
      %dma_start3A = arith.constant 40 : i32
      %dma_start3A_25 = arith.constant 0 : i32
      %dma_start3A_26 = tpu.memref_slice %arg4[%add3A, %dma_start3A, %dma_start3A_25] : memref<32x80x128xi32, #tpu.memory_space<hbm>> -> memref<1x40x128xi32, #tpu.memory_space<hbm>>
      %dma_start3A_27 = tpu.memref_squeeze %dma_start3A_26 : memref<1x40x128xi32, #tpu.memory_space<hbm>> -> memref<40x128xi32, #tpu.memory_space<hbm>>
      %dma_start3A_28 = arith.constant 40 : i32
      %dma_start3A_29 = arith.constant 0 : i32
      %dma_start3A_30 = tpu.memref_slice %arg4[%add3A, %dma_start3A_28, %dma_start3A_29] : memref<32x80x128xi32, #tpu.memory_space<hbm>> -> memref<1x40x128xi32, #tpu.memory_space<hbm>>
      %dma_start3A_31 = tpu.memref_squeeze %dma_start3A_30 : memref<1x40x128xi32, #tpu.memory_space<hbm>> -> memref<40x128xi32, #tpu.memory_space<hbm>>
      tpu.enqueue_dma source(%dma_start3A_31 : memref<40x128xi32, #tpu.memory_space<hbm>>) target(%arg8 : memref<40x128xi32, #tpu.memory_space<vmem>>) target_semaphore(%run_scoped3A : memref<!tpu.dma_semaphore, #tpu.memory_space<semaphore_mem>>)
      %dma_wait3A = arith.constant 40 : i32
      %dma_wait3A_32 = arith.constant 0 : i32
      %dma_wait3A_33 = tpu.memref_slice %arg4[%add3A, %dma_wait3A, %dma_wait3A_32] : memref<32x80x128xi32, #tpu.memory_space<hbm>> -> memref<1x40x128xi32, #tpu.memory_space<hbm>>
      %dma_wait3A_34 = tpu.memref_squeeze %dma_wait3A_33 : memref<1x40x128xi32, #tpu.memory_space<hbm>> -> memref<40x128xi32, #tpu.memory_space<hbm>>
      %dma_wait3A_35 = arith.constant 40 : i32
      %dma_wait3A_36 = arith.constant 0 : i32
      %dma_wait3A_37 = tpu.memref_slice %arg4[%add3A, %dma_wait3A_35, %dma_wait3A_36] : memref<32x80x128xi32, #tpu.memory_space<hbm>> -> memref<1x40x128xi32, #tpu.memory_space<hbm>>
      %dma_wait3A_38 = tpu.memref_squeeze %dma_wait3A_37 : memref<1x40x128xi32, #tpu.memory_space<hbm>> -> memref<40x128xi32, #tpu.memory_space<hbm>>
      tpu.wait_dma2 semaphore(%run_scoped3A : memref<!tpu.dma_semaphore, #tpu.memory_space<semaphore_mem>>) src(%dma_wait3A_38 : memref<40x128xi32, #tpu.memory_space<hbm>>) dst(%arg8 : memref<40x128xi32, #tpu.memory_space<vmem>>)
      tpu.yield
    }) : () -> ()
    %scan3A_18 = arith.constant 0 : i32
    %scan3A_19 = arith.constant 0 : i32
    %scan3A_20 = arith.constant 20 : i32
    %scan3A_21 = arith.addi %scan3A_19, %scan3A_20 : i32
    %scan3A_22 = arith.constant 1 : i32
    scf.for %scan3A_25 = %scan3A_19 to %scan3A_21 step %scan3A_22  : i32 {
      %mul3A_26 = arith.constant 2 : i32
      %mul3A_27 = arith.muli %mul3A_26, %scan3A_25 : i32
      %dma_start3A = arith.constant 0 : i32
      %dma_start3A_28 = tpu.memref_slice %arg7[%mul3A_27, %dma_start3A] : memref<40x128xi32, #tpu.memory_space<vmem>> -> memref<1x128xi32, #tpu.memory_space<vmem>>
      %dma_start3A_29 = tpu.memref_squeeze %dma_start3A_28 : memref<1x128xi32, #tpu.memory_space<vmem>> -> memref<128xi32, #tpu.memory_space<vmem>>
      %dma_start3A_30 = arith.constant 0 : i32
      %dma_start3A_31 = arith.constant 0 : i32
      %dma_start3A_32 = tpu.memref_slice %arg2[%dma_start3A_30, %dma_start3A_31] : memref<10240x128xf32, #tpu.memory_space<hbm>> -> memref<10240x128xf32, #tpu.memory_space<hbm>>
      tpu.enqueue_indirect_dma source(%dma_start3A_32 : memref<10240x128xf32, #tpu.memory_space<hbm>>) target(%arg9 : memref<128x128xf32, #tpu.memory_space<vmem>>) offsets(%dma_start3A_29 : memref<128xi32, #tpu.memory_space<vmem>>) semaphore(%arg12 : memref<!tpu.dma_semaphore, #tpu.memory_space<semaphore_mem>>)
      %add3A_33 = arith.constant 1 : i32
      %add3A_34 = arith.addi %mul3A_27, %add3A_33 : i32
      %dma_start3A_35 = arith.constant 0 : i32
      %dma_start3A_36 = tpu.memref_slice %arg7[%add3A_34, %dma_start3A_35] : memref<40x128xi32, #tpu.memory_space<vmem>> -> memref<1x128xi32, #tpu.memory_space<vmem>>
      %dma_start3A_37 = tpu.memref_squeeze %dma_start3A_36 : memref<1x128xi32, #tpu.memory_space<vmem>> -> memref<128xi32, #tpu.memory_space<vmem>>
      %dma_start3A_38 = arith.constant 0 : i32
      %dma_start3A_39 = arith.constant 0 : i32
      %dma_start3A_40 = tpu.memref_slice %arg2[%dma_start3A_38, %dma_start3A_39] : memref<10240x128xf32, #tpu.memory_space<hbm>> -> memref<10240x128xf32, #tpu.memory_space<hbm>>
      tpu.enqueue_indirect_dma source(%dma_start3A_40 : memref<10240x128xf32, #tpu.memory_space<hbm>>) target(%arg10 : memref<128x128xf32, #tpu.memory_space<vmem>>) offsets(%dma_start3A_37 : memref<128xi32, #tpu.memory_space<vmem>>) semaphore(%arg12 : memref<!tpu.dma_semaphore, #tpu.memory_space<semaphore_mem>>)
      %dma_wait3A = arith.constant 0 : i32
      %dma_wait3A_41 = tpu.memref_slice %arg7[%mul3A_27, %dma_wait3A] : memref<40x128xi32, #tpu.memory_space<vmem>> -> memref<1x128xi32, #tpu.memory_space<vmem>>
      %dma_wait3A_42 = tpu.memref_squeeze %dma_wait3A_41 : memref<1x128xi32, #tpu.memory_space<vmem>> -> memref<128xi32, #tpu.memory_space<vmem>>
      %dma_wait3A_43 = arith.constant 0 : i32
      %dma_wait3A_44 = arith.constant 0 : i32
      %dma_wait3A_45 = tpu.memref_slice %arg2[%dma_wait3A_43, %dma_wait3A_44] : memref<10240x128xf32, #tpu.memory_space<hbm>> -> memref<10240x128xf32, #tpu.memory_space<hbm>>
      tpu.wait_indirect_dma semaphore(%arg12 : memref<!tpu.dma_semaphore, #tpu.memory_space<semaphore_mem>>) src(%dma_wait3A_45 : memref<10240x128xf32, #tpu.memory_space<hbm>>) dst(%arg9 : memref<128x128xf32, #tpu.memory_space<vmem>>)
      "tpu.region"() ({
        %run_scoped3A = tpu.sem_alloc : memref<!tpu.dma_semaphore, #tpu.memory_space<semaphore_mem>>
        %dma_start3A_54 = arith.constant 0 : i32
        %dma_start3A_55 = tpu.memref_slice %arg8[%mul3A_27, %dma_start3A_54] : memref<40x128xi32, #tpu.memory_space<vmem>> -> memref<1x128xi32, #tpu.memory_space<vmem>>
        %dma_start3A_56 = tpu.memref_squeeze %dma_start3A_55 : memref<1x128xi32, #tpu.memory_space<vmem>> -> memref<128xi32, #tpu.memory_space<vmem>>
        %dma_start3A_57 = arith.constant 0 : i32
        %dma_start3A_58 = arith.constant 0 : i32
        %dma_start3A_59 = tpu.memref_slice %arg11[%dma_start3A_57, %dma_start3A_58] : memref<10240x128xf32, #tpu.memory_space<vmem_shared>> -> memref<10240x128xf32, #tpu.memory_space<vmem_shared>>
        tpu.enqueue_indirect_dma source(%arg9 : memref<128x128xf32, #tpu.memory_space<vmem>>) target(%dma_start3A_59 : memref<10240x128xf32, #tpu.memory_space<vmem_shared>>) offsets(%dma_start3A_56 : memref<128xi32, #tpu.memory_space<vmem>>) semaphore(%run_scoped3A : memref<!tpu.dma_semaphore, #tpu.memory_space<semaphore_mem>>) {add = true}
        %dma_wait3A_60 = arith.constant 0 : i32
        %dma_wait3A_61 = tpu.memref_slice %arg8[%mul3A_27, %dma_wait3A_60] : memref<40x128xi32, #tpu.memory_space<vmem>> -> memref<1x128xi32, #tpu.memory_space<vmem>>
        %dma_wait3A_62 = tpu.memref_squeeze %dma_wait3A_61 : memref<1x128xi32, #tpu.memory_space<vmem>> -> memref<128xi32, #tpu.memory_space<vmem>>
        %dma_wait3A_63 = arith.constant 0 : i32
        %dma_wait3A_64 = arith.constant 0 : i32
        %dma_wait3A_65 = tpu.memref_slice %arg11[%dma_wait3A_63, %dma_wait3A_64] : memref<10240x128xf32, #tpu.memory_space<vmem_shared>> -> memref<10240x128xf32, #tpu.memory_space<vmem_shared>>
        tpu.wait_indirect_dma semaphore(%run_scoped3A : memref<!tpu.dma_semaphore, #tpu.memory_space<semaphore_mem>>) src(%arg9 : memref<128x128xf32, #tpu.memory_space<vmem>>) dst(%dma_wait3A_65 : memref<10240x128xf32, #tpu.memory_space<vmem_shared>>)
        tpu.yield
      }) : () -> ()
      %dma_wait3A_46 = arith.constant 0 : i32
      %dma_wait3A_47 = tpu.memref_slice %arg7[%add3A_34, %dma_wait3A_46] : memref<40x128xi32, #tpu.memory_space<vmem>> -> memref<1x128xi32, #tpu.memory_space<vmem>>
      %dma_wait3A_48 = tpu.memref_squeeze %dma_wait3A_47 : memref<1x128xi32, #tpu.memory_space<vmem>> -> memref<128xi32, #tpu.memory_space<vmem>>
      %dma_wait3A_49 = arith.constant 0 : i32
      %dma_wait3A_50 = arith.constant 0 : i32
      %dma_wait3A_51 = tpu.memref_slice %arg2[%dma_wait3A_49, %dma_wait3A_50] : memref<10240x128xf32, #tpu.memory_space<hbm>> -> memref<10240x128xf32, #tpu.memory_space<hbm>>
      tpu.wait_indirect_dma semaphore(%arg12 : memref<!tpu.dma_semaphore, #tpu.memory_space<semaphore_mem>>) src(%dma_wait3A_51 : memref<10240x128xf32, #tpu.memory_space<hbm>>) dst(%arg10 : memref<128x128xf32, #tpu.memory_space<vmem>>)
      %add3A_52 = arith.constant 1 : i32
      %add3A_53 = arith.addi %mul3A_27, %add3A_52 : i32
      "tpu.region"() ({
        %run_scoped3A = tpu.sem_alloc : memref<!tpu.dma_semaphore, #tpu.memory_space<semaphore_mem>>
        %dma_start3A_54 = arith.constant 0 : i32
        %dma_start3A_55 = tpu.memref_slice %arg8[%add3A_53, %dma_start3A_54] : memref<40x128xi32, #tpu.memory_space<vmem>> -> memref<1x128xi32, #tpu.memory_space<vmem>>
        %dma_start3A_56 = tpu.memref_squeeze %dma_start3A_55 : memref<1x128xi32, #tpu.memory_space<vmem>> -> memref<128xi32, #tpu.memory_space<vmem>>
        %dma_start3A_57 = arith.constant 0 : i32
        %dma_start3A_58 = arith.constant 0 : i32
        %dma_start3A_59 = tpu.memref_slice %arg11[%dma_start3A_57, %dma_start3A_58] : memref<10240x128xf32, #tpu.memory_space<vmem_shared>> -> memref<10240x128xf32, #tpu.memory_space<vmem_shared>>
        tpu.enqueue_indirect_dma source(%arg10 : memref<128x128xf32, #tpu.memory_space<vmem>>) target(%dma_start3A_59 : memref<10240x128xf32, #tpu.memory_space<vmem_shared>>) offsets(%dma_start3A_56 : memref<128xi32, #tpu.memory_space<vmem>>) semaphore(%run_scoped3A : memref<!tpu.dma_semaphore, #tpu.memory_space<semaphore_mem>>) {add = true}
        %dma_wait3A_60 = arith.constant 0 : i32
        %dma_wait3A_61 = tpu.memref_slice %arg8[%add3A_53, %dma_wait3A_60] : memref<40x128xi32, #tpu.memory_space<vmem>> -> memref<1x128xi32, #tpu.memory_space<vmem>>
        %dma_wait3A_62 = tpu.memref_squeeze %dma_wait3A_61 : memref<1x128xi32, #tpu.memory_space<vmem>> -> memref<128xi32, #tpu.memory_space<vmem>>
        %dma_wait3A_63 = arith.constant 0 : i32
        %dma_wait3A_64 = arith.constant 0 : i32
        %dma_wait3A_65 = tpu.memref_slice %arg11[%dma_wait3A_63, %dma_wait3A_64] : memref<10240x128xf32, #tpu.memory_space<vmem_shared>> -> memref<10240x128xf32, #tpu.memory_space<vmem_shared>>
        tpu.wait_indirect_dma semaphore(%run_scoped3A : memref<!tpu.dma_semaphore, #tpu.memory_space<semaphore_mem>>) src(%arg10 : memref<128x128xf32, #tpu.memory_space<vmem>>) dst(%dma_wait3A_65 : memref<10240x128xf32, #tpu.memory_space<vmem_shared>>)
        tpu.yield
      }) : () -> ()
    }
    %scan3A_23 = arith.constant 20 : i32
    %barrier3A_24 = arith.constant 0 : index
    tpu.barrier barrier_id(%barrier3A_24)
    "tpu.region"() ({
      %run_scoped3A = tpu.sem_alloc : memref<!tpu.dma_semaphore, #tpu.memory_space<semaphore_mem>>
      %dma_start3A = arith.constant 0 : i32
      %dma_start3A_25 = tpu.memref_slice %arg6[%arg0, %mul3A_2, %dma_start3A] : memref<2x10240x128xf32, #tpu.memory_space<hbm>> -> memref<1x640x128xf32, #tpu.memory_space<hbm>>
      %dma_start3A_26 = tpu.memref_squeeze %dma_start3A_25 : memref<1x640x128xf32, #tpu.memory_space<hbm>> -> memref<640x128xf32, #tpu.memory_space<hbm>>
      %dma_start3A_27 = arith.constant 0 : i32
      %dma_start3A_28 = tpu.memref_slice %arg11[%mul3A_2, %dma_start3A_27] : memref<10240x128xf32, #tpu.memory_space<vmem_shared>> -> memref<640x128xf32, #tpu.memory_space<vmem_shared>>
      tpu.enqueue_dma source(%dma_start3A_28 : memref<640x128xf32, #tpu.memory_space<vmem_shared>>) target(%dma_start3A_26 : memref<640x128xf32, #tpu.memory_space<hbm>>) target_semaphore(%run_scoped3A : memref<!tpu.dma_semaphore, #tpu.memory_space<semaphore_mem>>)
      %dma_wait3A = arith.constant 0 : i32
      %dma_wait3A_29 = tpu.memref_slice %arg6[%arg0, %mul3A_2, %dma_wait3A] : memref<2x10240x128xf32, #tpu.memory_space<hbm>> -> memref<1x640x128xf32, #tpu.memory_space<hbm>>
      %dma_wait3A_30 = tpu.memref_squeeze %dma_wait3A_29 : memref<1x640x128xf32, #tpu.memory_space<hbm>> -> memref<640x128xf32, #tpu.memory_space<hbm>>
      %dma_wait3A_31 = arith.constant 0 : i32
      %dma_wait3A_32 = tpu.memref_slice %arg11[%mul3A_2, %dma_wait3A_31] : memref<10240x128xf32, #tpu.memory_space<vmem_shared>> -> memref<640x128xf32, #tpu.memory_space<vmem_shared>>
      tpu.wait_dma2 semaphore(%run_scoped3A : memref<!tpu.dma_semaphore, #tpu.memory_space<semaphore_mem>>) src(%dma_wait3A_32 : memref<640x128xf32, #tpu.memory_space<vmem_shared>>) dst(%dma_wait3A_30 : memref<640x128xf32, #tpu.memory_space<hbm>>)
      tpu.yield
    }) : () -> ()
    return
  }
}

#map = affine_map<(d0, d1) -> (0, 0)>
#map1 = affine_map<(d0, d1) -> (0, 0, 0)>
module attributes {stable_mosaic.version = 14 : i64} {
  func.func @_sc_scatter(%arg0: i32, %arg1: i32, %arg2: memref<10240x128xf32, #tpu.memory_space<hbm>>, %arg3: memref<32x80x128xi32, #tpu.memory_space<hbm>>, %arg4: memref<32x80x128xi32, #tpu.memory_space<hbm>>, %arg5: memref<128x128xf32, #tpu.memory_space<hbm>>, %arg6: memref<2x10240x128xf32, #tpu.memory_space<hbm>>, %arg7: memref<40x128xi32, #tpu.memory_space<vmem>>, %arg8: memref<40x128xi32, #tpu.memory_space<vmem>>, %arg9: memref<128x128xf32, #tpu.memory_space<vmem>>, %arg10: memref<128x128xf32, #tpu.memory_space<vmem>>, %arg11: memref<10240x128xf32, #tpu.memory_space<vmem_shared>>, %arg12: memref<!tpu.dma_semaphore, #tpu.memory_space<semaphore_mem>>) attributes {dimension_semantics = [#tpu.dimension_semantics<core_parallel>, #tpu.dimension_semantics<subcore_parallel>], iteration_bounds = array<i64: 2, 16>, scalar_prefetch = 0 : i64, scratch_operands = 6 : i64, tpu.core_type = #tpu.core_type<sc_vector_subcore>, window_params = [{transform_indices = #map}, {transform_indices = #map1}, {transform_indices = #map1}, {transform_indices = #map}, {transform_indices = #map1}]} {
    %mul3A = arith.constant 2 : i32
    %mul3A_0 = arith.muli %arg1, %mul3A : i32
    %add3A = arith.addi %mul3A_0, %arg0 : i32
    %mul3A_1 = arith.constant 640 : i32
    %mul3A_2 = arith.muli %arg1, %mul3A_1 : i32
    %add3A_3 = arith.constant 0 : i32
    %add3A_4 = arith.addi %mul3A_2, %add3A_3 : i32
    "tpu.region"() ({
      %run_scoped3A = tpu.sem_alloc : memref<!tpu.dma_semaphore, #tpu.memory_space<semaphore_mem>>
      %dma_start3A = arith.constant 0 : i32
      %dma_start3A_25 = tpu.memref_slice %arg11[%add3A_4, %dma_start3A] : memref<10240x128xf32, #tpu.memory_space<vmem_shared>> -> memref<128x128xf32, #tpu.memory_space<vmem_shared>>
      tpu.enqueue_dma source(%arg5 : memref<128x128xf32, #tpu.memory_space<hbm>>) target(%dma_start3A_25 : memref<128x128xf32, #tpu.memory_space<vmem_shared>>) target_semaphore(%run_scoped3A : memref<!tpu.dma_semaphore, #tpu.memory_space<semaphore_mem>>)
      %dma_wait3A = arith.constant 0 : i32
      %dma_wait3A_26 = tpu.memref_slice %arg11[%add3A_4, %dma_wait3A] : memref<10240x128xf32, #tpu.memory_space<vmem_shared>> -> memref<128x128xf32, #tpu.memory_space<vmem_shared>>
      tpu.wait_dma2 semaphore(%run_scoped3A : memref<!tpu.dma_semaphore, #tpu.memory_space<semaphore_mem>>) src(%arg5 : memref<128x128xf32, #tpu.memory_space<hbm>>) dst(%dma_wait3A_26 : memref<128x128xf32, #tpu.memory_space<vmem_shared>>)
      tpu.yield
    }) : () -> ()
    %add3A_5 = arith.constant 128 : i32
    %add3A_6 = arith.addi %mul3A_2, %add3A_5 : i32
    "tpu.region"() ({
      %run_scoped3A = tpu.sem_alloc : memref<!tpu.dma_semaphore, #tpu.memory_space<semaphore_mem>>
      %dma_start3A = arith.constant 0 : i32
      %dma_start3A_25 = tpu.memref_slice %arg11[%add3A_6, %dma_start3A] : memref<10240x128xf32, #tpu.memory_space<vmem_shared>> -> memref<128x128xf32, #tpu.memory_space<vmem_shared>>
      tpu.enqueue_dma source(%arg5 : memref<128x128xf32, #tpu.memory_space<hbm>>) target(%dma_start3A_25 : memref<128x128xf32, #tpu.memory_space<vmem_shared>>) target_semaphore(%run_scoped3A : memref<!tpu.dma_semaphore, #tpu.memory_space<semaphore_mem>>)
      %dma_wait3A = arith.constant 0 : i32
      %dma_wait3A_26 = tpu.memref_slice %arg11[%add3A_6, %dma_wait3A] : memref<10240x128xf32, #tpu.memory_space<vmem_shared>> -> memref<128x128xf32, #tpu.memory_space<vmem_shared>>
      tpu.wait_dma2 semaphore(%run_scoped3A : memref<!tpu.dma_semaphore, #tpu.memory_space<semaphore_mem>>) src(%arg5 : memref<128x128xf32, #tpu.memory_space<hbm>>) dst(%dma_wait3A_26 : memref<128x128xf32, #tpu.memory_space<vmem_shared>>)
      tpu.yield
    }) : () -> ()
    %add3A_7 = arith.constant 256 : i32
    %add3A_8 = arith.addi %mul3A_2, %add3A_7 : i32
    "tpu.region"() ({
      %run_scoped3A = tpu.sem_alloc : memref<!tpu.dma_semaphore, #tpu.memory_space<semaphore_mem>>
      %dma_start3A = arith.constant 0 : i32
      %dma_start3A_25 = tpu.memref_slice %arg11[%add3A_8, %dma_start3A] : memref<10240x128xf32, #tpu.memory_space<vmem_shared>> -> memref<128x128xf32, #tpu.memory_space<vmem_shared>>
      tpu.enqueue_dma source(%arg5 : memref<128x128xf32, #tpu.memory_space<hbm>>) target(%dma_start3A_25 : memref<128x128xf32, #tpu.memory_space<vmem_shared>>) target_semaphore(%run_scoped3A : memref<!tpu.dma_semaphore, #tpu.memory_space<semaphore_mem>>)
      %dma_wait3A = arith.constant 0 : i32
      %dma_wait3A_26 = tpu.memref_slice %arg11[%add3A_8, %dma_wait3A] : memref<10240x128xf32, #tpu.memory_space<vmem_shared>> -> memref<128x128xf32, #tpu.memory_space<vmem_shared>>
      tpu.wait_dma2 semaphore(%run_scoped3A : memref<!tpu.dma_semaphore, #tpu.memory_space<semaphore_mem>>) src(%arg5 : memref<128x128xf32, #tpu.memory_space<hbm>>) dst(%dma_wait3A_26 : memref<128x128xf32, #tpu.memory_space<vmem_shared>>)
      tpu.yield
    }) : () -> ()
    %add3A_9 = arith.constant 384 : i32
    %add3A_10 = arith.addi %mul3A_2, %add3A_9 : i32
    "tpu.region"() ({
      %run_scoped3A = tpu.sem_alloc : memref<!tpu.dma_semaphore, #tpu.memory_space<semaphore_mem>>
      %dma_start3A = arith.constant 0 : i32
      %dma_start3A_25 = tpu.memref_slice %arg11[%add3A_10, %dma_start3A] : memref<10240x128xf32, #tpu.memory_space<vmem_shared>> -> memref<128x128xf32, #tpu.memory_space<vmem_shared>>
      tpu.enqueue_dma source(%arg5 : memref<128x128xf32, #tpu.memory_space<hbm>>) target(%dma_start3A_25 : memref<128x128xf32, #tpu.memory_space<vmem_shared>>) target_semaphore(%run_scoped3A : memref<!tpu.dma_semaphore, #tpu.memory_space<semaphore_mem>>)
      %dma_wait3A = arith.constant 0 : i32
      %dma_wait3A_26 = tpu.memref_slice %arg11[%add3A_10, %dma_wait3A] : memref<10240x128xf32, #tpu.memory_space<vmem_shared>> -> memref<128x128xf32, #tpu.memory_space<vmem_shared>>
      tpu.wait_dma2 semaphore(%run_scoped3A : memref<!tpu.dma_semaphore, #tpu.memory_space<semaphore_mem>>) src(%arg5 : memref<128x128xf32, #tpu.memory_space<hbm>>) dst(%dma_wait3A_26 : memref<128x128xf32, #tpu.memory_space<vmem_shared>>)
      tpu.yield
    }) : () -> ()
    %add3A_11 = arith.constant 512 : i32
    %add3A_12 = arith.addi %mul3A_2, %add3A_11 : i32
    "tpu.region"() ({
      %run_scoped3A = tpu.sem_alloc : memref<!tpu.dma_semaphore, #tpu.memory_space<semaphore_mem>>
      %dma_start3A = arith.constant 0 : i32
      %dma_start3A_25 = tpu.memref_slice %arg11[%add3A_12, %dma_start3A] : memref<10240x128xf32, #tpu.memory_space<vmem_shared>> -> memref<128x128xf32, #tpu.memory_space<vmem_shared>>
      tpu.enqueue_dma source(%arg5 : memref<128x128xf32, #tpu.memory_space<hbm>>) target(%dma_start3A_25 : memref<128x128xf32, #tpu.memory_space<vmem_shared>>) target_semaphore(%run_scoped3A : memref<!tpu.dma_semaphore, #tpu.memory_space<semaphore_mem>>)
      %dma_wait3A = arith.constant 0 : i32
      %dma_wait3A_26 = tpu.memref_slice %arg11[%add3A_12, %dma_wait3A] : memref<10240x128xf32, #tpu.memory_space<vmem_shared>> -> memref<128x128xf32, #tpu.memory_space<vmem_shared>>
      tpu.wait_dma2 semaphore(%run_scoped3A : memref<!tpu.dma_semaphore, #tpu.memory_space<semaphore_mem>>) src(%arg5 : memref<128x128xf32, #tpu.memory_space<hbm>>) dst(%dma_wait3A_26 : memref<128x128xf32, #tpu.memory_space<vmem_shared>>)
      tpu.yield
    }) : () -> ()
    %barrier3A = arith.constant 0 : index
    tpu.barrier barrier_id(%barrier3A)
    "tpu.region"() ({
      %run_scoped3A = tpu.sem_alloc : memref<!tpu.dma_semaphore, #tpu.memory_space<semaphore_mem>>
      %dma_start3A = arith.constant 0 : i32
      %dma_start3A_25 = arith.constant 0 : i32
      %dma_start3A_26 = tpu.memref_slice %arg3[%add3A, %dma_start3A, %dma_start3A_25] : memref<32x80x128xi32, #tpu.memory_space<hbm>> -> memref<1x40x128xi32, #tpu.memory_space<hbm>>
      %dma_start3A_27 = tpu.memref_squeeze %dma_start3A_26 : memref<1x40x128xi32, #tpu.memory_space<hbm>> -> memref<40x128xi32, #tpu.memory_space<hbm>>
      %dma_start3A_28 = arith.constant 0 : i32
      %dma_start3A_29 = arith.constant 0 : i32
      %dma_start3A_30 = tpu.memref_slice %arg3[%add3A, %dma_start3A_28, %dma_start3A_29] : memref<32x80x128xi32, #tpu.memory_space<hbm>> -> memref<1x40x128xi32, #tpu.memory_space<hbm>>
      %dma_start3A_31 = tpu.memref_squeeze %dma_start3A_30 : memref<1x40x128xi32, #tpu.memory_space<hbm>> -> memref<40x128xi32, #tpu.memory_space<hbm>>
      tpu.enqueue_dma source(%dma_start3A_31 : memref<40x128xi32, #tpu.memory_space<hbm>>) target(%arg7 : memref<40x128xi32, #tpu.memory_space<vmem>>) target_semaphore(%run_scoped3A : memref<!tpu.dma_semaphore, #tpu.memory_space<semaphore_mem>>)
      %dma_wait3A = arith.constant 0 : i32
      %dma_wait3A_32 = arith.constant 0 : i32
      %dma_wait3A_33 = tpu.memref_slice %arg3[%add3A, %dma_wait3A, %dma_wait3A_32] : memref<32x80x128xi32, #tpu.memory_space<hbm>> -> memref<1x40x128xi32, #tpu.memory_space<hbm>>
      %dma_wait3A_34 = tpu.memref_squeeze %dma_wait3A_33 : memref<1x40x128xi32, #tpu.memory_space<hbm>> -> memref<40x128xi32, #tpu.memory_space<hbm>>
      %dma_wait3A_35 = arith.constant 0 : i32
      %dma_wait3A_36 = arith.constant 0 : i32
      %dma_wait3A_37 = tpu.memref_slice %arg3[%add3A, %dma_wait3A_35, %dma_wait3A_36] : memref<32x80x128xi32, #tpu.memory_space<hbm>> -> memref<1x40x128xi32, #tpu.memory_space<hbm>>
      %dma_wait3A_38 = tpu.memref_squeeze %dma_wait3A_37 : memref<1x40x128xi32, #tpu.memory_space<hbm>> -> memref<40x128xi32, #tpu.memory_space<hbm>>
      tpu.wait_dma2 semaphore(%run_scoped3A : memref<!tpu.dma_semaphore, #tpu.memory_space<semaphore_mem>>) src(%dma_wait3A_38 : memref<40x128xi32, #tpu.memory_space<hbm>>) dst(%arg7 : memref<40x128xi32, #tpu.memory_space<vmem>>)
      tpu.yield
    }) : () -> ()
    "tpu.region"() ({
      %run_scoped3A = tpu.sem_alloc : memref<!tpu.dma_semaphore, #tpu.memory_space<semaphore_mem>>
      %dma_start3A = arith.constant 0 : i32
      %dma_start3A_25 = arith.constant 0 : i32
      %dma_start3A_26 = tpu.memref_slice %arg4[%add3A, %dma_start3A, %dma_start3A_25] : memref<32x80x128xi32, #tpu.memory_space<hbm>> -> memref<1x40x128xi32, #tpu.memory_space<hbm>>
      %dma_start3A_27 = tpu.memref_squeeze %dma_start3A_26 : memref<1x40x128xi32, #tpu.memory_space<hbm>> -> memref<40x128xi32, #tpu.memory_space<hbm>>
      %dma_start3A_28 = arith.constant 0 : i32
      %dma_start3A_29 = arith.constant 0 : i32
      %dma_start3A_30 = tpu.memref_slice %arg4[%add3A, %dma_start3A_28, %dma_start3A_29] : memref<32x80x128xi32, #tpu.memory_space<hbm>> -> memref<1x40x128xi32, #tpu.memory_space<hbm>>
      %dma_start3A_31 = tpu.memref_squeeze %dma_start3A_30 : memref<1x40x128xi32, #tpu.memory_space<hbm>> -> memref<40x128xi32, #tpu.memory_space<hbm>>
      tpu.enqueue_dma source(%dma_start3A_31 : memref<40x128xi32, #tpu.memory_space<hbm>>) target(%arg8 : memref<40x128xi32, #tpu.memory_space<vmem>>) target_semaphore(%run_scoped3A : memref<!tpu.dma_semaphore, #tpu.memory_space<semaphore_mem>>)
      %dma_wait3A = arith.constant 0 : i32
      %dma_wait3A_32 = arith.constant 0 : i32
      %dma_wait3A_33 = tpu.memref_slice %arg4[%add3A, %dma_wait3A, %dma_wait3A_32] : memref<32x80x128xi32, #tpu.memory_space<hbm>> -> memref<1x40x128xi32, #tpu.memory_space<hbm>>
      %dma_wait3A_34 = tpu.memref_squeeze %dma_wait3A_33 : memref<1x40x128xi32, #tpu.memory_space<hbm>> -> memref<40x128xi32, #tpu.memory_space<hbm>>
      %dma_wait3A_35 = arith.constant 0 : i32
      %dma_wait3A_36 = arith.constant 0 : i32
      %dma_wait3A_37 = tpu.memref_slice %arg4[%add3A, %dma_wait3A_35, %dma_wait3A_36] : memref<32x80x128xi32, #tpu.memory_space<hbm>> -> memref<1x40x128xi32, #tpu.memory_space<hbm>>
      %dma_wait3A_38 = tpu.memref_squeeze %dma_wait3A_37 : memref<1x40x128xi32, #tpu.memory_space<hbm>> -> memref<40x128xi32, #tpu.memory_space<hbm>>
      tpu.wait_dma2 semaphore(%run_scoped3A : memref<!tpu.dma_semaphore, #tpu.memory_space<semaphore_mem>>) src(%dma_wait3A_38 : memref<40x128xi32, #tpu.memory_space<hbm>>) dst(%arg8 : memref<40x128xi32, #tpu.memory_space<vmem>>)
      tpu.yield
    }) : () -> ()
    %scan3A = arith.constant 0 : i32
    %scan3A_13 = arith.constant 0 : i32
    %scan3A_14 = arith.constant 20 : i32
    %scan3A_15 = arith.addi %scan3A_13, %scan3A_14 : i32
    %scan3A_16 = arith.constant 1 : i32
    scf.for %scan3A_25 = %scan3A_13 to %scan3A_15 step %scan3A_16  : i32 {
      %mul3A_26 = arith.constant 2 : i32
      %mul3A_27 = arith.muli %mul3A_26, %scan3A_25 : i32
      %dma_start3A = arith.constant 0 : i32
      %dma_start3A_28 = tpu.memref_slice %arg7[%mul3A_27, %dma_start3A] : memref<40x128xi32, #tpu.memory_space<vmem>> -> memref<1x128xi32, #tpu.memory_space<vmem>>
      %dma_start3A_29 = tpu.memref_squeeze %dma_start3A_28 : memref<1x128xi32, #tpu.memory_space<vmem>> -> memref<128xi32, #tpu.memory_space<vmem>>
      %dma_start3A_30 = arith.constant 0 : i32
      %dma_start3A_31 = arith.constant 0 : i32
      %dma_start3A_32 = tpu.memref_slice %arg2[%dma_start3A_30, %dma_start3A_31] : memref<10240x128xf32, #tpu.memory_space<hbm>> -> memref<10240x128xf32, #tpu.memory_space<hbm>>
      tpu.enqueue_indirect_dma source(%dma_start3A_32 : memref<10240x128xf32, #tpu.memory_space<hbm>>) target(%arg9 : memref<128x128xf32, #tpu.memory_space<vmem>>) offsets(%dma_start3A_29 : memref<128xi32, #tpu.memory_space<vmem>>) semaphore(%arg12 : memref<!tpu.dma_semaphore, #tpu.memory_space<semaphore_mem>>)
      %add3A_33 = arith.constant 1 : i32
      %add3A_34 = arith.addi %mul3A_27, %add3A_33 : i32
      %dma_start3A_35 = arith.constant 0 : i32
      %dma_start3A_36 = tpu.memref_slice %arg7[%add3A_34, %dma_start3A_35] : memref<40x128xi32, #tpu.memory_space<vmem>> -> memref<1x128xi32, #tpu.memory_space<vmem>>
      %dma_start3A_37 = tpu.memref_squeeze %dma_start3A_36 : memref<1x128xi32, #tpu.memory_space<vmem>> -> memref<128xi32, #tpu.memory_space<vmem>>
      %dma_start3A_38 = arith.constant 0 : i32
      %dma_start3A_39 = arith.constant 0 : i32
      %dma_start3A_40 = tpu.memref_slice %arg2[%dma_start3A_38, %dma_start3A_39] : memref<10240x128xf32, #tpu.memory_space<hbm>> -> memref<10240x128xf32, #tpu.memory_space<hbm>>
      tpu.enqueue_indirect_dma source(%dma_start3A_40 : memref<10240x128xf32, #tpu.memory_space<hbm>>) target(%arg10 : memref<128x128xf32, #tpu.memory_space<vmem>>) offsets(%dma_start3A_37 : memref<128xi32, #tpu.memory_space<vmem>>) semaphore(%arg12 : memref<!tpu.dma_semaphore, #tpu.memory_space<semaphore_mem>>)
      %dma_wait3A = arith.constant 0 : i32
      %dma_wait3A_41 = tpu.memref_slice %arg7[%mul3A_27, %dma_wait3A] : memref<40x128xi32, #tpu.memory_space<vmem>> -> memref<1x128xi32, #tpu.memory_space<vmem>>
      %dma_wait3A_42 = tpu.memref_squeeze %dma_wait3A_41 : memref<1x128xi32, #tpu.memory_space<vmem>> -> memref<128xi32, #tpu.memory_space<vmem>>
      %dma_wait3A_43 = arith.constant 0 : i32
      %dma_wait3A_44 = arith.constant 0 : i32
      %dma_wait3A_45 = tpu.memref_slice %arg2[%dma_wait3A_43, %dma_wait3A_44] : memref<10240x128xf32, #tpu.memory_space<hbm>> -> memref<10240x128xf32, #tpu.memory_space<hbm>>
      tpu.wait_indirect_dma semaphore(%arg12 : memref<!tpu.dma_semaphore, #tpu.memory_space<semaphore_mem>>) src(%dma_wait3A_45 : memref<10240x128xf32, #tpu.memory_space<hbm>>) dst(%arg9 : memref<128x128xf32, #tpu.memory_space<vmem>>)
      "tpu.region"() ({
        %run_scoped3A = tpu.sem_alloc : memref<!tpu.dma_semaphore, #tpu.memory_space<semaphore_mem>>
        %dma_start3A_54 = arith.constant 0 : i32
        %dma_start3A_55 = tpu.memref_slice %arg8[%mul3A_27, %dma_start3A_54] : memref<40x128xi32, #tpu.memory_space<vmem>> -> memref<1x128xi32, #tpu.memory_space<vmem>>
        %dma_start3A_56 = tpu.memref_squeeze %dma_start3A_55 : memref<1x128xi32, #tpu.memory_space<vmem>> -> memref<128xi32, #tpu.memory_space<vmem>>
        %dma_start3A_57 = arith.constant 0 : i32
        %dma_start3A_58 = arith.constant 0 : i32
        %dma_start3A_59 = tpu.memref_slice %arg11[%dma_start3A_57, %dma_start3A_58] : memref<10240x128xf32, #tpu.memory_space<vmem_shared>> -> memref<10240x128xf32, #tpu.memory_space<vmem_shared>>
        tpu.enqueue_indirect_dma source(%arg9 : memref<128x128xf32, #tpu.memory_space<vmem>>) target(%dma_start3A_59 : memref<10240x128xf32, #tpu.memory_space<vmem_shared>>) offsets(%dma_start3A_56 : memref<128xi32, #tpu.memory_space<vmem>>) semaphore(%run_scoped3A : memref<!tpu.dma_semaphore, #tpu.memory_space<semaphore_mem>>) {add = true}
        %dma_wait3A_60 = arith.constant 0 : i32
        %dma_wait3A_61 = tpu.memref_slice %arg8[%mul3A_27, %dma_wait3A_60] : memref<40x128xi32, #tpu.memory_space<vmem>> -> memref<1x128xi32, #tpu.memory_space<vmem>>
        %dma_wait3A_62 = tpu.memref_squeeze %dma_wait3A_61 : memref<1x128xi32, #tpu.memory_space<vmem>> -> memref<128xi32, #tpu.memory_space<vmem>>
        %dma_wait3A_63 = arith.constant 0 : i32
        %dma_wait3A_64 = arith.constant 0 : i32
        %dma_wait3A_65 = tpu.memref_slice %arg11[%dma_wait3A_63, %dma_wait3A_64] : memref<10240x128xf32, #tpu.memory_space<vmem_shared>> -> memref<10240x128xf32, #tpu.memory_space<vmem_shared>>
        tpu.wait_indirect_dma semaphore(%run_scoped3A : memref<!tpu.dma_semaphore, #tpu.memory_space<semaphore_mem>>) src(%arg9 : memref<128x128xf32, #tpu.memory_space<vmem>>) dst(%dma_wait3A_65 : memref<10240x128xf32, #tpu.memory_space<vmem_shared>>)
        tpu.yield
      }) : () -> ()
      %dma_wait3A_46 = arith.constant 0 : i32
      %dma_wait3A_47 = tpu.memref_slice %arg7[%add3A_34, %dma_wait3A_46] : memref<40x128xi32, #tpu.memory_space<vmem>> -> memref<1x128xi32, #tpu.memory_space<vmem>>
      %dma_wait3A_48 = tpu.memref_squeeze %dma_wait3A_47 : memref<1x128xi32, #tpu.memory_space<vmem>> -> memref<128xi32, #tpu.memory_space<vmem>>
      %dma_wait3A_49 = arith.constant 0 : i32
      %dma_wait3A_50 = arith.constant 0 : i32
      %dma_wait3A_51 = tpu.memref_slice %arg2[%dma_wait3A_49, %dma_wait3A_50] : memref<10240x128xf32, #tpu.memory_space<hbm>> -> memref<10240x128xf32, #tpu.memory_space<hbm>>
      tpu.wait_indirect_dma semaphore(%arg12 : memref<!tpu.dma_semaphore, #tpu.memory_space<semaphore_mem>>) src(%dma_wait3A_51 : memref<10240x128xf32, #tpu.memory_space<hbm>>) dst(%arg10 : memref<128x128xf32, #tpu.memory_space<vmem>>)
      %add3A_52 = arith.constant 1 : i32
      %add3A_53 = arith.addi %mul3A_27, %add3A_52 : i32
      "tpu.region"() ({
        %run_scoped3A = tpu.sem_alloc : memref<!tpu.dma_semaphore, #tpu.memory_space<semaphore_mem>>
        %dma_start3A_54 = arith.constant 0 : i32
        %dma_start3A_55 = tpu.memref_slice %arg8[%add3A_53, %dma_start3A_54] : memref<40x128xi32, #tpu.memory_space<vmem>> -> memref<1x128xi32, #tpu.memory_space<vmem>>
        %dma_start3A_56 = tpu.memref_squeeze %dma_start3A_55 : memref<1x128xi32, #tpu.memory_space<vmem>> -> memref<128xi32, #tpu.memory_space<vmem>>
        %dma_start3A_57 = arith.constant 0 : i32
        %dma_start3A_58 = arith.constant 0 : i32
        %dma_start3A_59 = tpu.memref_slice %arg11[%dma_start3A_57, %dma_start3A_58] : memref<10240x128xf32, #tpu.memory_space<vmem_shared>> -> memref<10240x128xf32, #tpu.memory_space<vmem_shared>>
        tpu.enqueue_indirect_dma source(%arg10 : memref<128x128xf32, #tpu.memory_space<vmem>>) target(%dma_start3A_59 : memref<10240x128xf32, #tpu.memory_space<vmem_shared>>) offsets(%dma_start3A_56 : memref<128xi32, #tpu.memory_space<vmem>>) semaphore(%run_scoped3A : memref<!tpu.dma_semaphore, #tpu.memory_space<semaphore_mem>>) {add = true}
        %dma_wait3A_60 = arith.constant 0 : i32
        %dma_wait3A_61 = tpu.memref_slice %arg8[%add3A_53, %dma_wait3A_60] : memref<40x128xi32, #tpu.memory_space<vmem>> -> memref<1x128xi32, #tpu.memory_space<vmem>>
        %dma_wait3A_62 = tpu.memref_squeeze %dma_wait3A_61 : memref<1x128xi32, #tpu.memory_space<vmem>> -> memref<128xi32, #tpu.memory_space<vmem>>
        %dma_wait3A_63 = arith.constant 0 : i32
        %dma_wait3A_64 = arith.constant 0 : i32
        %dma_wait3A_65 = tpu.memref_slice %arg11[%dma_wait3A_63, %dma_wait3A_64] : memref<10240x128xf32, #tpu.memory_space<vmem_shared>> -> memref<10240x128xf32, #tpu.memory_space<vmem_shared>>
        tpu.wait_indirect_dma semaphore(%run_scoped3A : memref<!tpu.dma_semaphore, #tpu.memory_space<semaphore_mem>>) src(%arg10 : memref<128x128xf32, #tpu.memory_space<vmem>>) dst(%dma_wait3A_65 : memref<10240x128xf32, #tpu.memory_space<vmem_shared>>)
        tpu.yield
      }) : () -> ()
    }
    %scan3A_17 = arith.constant 20 : i32
    "tpu.region"() ({
      %run_scoped3A = tpu.sem_alloc : memref<!tpu.dma_semaphore, #tpu.memory_space<semaphore_mem>>
      %dma_start3A = arith.constant 40 : i32
      %dma_start3A_25 = arith.constant 0 : i32
      %dma_start3A_26 = tpu.memref_slice %arg3[%add3A, %dma_start3A, %dma_start3A_25] : memref<32x80x128xi32, #tpu.memory_space<hbm>> -> memref<1x40x128xi32, #tpu.memory_space<hbm>>
      %dma_start3A_27 = tpu.memref_squeeze %dma_start3A_26 : memref<1x40x128xi32, #tpu.memory_space<hbm>> -> memref<40x128xi32, #tpu.memory_space<hbm>>
      %dma_start3A_28 = arith.constant 40 : i32
      %dma_start3A_29 = arith.constant 0 : i32
      %dma_start3A_30 = tpu.memref_slice %arg3[%add3A, %dma_start3A_28, %dma_start3A_29] : memref<32x80x128xi32, #tpu.memory_space<hbm>> -> memref<1x40x128xi32, #tpu.memory_space<hbm>>
      %dma_start3A_31 = tpu.memref_squeeze %dma_start3A_30 : memref<1x40x128xi32, #tpu.memory_space<hbm>> -> memref<40x128xi32, #tpu.memory_space<hbm>>
      tpu.enqueue_dma source(%dma_start3A_31 : memref<40x128xi32, #tpu.memory_space<hbm>>) target(%arg7 : memref<40x128xi32, #tpu.memory_space<vmem>>) target_semaphore(%run_scoped3A : memref<!tpu.dma_semaphore, #tpu.memory_space<semaphore_mem>>)
      %dma_wait3A = arith.constant 40 : i32
      %dma_wait3A_32 = arith.constant 0 : i32
      %dma_wait3A_33 = tpu.memref_slice %arg3[%add3A, %dma_wait3A, %dma_wait3A_32] : memref<32x80x128xi32, #tpu.memory_space<hbm>> -> memref<1x40x128xi32, #tpu.memory_space<hbm>>
      %dma_wait3A_34 = tpu.memref_squeeze %dma_wait3A_33 : memref<1x40x128xi32, #tpu.memory_space<hbm>> -> memref<40x128xi32, #tpu.memory_space<hbm>>
      %dma_wait3A_35 = arith.constant 40 : i32
      %dma_wait3A_36 = arith.constant 0 : i32
      %dma_wait3A_37 = tpu.memref_slice %arg3[%add3A, %dma_wait3A_35, %dma_wait3A_36] : memref<32x80x128xi32, #tpu.memory_space<hbm>> -> memref<1x40x128xi32, #tpu.memory_space<hbm>>
      %dma_wait3A_38 = tpu.memref_squeeze %dma_wait3A_37 : memref<1x40x128xi32, #tpu.memory_space<hbm>> -> memref<40x128xi32, #tpu.memory_space<hbm>>
      tpu.wait_dma2 semaphore(%run_scoped3A : memref<!tpu.dma_semaphore, #tpu.memory_space<semaphore_mem>>) src(%dma_wait3A_38 : memref<40x128xi32, #tpu.memory_space<hbm>>) dst(%arg7 : memref<40x128xi32, #tpu.memory_space<vmem>>)
      tpu.yield
    }) : () -> ()
    "tpu.region"() ({
      %run_scoped3A = tpu.sem_alloc : memref<!tpu.dma_semaphore, #tpu.memory_space<semaphore_mem>>
      %dma_start3A = arith.constant 40 : i32
      %dma_start3A_25 = arith.constant 0 : i32
      %dma_start3A_26 = tpu.memref_slice %arg4[%add3A, %dma_start3A, %dma_start3A_25] : memref<32x80x128xi32, #tpu.memory_space<hbm>> -> memref<1x40x128xi32, #tpu.memory_space<hbm>>
      %dma_start3A_27 = tpu.memref_squeeze %dma_start3A_26 : memref<1x40x128xi32, #tpu.memory_space<hbm>> -> memref<40x128xi32, #tpu.memory_space<hbm>>
      %dma_start3A_28 = arith.constant 40 : i32
      %dma_start3A_29 = arith.constant 0 : i32
      %dma_start3A_30 = tpu.memref_slice %arg4[%add3A, %dma_start3A_28, %dma_start3A_29] : memref<32x80x128xi32, #tpu.memory_space<hbm>> -> memref<1x40x128xi32, #tpu.memory_space<hbm>>
      %dma_start3A_31 = tpu.memref_squeeze %dma_start3A_30 : memref<1x40x128xi32, #tpu.memory_space<hbm>> -> memref<40x128xi32, #tpu.memory_space<hbm>>
      tpu.enqueue_dma source(%dma_start3A_31 : memref<40x128xi32, #tpu.memory_space<hbm>>) target(%arg8 : memref<40x128xi32, #tpu.memory_space<vmem>>) target_semaphore(%run_scoped3A : memref<!tpu.dma_semaphore, #tpu.memory_space<semaphore_mem>>)
      %dma_wait3A = arith.constant 40 : i32
      %dma_wait3A_32 = arith.constant 0 : i32
      %dma_wait3A_33 = tpu.memref_slice %arg4[%add3A, %dma_wait3A, %dma_wait3A_32] : memref<32x80x128xi32, #tpu.memory_space<hbm>> -> memref<1x40x128xi32, #tpu.memory_space<hbm>>
      %dma_wait3A_34 = tpu.memref_squeeze %dma_wait3A_33 : memref<1x40x128xi32, #tpu.memory_space<hbm>> -> memref<40x128xi32, #tpu.memory_space<hbm>>
      %dma_wait3A_35 = arith.constant 40 : i32
      %dma_wait3A_36 = arith.constant 0 : i32
      %dma_wait3A_37 = tpu.memref_slice %arg4[%add3A, %dma_wait3A_35, %dma_wait3A_36] : memref<32x80x128xi32, #tpu.memory_space<hbm>> -> memref<1x40x128xi32, #tpu.memory_space<hbm>>
      %dma_wait3A_38 = tpu.memref_squeeze %dma_wait3A_37 : memref<1x40x128xi32, #tpu.memory_space<hbm>> -> memref<40x128xi32, #tpu.memory_space<hbm>>
      tpu.wait_dma2 semaphore(%run_scoped3A : memref<!tpu.dma_semaphore, #tpu.memory_space<semaphore_mem>>) src(%dma_wait3A_38 : memref<40x128xi32, #tpu.memory_space<hbm>>) dst(%arg8 : memref<40x128xi32, #tpu.memory_space<vmem>>)
      tpu.yield
    }) : () -> ()
    %scan3A_18 = arith.constant 0 : i32
    %scan3A_19 = arith.constant 0 : i32
    %scan3A_20 = arith.constant 20 : i32
    %scan3A_21 = arith.addi %scan3A_19, %scan3A_20 : i32
    %scan3A_22 = arith.constant 1 : i32
    scf.for %scan3A_25 = %scan3A_19 to %scan3A_21 step %scan3A_22  : i32 {
      %mul3A_26 = arith.constant 2 : i32
      %mul3A_27 = arith.muli %mul3A_26, %scan3A_25 : i32
      %dma_start3A = arith.constant 0 : i32
      %dma_start3A_28 = tpu.memref_slice %arg7[%mul3A_27, %dma_start3A] : memref<40x128xi32, #tpu.memory_space<vmem>> -> memref<1x128xi32, #tpu.memory_space<vmem>>
      %dma_start3A_29 = tpu.memref_squeeze %dma_start3A_28 : memref<1x128xi32, #tpu.memory_space<vmem>> -> memref<128xi32, #tpu.memory_space<vmem>>
      %dma_start3A_30 = arith.constant 0 : i32
      %dma_start3A_31 = arith.constant 0 : i32
      %dma_start3A_32 = tpu.memref_slice %arg2[%dma_start3A_30, %dma_start3A_31] : memref<10240x128xf32, #tpu.memory_space<hbm>> -> memref<10240x128xf32, #tpu.memory_space<hbm>>
      tpu.enqueue_indirect_dma source(%dma_start3A_32 : memref<10240x128xf32, #tpu.memory_space<hbm>>) target(%arg9 : memref<128x128xf32, #tpu.memory_space<vmem>>) offsets(%dma_start3A_29 : memref<128xi32, #tpu.memory_space<vmem>>) semaphore(%arg12 : memref<!tpu.dma_semaphore, #tpu.memory_space<semaphore_mem>>)
      %add3A_33 = arith.constant 1 : i32
      %add3A_34 = arith.addi %mul3A_27, %add3A_33 : i32
      %dma_start3A_35 = arith.constant 0 : i32
      %dma_start3A_36 = tpu.memref_slice %arg7[%add3A_34, %dma_start3A_35] : memref<40x128xi32, #tpu.memory_space<vmem>> -> memref<1x128xi32, #tpu.memory_space<vmem>>
      %dma_start3A_37 = tpu.memref_squeeze %dma_start3A_36 : memref<1x128xi32, #tpu.memory_space<vmem>> -> memref<128xi32, #tpu.memory_space<vmem>>
      %dma_start3A_38 = arith.constant 0 : i32
      %dma_start3A_39 = arith.constant 0 : i32
      %dma_start3A_40 = tpu.memref_slice %arg2[%dma_start3A_38, %dma_start3A_39] : memref<10240x128xf32, #tpu.memory_space<hbm>> -> memref<10240x128xf32, #tpu.memory_space<hbm>>
      tpu.enqueue_indirect_dma source(%dma_start3A_40 : memref<10240x128xf32, #tpu.memory_space<hbm>>) target(%arg10 : memref<128x128xf32, #tpu.memory_space<vmem>>) offsets(%dma_start3A_37 : memref<128xi32, #tpu.memory_space<vmem>>) semaphore(%arg12 : memref<!tpu.dma_semaphore, #tpu.memory_space<semaphore_mem>>)
      %dma_wait3A = arith.constant 0 : i32
      %dma_wait3A_41 = tpu.memref_slice %arg7[%mul3A_27, %dma_wait3A] : memref<40x128xi32, #tpu.memory_space<vmem>> -> memref<1x128xi32, #tpu.memory_space<vmem>>
      %dma_wait3A_42 = tpu.memref_squeeze %dma_wait3A_41 : memref<1x128xi32, #tpu.memory_space<vmem>> -> memref<128xi32, #tpu.memory_space<vmem>>
      %dma_wait3A_43 = arith.constant 0 : i32
      %dma_wait3A_44 = arith.constant 0 : i32
      %dma_wait3A_45 = tpu.memref_slice %arg2[%dma_wait3A_43, %dma_wait3A_44] : memref<10240x128xf32, #tpu.memory_space<hbm>> -> memref<10240x128xf32, #tpu.memory_space<hbm>>
      tpu.wait_indirect_dma semaphore(%arg12 : memref<!tpu.dma_semaphore, #tpu.memory_space<semaphore_mem>>) src(%dma_wait3A_45 : memref<10240x128xf32, #tpu.memory_space<hbm>>) dst(%arg9 : memref<128x128xf32, #tpu.memory_space<vmem>>)
      "tpu.region"() ({
        %run_scoped3A = tpu.sem_alloc : memref<!tpu.dma_semaphore, #tpu.memory_space<semaphore_mem>>
        %dma_start3A_54 = arith.constant 0 : i32
        %dma_start3A_55 = tpu.memref_slice %arg8[%mul3A_27, %dma_start3A_54] : memref<40x128xi32, #tpu.memory_space<vmem>> -> memref<1x128xi32, #tpu.memory_space<vmem>>
        %dma_start3A_56 = tpu.memref_squeeze %dma_start3A_55 : memref<1x128xi32, #tpu.memory_space<vmem>> -> memref<128xi32, #tpu.memory_space<vmem>>
        %dma_start3A_57 = arith.constant 0 : i32
        %dma_start3A_58 = arith.constant 0 : i32
        %dma_start3A_59 = tpu.memref_slice %arg11[%dma_start3A_57, %dma_start3A_58] : memref<10240x128xf32, #tpu.memory_space<vmem_shared>> -> memref<10240x128xf32, #tpu.memory_space<vmem_shared>>
        tpu.enqueue_indirect_dma source(%arg9 : memref<128x128xf32, #tpu.memory_space<vmem>>) target(%dma_start3A_59 : memref<10240x128xf32, #tpu.memory_space<vmem_shared>>) offsets(%dma_start3A_56 : memref<128xi32, #tpu.memory_space<vmem>>) semaphore(%run_scoped3A : memref<!tpu.dma_semaphore, #tpu.memory_space<semaphore_mem>>) {add = true}
        %dma_wait3A_60 = arith.constant 0 : i32
        %dma_wait3A_61 = tpu.memref_slice %arg8[%mul3A_27, %dma_wait3A_60] : memref<40x128xi32, #tpu.memory_space<vmem>> -> memref<1x128xi32, #tpu.memory_space<vmem>>
        %dma_wait3A_62 = tpu.memref_squeeze %dma_wait3A_61 : memref<1x128xi32, #tpu.memory_space<vmem>> -> memref<128xi32, #tpu.memory_space<vmem>>
        %dma_wait3A_63 = arith.constant 0 : i32
        %dma_wait3A_64 = arith.constant 0 : i32
        %dma_wait3A_65 = tpu.memref_slice %arg11[%dma_wait3A_63, %dma_wait3A_64] : memref<10240x128xf32, #tpu.memory_space<vmem_shared>> -> memref<10240x128xf32, #tpu.memory_space<vmem_shared>>
        tpu.wait_indirect_dma semaphore(%run_scoped3A : memref<!tpu.dma_semaphore, #tpu.memory_space<semaphore_mem>>) src(%arg9 : memref<128x128xf32, #tpu.memory_space<vmem>>) dst(%dma_wait3A_65 : memref<10240x128xf32, #tpu.memory_space<vmem_shared>>)
        tpu.yield
      }) : () -> ()
      %dma_wait3A_46 = arith.constant 0 : i32
      %dma_wait3A_47 = tpu.memref_slice %arg7[%add3A_34, %dma_wait3A_46] : memref<40x128xi32, #tpu.memory_space<vmem>> -> memref<1x128xi32, #tpu.memory_space<vmem>>
      %dma_wait3A_48 = tpu.memref_squeeze %dma_wait3A_47 : memref<1x128xi32, #tpu.memory_space<vmem>> -> memref<128xi32, #tpu.memory_space<vmem>>
      %dma_wait3A_49 = arith.constant 0 : i32
      %dma_wait3A_50 = arith.constant 0 : i32
      %dma_wait3A_51 = tpu.memref_slice %arg2[%dma_wait3A_49, %dma_wait3A_50] : memref<10240x128xf32, #tpu.memory_space<hbm>> -> memref<10240x128xf32, #tpu.memory_space<hbm>>
      tpu.wait_indirect_dma semaphore(%arg12 : memref<!tpu.dma_semaphore, #tpu.memory_space<semaphore_mem>>) src(%dma_wait3A_51 : memref<10240x128xf32, #tpu.memory_space<hbm>>) dst(%arg10 : memref<128x128xf32, #tpu.memory_space<vmem>>)
      %add3A_52 = arith.constant 1 : i32
      %add3A_53 = arith.addi %mul3A_27, %add3A_52 : i32
      "tpu.region"() ({
        %run_scoped3A = tpu.sem_alloc : memref<!tpu.dma_semaphore, #tpu.memory_space<semaphore_mem>>
        %dma_start3A_54 = arith.constant 0 : i32
        %dma_start3A_55 = tpu.memref_slice %arg8[%add3A_53, %dma_start3A_54] : memref<40x128xi32, #tpu.memory_space<vmem>> -> memref<1x128xi32, #tpu.memory_space<vmem>>
        %dma_start3A_56 = tpu.memref_squeeze %dma_start3A_55 : memref<1x128xi32, #tpu.memory_space<vmem>> -> memref<128xi32, #tpu.memory_space<vmem>>
        %dma_start3A_57 = arith.constant 0 : i32
        %dma_start3A_58 = arith.constant 0 : i32
        %dma_start3A_59 = tpu.memref_slice %arg11[%dma_start3A_57, %dma_start3A_58] : memref<10240x128xf32, #tpu.memory_space<vmem_shared>> -> memref<10240x128xf32, #tpu.memory_space<vmem_shared>>
        tpu.enqueue_indirect_dma source(%arg10 : memref<128x128xf32, #tpu.memory_space<vmem>>) target(%dma_start3A_59 : memref<10240x128xf32, #tpu.memory_space<vmem_shared>>) offsets(%dma_start3A_56 : memref<128xi32, #tpu.memory_space<vmem>>) semaphore(%run_scoped3A : memref<!tpu.dma_semaphore, #tpu.memory_space<semaphore_mem>>) {add = true}
        %dma_wait3A_60 = arith.constant 0 : i32
        %dma_wait3A_61 = tpu.memref_slice %arg8[%add3A_53, %dma_wait3A_60] : memref<40x128xi32, #tpu.memory_space<vmem>> -> memref<1x128xi32, #tpu.memory_space<vmem>>
        %dma_wait3A_62 = tpu.memref_squeeze %dma_wait3A_61 : memref<1x128xi32, #tpu.memory_space<vmem>> -> memref<128xi32, #tpu.memory_space<vmem>>
        %dma_wait3A_63 = arith.constant 0 : i32
        %dma_wait3A_64 = arith.constant 0 : i32
        %dma_wait3A_65 = tpu.memref_slice %arg11[%dma_wait3A_63, %dma_wait3A_64] : memref<10240x128xf32, #tpu.memory_space<vmem_shared>> -> memref<10240x128xf32, #tpu.memory_space<vmem_shared>>
        tpu.wait_indirect_dma semaphore(%run_scoped3A : memref<!tpu.dma_semaphore, #tpu.memory_space<semaphore_mem>>) src(%arg10 : memref<128x128xf32, #tpu.memory_space<vmem>>) dst(%dma_wait3A_65 : memref<10240x128xf32, #tpu.memory_space<vmem_shared>>)
        tpu.yield
      }) : () -> ()
    }
    %scan3A_23 = arith.constant 20 : i32
    %barrier3A_24 = arith.constant 0 : index
    tpu.barrier barrier_id(%barrier3A_24)
    "tpu.region"() ({
      %run_scoped3A = tpu.sem_alloc : memref<!tpu.dma_semaphore, #tpu.memory_space<semaphore_mem>>
      %dma_start3A = arith.constant 0 : i32
      %dma_start3A_25 = tpu.memref_slice %arg6[%arg0, %mul3A_2, %dma_start3A] : memref<2x10240x128xf32, #tpu.memory_space<hbm>> -> memref<1x640x128xf32, #tpu.memory_space<hbm>>
      %dma_start3A_26 = tpu.memref_squeeze %dma_start3A_25 : memref<1x640x128xf32, #tpu.memory_space<hbm>> -> memref<640x128xf32, #tpu.memory_space<hbm>>
      %dma_start3A_27 = arith.constant 0 : i32
      %dma_start3A_28 = tpu.memref_slice %arg11[%mul3A_2, %dma_start3A_27] : memref<10240x128xf32, #tpu.memory_space<vmem_shared>> -> memref<640x128xf32, #tpu.memory_space<vmem_shared>>
      tpu.enqueue_dma source(%dma_start3A_28 : memref<640x128xf32, #tpu.memory_space<vmem_shared>>) target(%dma_start3A_26 : memref<640x128xf32, #tpu.memory_space<hbm>>) target_semaphore(%run_scoped3A : memref<!tpu.dma_semaphore, #tpu.memory_space<semaphore_mem>>)
      %dma_wait3A = arith.constant 0 : i32
      %dma_wait3A_29 = tpu.memref_slice %arg6[%arg0, %mul3A_2, %dma_wait3A] : memref<2x10240x128xf32, #tpu.memory_space<hbm>> -> memref<1x640x128xf32, #tpu.memory_space<hbm>>
      %dma_wait3A_30 = tpu.memref_squeeze %dma_wait3A_29 : memref<1x640x128xf32, #tpu.memory_space<hbm>> -> memref<640x128xf32, #tpu.memory_space<hbm>>
      %dma_wait3A_31 = arith.constant 0 : i32
      %dma_wait3A_32 = tpu.memref_slice %arg11[%mul3A_2, %dma_wait3A_31] : memref<10240x128xf32, #tpu.memory_space<vmem_shared>> -> memref<640x128xf32, #tpu.memory_space<vmem_shared>>
      tpu.wait_dma2 semaphore(%run_scoped3A : memref<!tpu.dma_semaphore, #tpu.memory_space<semaphore_mem>>) src(%dma_wait3A_32 : memref<640x128xf32, #tpu.memory_space<vmem_shared>>) dst(%dma_wait3A_30 : memref<640x128xf32, #tpu.memory_space<hbm>>)
      tpu.yield
    }) : () -> ()
    return
  }
}

module attributes {stable_mosaic.version = 14 : i64} {
  func.func @_tc1_body(%arg0: i32, %arg1: memref<2x1024x1xf32, #tpu.memory_space<vmem>>, %arg2: memref<1024x128xf32, #tpu.memory_space<vmem>>, %arg3: memref<128x128xf32, #tpu.memory_space<vmem>>, %arg4: memref<1024x128xf32, #tpu.memory_space<vmem>>) attributes {dimension_semantics = [#tpu.dimension_semantics<arbitrary>], iteration_bounds = array<i64: 10>, scalar_prefetch = 0 : i64, scratch_operands = 0 : i64, tpu.core_type = #tpu.core_type<tc>, window_params = [{transform_indices = @transform_0, window_bounds = array<i64: 2, 1024, 1>}, {transform_indices = @transform_1, window_bounds = array<i64: 1024, 128>}, {pipeline_mode = #tpu.pipeline_mode<synchronous>, transform_indices = @transform_2, window_bounds = array<i64: 128, 128>}, {transform_indices = @transform_3, window_bounds = array<i64: 1024, 128>}]} {
    %get3A = arith.constant 0 : index
    %get3A_0 = arith.constant 0 : index
    %get3A_1 = arith.constant 0 : index
    %get3A_2 = vector.load %arg1[%get3A, %get3A_0, %get3A_1] : memref<2x1024x1xf32, #tpu.memory_space<vmem>>, vector<2x1024x1xf32>
    %slice3A = vector.extract_strided_slice %get3A_2 {offsets = [0, 0, 0], sizes = [1, 1024, 1], strides = [1, 1, 1]} : vector<2x1024x1xf32> to vector<1x1024x1xf32>
    %squeeze3A = vector.shape_cast %slice3A : vector<1x1024x1xf32> to vector<1024x1xf32>
    %add3A = arith.constant 1.000000e+00 : f32
    %add3A_3 = vector.broadcast %add3A : f32 to vector<1024x1xf32>
    %add3A_4 = arith.addf %add3A_3, %squeeze3A : vector<1024x1xf32>
    %slice3A_5 = vector.extract_strided_slice %get3A_2 {offsets = [1, 0, 0], sizes = [1, 1024, 1], strides = [1, 1, 1]} : vector<2x1024x1xf32> to vector<1x1024x1xf32>
    %squeeze3A_6 = vector.shape_cast %slice3A_5 : vector<1x1024x1xf32> to vector<1024x1xf32>
    %add3A_7 = arith.addf %add3A_4, %squeeze3A_6 : vector<1024x1xf32>
    %rsqrt3A = math.rsqrt %add3A_7 : vector<1024x1xf32>
    %get3A_8 = arith.constant 0 : index
    %get3A_9 = arith.constant 0 : index
    %get3A_10 = vector.load %arg2[%get3A_8, %get3A_9] : memref<1024x128xf32, #tpu.memory_space<vmem>>, vector<1024x128xf32>
    %get3A_11 = arith.constant 0 : index
    %get3A_12 = arith.constant 0 : index
    %get3A_13 = vector.load %arg3[%get3A_11, %get3A_12] : memref<128x128xf32, #tpu.memory_space<vmem>>, vector<128x128xf32>
    %dot_general3A = arith.constant dense<0.000000e+00> : vector<1024x128xf32>
    %dot_general3A_14 = tpu.matmul %get3A_10, %get3A_13, %dot_general3A {dimension_numbers = #tpu.dot_dimension_numbers<[1], [0], [0], [1], [0, 0, 1, 1], [], []>, transpose_lhs_hint = false} : vector<1024x128xf32>, vector<128x128xf32>, vector<1024x128xf32> -> vector<1024x128xf32>
    %mul3A = vector.broadcast %rsqrt3A : vector<1024x1xf32> to vector<1024x128xf32>
    %mul3A_15 = arith.mulf %mul3A, %dot_general3A_14 : vector<1024x128xf32>
    %swap3A = arith.constant 0 : index
    %swap3A_16 = arith.constant 0 : index
    %swap3A_17 = vector.load %arg4[%swap3A, %swap3A_16] : memref<1024x128xf32, #tpu.memory_space<vmem>>, vector<1024x128xf32>
    tpu.vector_store %arg4[%swap3A, %swap3A_16], %mul3A_15 {strides = array<i32>} : memref<1024x128xf32, #tpu.memory_space<vmem>>, vector<1024x128xf32>,
    return
  }
  func.func @transform_0(%arg0: i32) -> (i32, i32, i32) {
    %c0_i32 = arith.constant 0 : i32
    %c0_i32_0 = arith.constant 0 : i32
    %c0_i32_1 = arith.constant 0 : i32
    return %c0_i32, %arg0, %c0_i32_0 : i32, i32, i32
  }
  func.func @transform_1(%arg0: i32) -> (i32, i32) {
    %c0_i32 = arith.constant 0 : i32
    %c0_i32_0 = arith.constant 0 : i32
    return %arg0, %c0_i32 : i32, i32
  }
  func.func @transform_2(%arg0: i32) -> (i32, i32) {
    %c0_i32 = arith.constant 0 : i32
    %c0_i32_0 = arith.constant 0 : i32
    %c0_i32_1 = arith.constant 0 : i32
    return %c0_i32, %c0_i32_0 : i32, i32
  }
  func.func @transform_3(%arg0: i32) -> (i32, i32) {
    %c0_i32 = arith.constant 0 : i32
    %c0_i32_0 = arith.constant 0 : i32
    return %arg0, %c0_i32 : i32, i32
  }
}

module attributes {stable_mosaic.version = 14 : i64} {
  func.func @_tc_layer_body(%arg0: i32, %arg1: memref<2x1024x1xf32, #tpu.memory_space<vmem>>, %arg2: memref<1024x128xf32, #tpu.memory_space<vmem>>, %arg3: memref<1024x128xf32, #tpu.memory_space<vmem>>, %arg4: memref<1024x128xf32, #tpu.memory_space<vmem>>, %arg5: memref<1x128xf32, #tpu.memory_space<vmem>>, %arg6: memref<128x128xf32, #tpu.memory_space<vmem>>, %arg7: memref<1024x128xf32, #tpu.memory_space<vmem>>) attributes {dimension_semantics = [#tpu.dimension_semantics<arbitrary>], iteration_bounds = array<i64: 10>, scalar_prefetch = 0 : i64, scratch_operands = 0 : i64, tpu.core_type = #tpu.core_type<tc>, window_params = [{transform_indices = @transform_0, window_bounds = array<i64: 2, 1024, 1>}, {transform_indices = @transform_1, window_bounds = array<i64: 1024, 128>}, {transform_indices = @transform_2, window_bounds = array<i64: 1024, 128>}, {transform_indices = @transform_3, window_bounds = array<i64: 1024, 128>}, {pipeline_mode = #tpu.pipeline_mode<synchronous>, transform_indices = @transform_4, window_bounds = array<i64: 1, 128>}, {pipeline_mode = #tpu.pipeline_mode<synchronous>, transform_indices = @transform_5, window_bounds = array<i64: 128, 128>}, {transform_indices = @transform_6, window_bounds = array<i64: 1024, 128>}]} {
    %get3A = arith.constant 0 : index
    %get3A_0 = arith.constant 0 : index
    %get3A_1 = arith.constant 0 : index
    %get3A_2 = vector.load %arg1[%get3A, %get3A_0, %get3A_1] : memref<2x1024x1xf32, #tpu.memory_space<vmem>>, vector<2x1024x1xf32>
    %slice3A = vector.extract_strided_slice %get3A_2 {offsets = [0, 0, 0], sizes = [1, 1024, 1], strides = [1, 1, 1]} : vector<2x1024x1xf32> to vector<1x1024x1xf32>
    %squeeze3A = vector.shape_cast %slice3A : vector<1x1024x1xf32> to vector<1024x1xf32>
    %add3A = arith.constant 1.000000e+00 : f32
    %add3A_3 = vector.broadcast %add3A : f32 to vector<1024x1xf32>
    %add3A_4 = arith.addf %add3A_3, %squeeze3A : vector<1024x1xf32>
    %slice3A_5 = vector.extract_strided_slice %get3A_2 {offsets = [1, 0, 0], sizes = [1, 1024, 1], strides = [1, 1, 1]} : vector<2x1024x1xf32> to vector<1x1024x1xf32>
    %squeeze3A_6 = vector.shape_cast %slice3A_5 : vector<1x1024x1xf32> to vector<1024x1xf32>
    %add3A_7 = arith.addf %add3A_4, %squeeze3A_6 : vector<1024x1xf32>
    %rsqrt3A = math.rsqrt %add3A_7 : vector<1024x1xf32>
    %get3A_8 = arith.constant 0 : index
    %get3A_9 = arith.constant 0 : index
    %get3A_10 = vector.load %arg2[%get3A_8, %get3A_9] : memref<1024x128xf32, #tpu.memory_space<vmem>>, vector<1024x128xf32>
    %get3A_11 = arith.constant 0 : index
    %get3A_12 = arith.constant 0 : index
    %get3A_13 = vector.load %arg3[%get3A_11, %get3A_12] : memref<1024x128xf32, #tpu.memory_space<vmem>>, vector<1024x128xf32>
    %add3A_14 = arith.addf %get3A_10, %get3A_13 : vector<1024x128xf32>
    %get3A_15 = arith.constant 0 : index
    %get3A_16 = arith.constant 0 : index
    %get3A_17 = vector.load %arg4[%get3A_15, %get3A_16] : memref<1024x128xf32, #tpu.memory_space<vmem>>, vector<1024x128xf32>
    %add3A_18 = arith.addf %add3A_14, %get3A_17 : vector<1024x128xf32>
    %mul3A = vector.broadcast %rsqrt3A : vector<1024x1xf32> to vector<1024x128xf32>
    %mul3A_19 = arith.mulf %mul3A, %add3A_18 : vector<1024x128xf32>
    %get3A_20 = arith.constant 0 : index
    %get3A_21 = arith.constant 0 : index
    %get3A_22 = vector.load %arg5[%get3A_20, %get3A_21] : memref<1x128xf32, #tpu.memory_space<vmem>>, vector<1x128xf32>
    %add3A_23 = vector.broadcast %get3A_22 : vector<1x128xf32> to vector<1024x128xf32>
    %add3A_24 = arith.addf %mul3A_19, %add3A_23 : vector<1024x128xf32>
    %max3A = arith.constant 0.000000e+00 : f32
    %max3A_25 = vector.broadcast %max3A : f32 to vector<1024x128xf32>
    %max3A_26 = arith.maximumf %add3A_24, %max3A_25 : vector<1024x128xf32>
    %get3A_27 = arith.constant 0 : index
    %get3A_28 = arith.constant 0 : index
    %get3A_29 = vector.load %arg6[%get3A_27, %get3A_28] : memref<128x128xf32, #tpu.memory_space<vmem>>, vector<128x128xf32>
    %dot_general3A = arith.constant dense<0.000000e+00> : vector<1024x128xf32>
    %dot_general3A_30 = tpu.matmul %max3A_26, %get3A_29, %dot_general3A {dimension_numbers = #tpu.dot_dimension_numbers<[1], [0], [0], [1], [0, 0, 1, 1], [], []>, transpose_lhs_hint = false} : vector<1024x128xf32>, vector<128x128xf32>, vector<1024x128xf32> -> vector<1024x128xf32>
    %mul3A_31 = vector.broadcast %rsqrt3A : vector<1024x1xf32> to vector<1024x128xf32>
    %mul3A_32 = arith.mulf %mul3A_31, %dot_general3A_30 : vector<1024x128xf32>
    %swap3A = arith.constant 0 : index
    %swap3A_33 = arith.constant 0 : index
    %swap3A_34 = vector.load %arg7[%swap3A, %swap3A_33] : memref<1024x128xf32, #tpu.memory_space<vmem>>, vector<1024x128xf32>
    tpu.vector_store %arg7[%swap3A, %swap3A_33], %mul3A_32 {strides = array<i32>} : memref<1024x128xf32, #tpu.memory_space<vmem>>, vector<1024x128xf32>,
    return
  }
  func.func @transform_0(%arg0: i32) -> (i32, i32, i32) {
    %c0_i32 = arith.constant 0 : i32
    %c0_i32_0 = arith.constant 0 : i32
    %c0_i32_1 = arith.constant 0 : i32
    return %c0_i32, %arg0, %c0_i32_0 : i32, i32, i32
  }
  func.func @transform_1(%arg0: i32) -> (i32, i32) {
    %c0_i32 = arith.constant 0 : i32
    %c0_i32_0 = arith.constant 0 : i32
    return %arg0, %c0_i32 : i32, i32
  }
  func.func @transform_2(%arg0: i32) -> (i32, i32) {
    %c0_i32 = arith.constant 0 : i32
    %c0_i32_0 = arith.constant 0 : i32
    return %arg0, %c0_i32 : i32, i32
  }
  func.func @transform_3(%arg0: i32) -> (i32, i32) {
    %c0_i32 = arith.constant 0 : i32
    %c0_i32_0 = arith.constant 0 : i32
    return %arg0, %c0_i32 : i32, i32
  }
  func.func @transform_4(%arg0: i32) -> (i32, i32) {
    %c0_i32 = arith.constant 0 : i32
    %c0_i32_0 = arith.constant 0 : i32
    %c0_i32_1 = arith.constant 0 : i32
    return %c0_i32, %c0_i32_0 : i32, i32
  }
  func.func @transform_5(%arg0: i32) -> (i32, i32) {
    %c0_i32 = arith.constant 0 : i32
    %c0_i32_0 = arith.constant 0 : i32
    %c0_i32_1 = arith.constant 0 : i32
    return %c0_i32, %c0_i32_0 : i32, i32
  }
  func.func @transform_6(%arg0: i32) -> (i32, i32) {
    %c0_i32 = arith.constant 0 : i32
    %c0_i32_0 = arith.constant 0 : i32
    return %arg0, %c0_i32 : i32, i32
  }
}

module attributes {stable_mosaic.version = 14 : i64} {
  func.func @_tc_head_body(%arg0: i32, %arg1: memref<2x1024x1xf32, #tpu.memory_space<vmem>>, %arg2: memref<1024x128xf32, #tpu.memory_space<vmem>>, %arg3: memref<1024x128xf32, #tpu.memory_space<vmem>>, %arg4: memref<1024x128xf32, #tpu.memory_space<vmem>>, %arg5: memref<1x128xf32, #tpu.memory_space<vmem>>, %arg6: memref<128x256xf32, #tpu.memory_space<vmem>>, %arg7: memref<1x256xf32, #tpu.memory_space<vmem>>, %arg8: memref<256x128xf32, #tpu.memory_space<vmem>>, %arg9: memref<1x128xf32, #tpu.memory_space<vmem>>, %arg10: memref<128x10xf32, #tpu.memory_space<vmem>>, %arg11: memref<1x10xf32, #tpu.memory_space<vmem>>, %arg12: memref<1x10xf32, #tpu.memory_space<vmem>>, %arg13: memref<1x128xf32, #tpu.memory_space<vmem>>) attributes {dimension_semantics = [#tpu.dimension_semantics<arbitrary>], iteration_bounds = array<i64: 10>, scalar_prefetch = 0 : i64, scratch_operands = 1 : i64, tpu.core_type = #tpu.core_type<tc>, window_params = [{transform_indices = @transform_0, window_bounds = array<i64: 2, 1024, 1>}, {transform_indices = @transform_1, window_bounds = array<i64: 1024, 128>}, {transform_indices = @transform_2, window_bounds = array<i64: 1024, 128>}, {transform_indices = @transform_3, window_bounds = array<i64: 1024, 128>}, {pipeline_mode = #tpu.pipeline_mode<synchronous>, transform_indices = @transform_4, window_bounds = array<i64: 1, 128>}, {pipeline_mode = #tpu.pipeline_mode<synchronous>, transform_indices = @transform_5, window_bounds = array<i64: 128, 256>}, {pipeline_mode = #tpu.pipeline_mode<synchronous>, transform_indices = @transform_6, window_bounds = array<i64: 1, 256>}, {pipeline_mode = #tpu.pipeline_mode<synchronous>, transform_indices = @transform_7, window_bounds = array<i64: 256, 128>}, {pipeline_mode = #tpu.pipeline_mode<synchronous>, transform_indices = @transform_8, window_bounds = array<i64: 1, 128>}, {pipeline_mode = #tpu.pipeline_mode<synchronous>, transform_indices = @transform_9, window_bounds = array<i64: 128, 10>}, {pipeline_mode = #tpu.pipeline_mode<synchronous>, transform_indices = @transform_10, window_bounds = array<i64: 1, 10>}, {pipeline_mode = #tpu.pipeline_mode<synchronous>, transform_indices = @transform_11, window_bounds = array<i64: 1, 10>}]} {
    %eq3A = arith.constant 0 : i32
    %eq3A_0 = arith.cmpi eq, %arg0, %eq3A : i32
    %convert_element_type3A = arith.extui %eq3A_0 : i1 to i32
    %cond3A = arith.constant 0 : i32
    %cond3A_1 = arith.cmpi ne, %convert_element_type3A, %cond3A : i32
    scf.if %cond3A_1 {
      %broadcast_in_dim3A_48 = arith.constant 0xFF800000 : f32
      %broadcast_in_dim3A_49 = vector.broadcast %broadcast_in_dim3A_48 : f32 to vector<1x128xf32>
      %swap3A_50 = arith.constant 0 : index
      %swap3A_51 = arith.constant 0 : index
      %swap3A_52 = vector.load %arg13[%swap3A_50, %swap3A_51] : memref<1x128xf32, #tpu.memory_space<vmem>>, vector<1x128xf32>
      tpu.vector_store %arg13[%swap3A_50, %swap3A_51], %broadcast_in_dim3A_49 {strides = array<i32>} : memref<1x128xf32, #tpu.memory_space<vmem>>, vector<1x128xf32>,
    } else {
    }
    %get3A = arith.constant 0 : index
    %get3A_2 = arith.constant 0 : index
    %get3A_3 = arith.constant 0 : index
    %get3A_4 = vector.load %arg1[%get3A, %get3A_2, %get3A_3] : memref<2x1024x1xf32, #tpu.memory_space<vmem>>, vector<2x1024x1xf32>
    %slice3A = vector.extract_strided_slice %get3A_4 {offsets = [0, 0, 0], sizes = [1, 1024, 1], strides = [1, 1, 1]} : vector<2x1024x1xf32> to vector<1x1024x1xf32>
    %squeeze3A = vector.shape_cast %slice3A : vector<1x1024x1xf32> to vector<1024x1xf32>
    %add3A = arith.constant 1.000000e+00 : f32
    %add3A_5 = vector.broadcast %add3A : f32 to vector<1024x1xf32>
    %add3A_6 = arith.addf %add3A_5, %squeeze3A : vector<1024x1xf32>
    %slice3A_7 = vector.extract_strided_slice %get3A_4 {offsets = [1, 0, 0], sizes = [1, 1024, 1], strides = [1, 1, 1]} : vector<2x1024x1xf32> to vector<1x1024x1xf32>
    %squeeze3A_8 = vector.shape_cast %slice3A_7 : vector<1x1024x1xf32> to vector<1024x1xf32>
    %add3A_9 = arith.addf %add3A_6, %squeeze3A_8 : vector<1024x1xf32>
    %rsqrt3A = math.rsqrt %add3A_9 : vector<1024x1xf32>
    %get3A_10 = arith.constant 0 : index
    %get3A_11 = arith.constant 0 : index
    %get3A_12 = vector.load %arg2[%get3A_10, %get3A_11] : memref<1024x128xf32, #tpu.memory_space<vmem>>, vector<1024x128xf32>
    %get3A_13 = arith.constant 0 : index
    %get3A_14 = arith.constant 0 : index
    %get3A_15 = vector.load %arg3[%get3A_13, %get3A_14] : memref<1024x128xf32, #tpu.memory_space<vmem>>, vector<1024x128xf32>
    %add3A_16 = arith.addf %get3A_12, %get3A_15 : vector<1024x128xf32>
    %get3A_17 = arith.constant 0 : index
    %get3A_18 = arith.constant 0 : index
    %get3A_19 = vector.load %arg4[%get3A_17, %get3A_18] : memref<1024x128xf32, #tpu.memory_space<vmem>>, vector<1024x128xf32>
    %add3A_20 = arith.addf %add3A_16, %get3A_19 : vector<1024x128xf32>
    %mul3A = vector.broadcast %rsqrt3A : vector<1024x1xf32> to vector<1024x128xf32>
    %mul3A_21 = arith.mulf %mul3A, %add3A_20 : vector<1024x128xf32>
    %get3A_22 = arith.constant 0 : index
    %get3A_23 = arith.constant 0 : index
    %get3A_24 = vector.load %arg5[%get3A_22, %get3A_23] : memref<1x128xf32, #tpu.memory_space<vmem>>, vector<1x128xf32>
    %add3A_25 = vector.broadcast %get3A_24 : vector<1x128xf32> to vector<1024x128xf32>
    %add3A_26 = arith.addf %mul3A_21, %add3A_25 : vector<1024x128xf32>
    %max3A = arith.constant 0.000000e+00 : f32
    %max3A_27 = vector.broadcast %max3A : f32 to vector<1024x128xf32>
    %max3A_28 = arith.maximumf %add3A_26, %max3A_27 : vector<1024x128xf32>
    %mul3A_29 = arith.constant 1024 : i32
    %mul3A_30 = arith.muli %arg0, %mul3A_29 : i32
    %iota3A = tpu.iota {dimensions = array<i32: 0>} : vector<1024x128xi32>
    %add3A_31 = vector.broadcast %mul3A_30 : i32 to vector<1024x128xi32>
    %add3A_32 = arith.addi %add3A_31, %iota3A : vector<1024x128xi32>
    %lt3A = arith.constant 10000 : i32
    %lt3A_33 = vector.broadcast %lt3A : i32 to vector<1024x128xi32>
    %lt3A_34 = arith.cmpi slt, %add3A_32, %lt3A_33 : vector<1024x128xi32>
    %jit3A = arith.constant 0xFF800000 : f32
    %broadcast_in_dim3A = vector.broadcast %jit3A : f32 to vector<1024x128xf32>
    %select_n3A = arith.select %lt3A_34, %max3A_28, %broadcast_in_dim3A : vector<1024x128xi1>, vector<1024x128xf32>
    %get3A_35 = arith.constant 0 : index
    %get3A_36 = arith.constant 0 : index
    %get3A_37 = vector.load %arg13[%get3A_35, %get3A_36] : memref<1x128xf32, #tpu.memory_space<vmem>>, vector<1x128xf32>
    %reduce_max3A = arith.constant dense<0xFF800000> : vector<128xf32>
    %reduce_max3A_38 = vector.multi_reduction <maximumf>, %select_n3A, %reduce_max3A [0] : vector<1024x128xf32> to vector<128xf32>
    %broadcast_in_dim3A_39 = vector.shape_cast %reduce_max3A_38 : vector<128xf32> to vector<1x128xf32>
    %max3A_40 = arith.maximumf %get3A_37, %broadcast_in_dim3A_39 : vector<1x128xf32>
    %swap3A = arith.constant 0 : index
    %swap3A_41 = arith.constant 0 : index
    %swap3A_42 = vector.load %arg13[%swap3A, %swap3A_41] : memref<1x128xf32, #tpu.memory_space<vmem>>, vector<1x128xf32>
    tpu.vector_store %arg13[%swap3A, %swap3A_41], %max3A_40 {strides = array<i32>} : memref<1x128xf32, #tpu.memory_space<vmem>>, vector<1x128xf32>,
    %eq3A_43 = arith.constant 9 : i32
    %eq3A_44 = arith.cmpi eq, %arg0, %eq3A_43 : i32
    %convert_element_type3A_45 = arith.extui %eq3A_44 : i1 to i32
    %cond3A_46 = arith.constant 0 : i32
    %cond3A_47 = arith.cmpi ne, %convert_element_type3A_45, %cond3A_46 : i32
    scf.if %cond3A_47 {
      %get3A_48 = arith.constant 0 : index
      %get3A_49 = arith.constant 0 : index
      %get3A_50 = vector.load %arg13[%get3A_48, %get3A_49] : memref<1x128xf32, #tpu.memory_space<vmem>>, vector<1x128xf32>
      %get3A_51 = arith.constant 0 : index
      %get3A_52 = arith.constant 0 : index
      %get3A_53 = vector.load %arg6[%get3A_51, %get3A_52] : memref<128x256xf32, #tpu.memory_space<vmem>>, vector<128x256xf32>
      %dot_general3A = arith.constant dense<0.000000e+00> : vector<1x256xf32>
      %dot_general3A_54 = tpu.matmul %get3A_50, %get3A_53, %dot_general3A {dimension_numbers = #tpu.dot_dimension_numbers<[1], [0], [0], [1], [0, 0, 1, 1], [], []>, transpose_lhs_hint = false} : vector<1x128xf32>, vector<128x256xf32>, vector<1x256xf32> -> vector<1x256xf32>
      %get3A_55 = arith.constant 0 : index
      %get3A_56 = arith.constant 0 : index
      %get3A_57 = vector.load %arg7[%get3A_55, %get3A_56] : memref<1x256xf32, #tpu.memory_space<vmem>>, vector<1x256xf32>
      %add3A_58 = arith.addf %dot_general3A_54, %get3A_57 : vector<1x256xf32>
      %max3A_59 = arith.constant 0.000000e+00 : f32
      %max3A_60 = vector.broadcast %max3A_59 : f32 to vector<1x256xf32>
      %max3A_61 = arith.maximumf %add3A_58, %max3A_60 : vector<1x256xf32>
      %get3A_62 = arith.constant 0 : index
      %get3A_63 = arith.constant 0 : index
      %get3A_64 = vector.load %arg8[%get3A_62, %get3A_63] : memref<256x128xf32, #tpu.memory_space<vmem>>, vector<256x128xf32>
      %dot_general3A_65 = arith.constant dense<0.000000e+00> : vector<1x128xf32>
      %dot_general3A_66 = tpu.matmul %max3A_61, %get3A_64, %dot_general3A_65 {dimension_numbers = #tpu.dot_dimension_numbers<[1], [0], [0], [1], [0, 0, 1, 1], [], []>, transpose_lhs_hint = false} : vector<1x256xf32>, vector<256x128xf32>, vector<1x128xf32> -> vector<1x128xf32>
      %get3A_67 = arith.constant 0 : index
      %get3A_68 = arith.constant 0 : index
      %get3A_69 = vector.load %arg9[%get3A_67, %get3A_68] : memref<1x128xf32, #tpu.memory_space<vmem>>, vector<1x128xf32>
      %add3A_70 = arith.addf %dot_general3A_66, %get3A_69 : vector<1x128xf32>
      %max3A_71 = arith.constant 0.000000e+00 : f32
      %max3A_72 = vector.broadcast %max3A_71 : f32 to vector<1x128xf32>
      %max3A_73 = arith.maximumf %add3A_70, %max3A_72 : vector<1x128xf32>
      %get3A_74 = arith.constant 0 : index
      %get3A_75 = arith.constant 0 : index
      %get3A_76 = vector.load %arg10[%get3A_74, %get3A_75] : memref<128x10xf32, #tpu.memory_space<vmem>>, vector<128x10xf32>
      %dot_general3A_77 = arith.constant dense<0.000000e+00> : vector<1x10xf32>
      %dot_general3A_78 = tpu.matmul %max3A_73, %get3A_76, %dot_general3A_77 {dimension_numbers = #tpu.dot_dimension_numbers<[1], [0], [0], [1], [0, 0, 1, 1], [], []>, transpose_lhs_hint = false} : vector<1x128xf32>, vector<128x10xf32>, vector<1x10xf32> -> vector<1x10xf32>
      %get3A_79 = arith.constant 0 : index
      %get3A_80 = arith.constant 0 : index
      %get3A_81 = vector.load %arg11[%get3A_79, %get3A_80] : memref<1x10xf32, #tpu.memory_space<vmem>>, vector<1x10xf32>
      %add3A_82 = arith.addf %dot_general3A_78, %get3A_81 : vector<1x10xf32>
      %reduce_max3A_83 = arith.constant dense<0xFF800000> : vector<1xf32>
      %reduce_max3A_84 = vector.multi_reduction <maximumf>, %add3A_82, %reduce_max3A_83 [1] : vector<1x10xf32> to vector<1xf32>
      %broadcast_in_dim3A_85 = vector.shape_cast %reduce_max3A_84 : vector<1xf32> to vector<1x1xf32>
      %sub3A = vector.broadcast %broadcast_in_dim3A_85 : vector<1x1xf32> to vector<1x10xf32>
      %sub3A_86 = arith.subf %add3A_82, %sub3A : vector<1x10xf32>
      %exp3A = math.exp %sub3A_86 : vector<1x10xf32>
      %reduce_sum3A = arith.constant dense<0.000000e+00> : vector<1xf32>
      %reduce_sum3A_87 = vector.multi_reduction <add>, %exp3A, %reduce_sum3A [1] : vector<1x10xf32> to vector<1xf32>
      %broadcast_in_dim3A_88 = vector.shape_cast %reduce_sum3A_87 : vector<1xf32> to vector<1x1xf32>
      %div3A = vector.broadcast %broadcast_in_dim3A_88 : vector<1x1xf32> to vector<1x10xf32>
      %div3A_89 = arith.divf %exp3A, %div3A : vector<1x10xf32>
      %swap3A_90 = arith.constant 0 : index
      %swap3A_91 = arith.constant 0 : index
      %swap3A_92 = vector.load %arg12[%swap3A_90, %swap3A_91] : memref<1x10xf32, #tpu.memory_space<vmem>>, vector<1x10xf32>
      tpu.vector_store %arg12[%swap3A_90, %swap3A_91], %div3A_89 {strides = array<i32>} : memref<1x10xf32, #tpu.memory_space<vmem>>, vector<1x10xf32>,
    } else {
    }
    return
  }
  func.func @transform_0(%arg0: i32) -> (i32, i32, i32) {
    %c0_i32 = arith.constant 0 : i32
    %c0_i32_0 = arith.constant 0 : i32
    %c0_i32_1 = arith.constant 0 : i32
    return %c0_i32, %arg0, %c0_i32_0 : i32, i32, i32
  }
  func.func @transform_1(%arg0: i32) -> (i32, i32) {
    %c0_i32 = arith.constant 0 : i32
    %c0_i32_0 = arith.constant 0 : i32
    return %arg0, %c0_i32 : i32, i32
  }
  func.func @transform_2(%arg0: i32) -> (i32, i32) {
    %c0_i32 = arith.constant 0 : i32
    %c0_i32_0 = arith.constant 0 : i32
    return %arg0, %c0_i32 : i32, i32
  }
  func.func @transform_3(%arg0: i32) -> (i32, i32) {
    %c0_i32 = arith.constant 0 : i32
    %c0_i32_0 = arith.constant 0 : i32
    return %arg0, %c0_i32 : i32, i32
  }
  func.func @transform_4(%arg0: i32) -> (i32, i32) {
    %c0_i32 = arith.constant 0 : i32
    %c0_i32_0 = arith.constant 0 : i32
    %c0_i32_1 = arith.constant 0 : i32
    return %c0_i32, %c0_i32_0 : i32, i32
  }
  func.func @transform_5(%arg0: i32) -> (i32, i32) {
    %c0_i32 = arith.constant 0 : i32
    %c0_i32_0 = arith.constant 0 : i32
    %c0_i32_1 = arith.constant 0 : i32
    return %c0_i32, %c0_i32_0 : i32, i32
  }
  func.func @transform_6(%arg0: i32) -> (i32, i32) {
    %c0_i32 = arith.constant 0 : i32
    %c0_i32_0 = arith.constant 0 : i32
    %c0_i32_1 = arith.constant 0 : i32
    return %c0_i32, %c0_i32_0 : i32, i32
  }
  func.func @transform_7(%arg0: i32) -> (i32, i32) {
    %c0_i32 = arith.constant 0 : i32
    %c0_i32_0 = arith.constant 0 : i32
    %c0_i32_1 = arith.constant 0 : i32
    return %c0_i32, %c0_i32_0 : i32, i32
  }
  func.func @transform_8(%arg0: i32) -> (i32, i32) {
    %c0_i32 = arith.constant 0 : i32
    %c0_i32_0 = arith.constant 0 : i32
    %c0_i32_1 = arith.constant 0 : i32
    return %c0_i32, %c0_i32_0 : i32, i32
  }
  func.func @transform_9(%arg0: i32) -> (i32, i32) {
    %c0_i32 = arith.constant 0 : i32
    %c0_i32_0 = arith.constant 0 : i32
    %c0_i32_1 = arith.constant 0 : i32
    return %c0_i32, %c0_i32_0 : i32, i32
  }
  func.func @transform_10(%arg0: i32) -> (i32, i32) {
    %c0_i32 = arith.constant 0 : i32
    %c0_i32_0 = arith.constant 0 : i32
    %c0_i32_1 = arith.constant 0 : i32
    return %c0_i32, %c0_i32_0 : i32, i32
  }
  func.func @transform_11(%arg0: i32) -> (i32, i32) {
    %c0_i32 = arith.constant 0 : i32
    %c0_i32_0 = arith.constant 0 : i32
    %c0_i32_1 = arith.constant 0 : i32
    return %c0_i32, %c0_i32_0 : i32, i32
  }
}

</mosaic_0001>

<sc_bundles>
// kernel: kernel.10.cloned.1.call-start
scs
__scs_entry_jumppad:
0x0: {  	(pc) =	sbr.rel $0x88, $3  }
0x1: {  	(tag) =	ssettag $0x0;
	lr =	simm.s32 $0x1  }
0x2: {  	[smem:$0x3F93] =	sst lr;
	_ =	strace $0xD0000000  }
0x3: {  	_ = 	snop  }
0x4: {  	_ = 	snop  }
0x5: {  	_ = 	snop  }
0x6: {  	_ = 	snop  }
0x7: {  	_ = 	snop  }
__scs_overlays_trampoline_lowered:
0x8: {  	[smem:$0x3FA2] =	sst s0  }
0x9: {  	[smem:$0x3FA3] =	sst s1  }
0xa: {  	[smem:$0x3FA4] =	sst s2  }
0xb: {  	[smem:$0x3FA5] =	sst s3  }
0xc: {  	[smem:$0x3FA6] =	sst s4  }
0xd: {  	[smem:$0x3FA7] =	sst s5  }
0xe: {  	[smem:$0x3FA8] =	sst s6  }
0xf: {  	[smem:$0x3FA9] =	sst s7  }
0x10: {  	[smem:$0x3FAA] =	sst s8  }
0x11: {  	[smem:$0x3FAB] =	sst s9;
	s0 =	simm.s32 @!p0 $0x0  }
0x12: {  	s1 =	sld [smem:$0x3F91];
	s0 =	simm.s32 @p0 $0x1  }
0x13: {  	[smem:$0x3FAC] =	sst s0;
	s0 =	simm.s32 @!p1 $0x0  }
0x14: {  	s2 =	sld [smem:$0x3F90];
	s0 =	simm.s32 @p1 $0x1  }
0x15: {  	[smem:$0x3FAD] =	sst s0;
	s0 =	simm.s32 @!p2 $0x0  }
0x16: {  	s3 =	sld [smem:$0x3FDB];
	s0 =	simm.s32 @p2 $0x1  }
0x17: {  	s4 =	simm.s32 $0x1BF5;
	[smem:$0x3FAF] =	sst s0  }
0x18: {  	s0 =	sld [smem:$0x3F92];
	_ =	swait.ge [sflag:s4], $0x0  }
0x19: {  	s7 =	sld [smem:$0x3F93]  }
0x1a: {  	s8 =	sadd.s32 $0xFFFFE003, lr  }
0x1b: {  	s9 =	sadd.s32 $0xFFFFFEF7, lr;
	s5 =	simm.s32 $0xFFFFFFFF;
	p2 =	slt.u32 s8, $0xFFFFF086  }
0x1c: {  	p1 =	slt.u32 s9, $0xF7A;
	s5 =	simm.s32 @!p2 $0x0  }
0x1d: {  	s5 =	simm.s32 @p1 $0x1;
	p0 =	seq.s32 s7, s2  }
0x1e: {  	s7 =	smul.u32 @!p0 $0xF7A, s2;
	p2 =	seq.s32 @!p0 s5, $0x0  }
0x1f: {  	s9 =	smul.u32 $0xF7A, s1;
	s8 =	simm.s32 @!p0 $0x1BF5;
	p2 =	por !p2, p0  }
0x20: {  	[sflag:s8] =	ssyncset.s32 @!p0 $0xFFFFF086;
	s6 =	sadd.s32 @!p0 s3, s7;
	s7 =	simm.s32 @!p0 $0x108  }
0x21: {  	s3 =	sadd.s32 s3, s9;
	s6 =	sadd.s32 @!p0 $0x88, s6;
	s7 =	simm.s32 @p2 $0x1082  }
0x22: {  	[simem:s7], [sflag:s8] =	dma.local @!p0 [hbm:s6], $0xF7A  }
0x23: {  	s9 =	sor.u32 $0xD0000000, s2;
	s6 =	simm.s32 $0x108;
	_ =	swait.ge @!p0 [sflag:s8], $0x0  }
0x24: {  	s3 =	sadd.s32 $0x88, s3;
	s6 =	simm.s32 @!p1 $0x1082;
	[sflag:s4] =	ssyncset.s32 $0xFFFFF086  }
0x25: {  	[simem:s6], [sflag:s4] =	dma.local [hbm:s3], $0xF7A  }
0x26: {  	[smem:$0x3F93] =	sst s1;
	(tag) =	ssettag s2;
	_ =	strace s9  }
0x27: {  	s1 =	sld [smem:$0x3FA3]  }
0x28: {  	s2 =	sld [smem:$0x3FA4]  }
0x29: {  	s4 =	sld [smem:$0x3FA6]  }
0x2a: {  	p0 =	seq.s32 s5, $0x0;
	s5 =	sld [smem:$0x3FA7]  }
0x2b: {  	s6 =	sld [smem:$0x3FA8]  }
0x2c: {  	s7 =	sld [smem:$0x3FA9]  }
0x2d: {  	s3 =	simm.s32 $0x108;
	s8 =	sld [smem:$0x3FAA]  }
0x2e: {  	s3 =	simm.s32 @!p0 $0x1082;
	s9 =	sld [smem:$0x3FAB]  }
0x2f: {  	lr =	sadd.s32 s0, s3;
	s0 =	sld [smem:$0x3FA2]  }
0x30: {  	s3 =	sld [smem:$0x3FA5]  }
0x31: {  	[smem:$0x3FAE] =	sst s10  }
0x32: {  	s10 =	sld [smem:$0x3FAC];
	_ =	sdelay $0x3  }
0x33: {  	p0 =	seq.s32 s10, $0x1;
	s10 =	sld [smem:$0x3FAE];
	_ =	sdelay $0x3  }
0x34: {  	[smem:$0x3FAE] =	sst s10  }
0x35: {  	s10 =	sld [smem:$0x3FAD];
	_ =	sdelay $0x3  }
0x36: {  	p1 =	seq.s32 s10, $0x1;
	s10 =	sld [smem:$0x3FAE];
	_ =	sdelay $0x3  }
0x37: {  	[smem:$0x3FAE] =	sst s10  }
0x38: {  	s10 =	sld [smem:$0x3FAF]  }
0x39: {  	_ = 	snop;
	(pc) =	sbr.ind lr, $3  }
0x3a: {  	_ = 	snop  }
0x3b: {  	_ = 	snop  }
0x3c: {  	p2 =	seq.s32 s10, $0x1;
	s10 =	sld [smem:$0x3FAE]  }
0x3d: {  	_ =	shalt  }
0x3e: {  	_ =	shalt  }
0x3f: {  	_ =	shalt  }
0x40: {  	_ =	shalt  }
0x41: {  	_ =	shalt  }
0x42: {  	_ =	shalt  }
0x43: {  	_ =	shalt  }
0x44: {  	_ =	shalt  }
0x45: {  	_ =	shalt  }
0x46: {  	_ =	shalt  }
0x47: {  	_ =	shalt  }
0x48: {  	_ =	shalt  }
0x49: {  	_ =	shalt  }
0x4a: {  	_ =	shalt  }
0x4b: {  	_ =	shalt  }
0x4c: {  	_ =	shalt  }
0x4d: {  	_ =	shalt  }
0x4e: {  	_ =	shalt  }
0x4f: {  	_ =	shalt  }
0x50: {  	_ =	shalt  }
0x51: {  	_ =	shalt  }
0x52: {  	_ =	shalt  }
0x53: {  	_ =	shalt  }
0x54: {  	_ =	shalt  }
0x55: {  	_ =	shalt  }
0x56: {  	_ =	shalt  }
0x57: {  	_ =	shalt  }
0x58: {  	_ =	shalt  }
0x59: {  	_ =	shalt  }
0x5a: {  	_ =	shalt  }
0x5b: {  	_ =	shalt  }
0x5c: {  	_ =	shalt  }
0x5d: {  	_ =	shalt  }
0x5e: {  	_ =	shalt  }
0x5f: {  	_ =	shalt  }
0x60: {  	_ =	shalt  }
0x61: {  	_ =	shalt  }
0x62: {  	_ =	shalt  }
0x63: {  	_ =	shalt  }
0x64: {  	_ =	shalt  }
0x65: {  	_ =	shalt  }
0x66: {  	_ =	shalt  }
0x67: {  	_ =	shalt  }
0x68: {  	_ =	shalt  }
0x69: {  	_ =	shalt  }
0x6a: {  	_ =	shalt  }
0x6b: {  	_ =	shalt  }
0x6c: {  	_ =	shalt  }
0x6d: {  	_ =	shalt  }
0x6e: {  	_ =	shalt  }
0x6f: {  	_ =	shalt  }
0x70: {  	_ =	shalt  }
0x71: {  	_ =	shalt  }
0x72: {  	_ =	shalt  }
0x73: {  	_ =	shalt  }
0x74: {  	_ =	shalt  }
0x75: {  	_ =	shalt  }
0x76: {  	_ =	shalt  }
0x77: {  	_ =	shalt  }
0x78: {  	_ =	shalt  }
0x79: {  	_ =	shalt  }
0x7a: {  	_ =	shalt  }
0x7b: {  	_ =	shalt  }
0x7c: {  	_ =	shalt  }
0x7d: {  	_ =	shalt  }
0x7e: {  	_ =	shalt  }
0x7f: {  	_ =	shalt  }
0x80: {  	_ =	shalt  }
0x81: {  	_ =	shalt  }
0x82: {  	_ =	shalt  }
0x83: {  	_ =	shalt  }
0x84: {  	_ =	shalt  }
0x85: {  	_ =	shalt  }
0x86: {  	_ =	shalt  }
0x87: {  	_ =	shalt  }
.Lfunc_end0:
.L_simem_size_0:
called_computation_lowered:
.L_overlay_start_0:
0x88: {  	s2 =	sld [smem:$0x3FD9]  }
0x89: {  	s3 =	sld [smem:$0x3FFE];
	_ =	sdelay $0x1  }
0x8a: {  	s1 =	srdreg.scid  }
0x8b: {  	s0 =	sand.u32 $0x1, s1  }
0x8c: {  	s16 =	sshll.u32 s0, $0xA;
	s2 =	sadd.s32 s3, s2  }
0x8d: {  	s2 =	sadd.s32 s2, s16  }
0x8e: {  	[smem:$0x3FBA] =	sst s2  }
0x8f: {  	_ = 	snop  }
0x90: {  	(tm) =	ssettm $0x1  }
0x91: {  	s17 =	sld [smem:$0x3FFB];
	_ =	sdelay $0x3  }
0x92: {  	_ =	strace s17  }
0x93: {  	s2 =	sld [smem:$0x3FFC];
	_ =	sdelay $0x3  }
0x94: {  	_ =	strace s2  }
0x95: {  	s2 =	sld [smem:$0x3FFD];
	_ =	sdelay $0x3  }
0x96: {  	_ =	strace s2  }
0x97: {  	_ =	strace $0x8FFFFFFF  }
0x98: {  	s18 =	sld [smem:$0x3FDB];
	_ =	sdelay $0x1  }
0x99: {  	s19 =	simm.s32 $_scs_section_size  }
0x9a: {  	s4 =	simm.s32 $_size__tile_overlayer_lowered;
	s5 =	simm.s32 $_tile_overlayer_lowered  }
0x9b: {  	s22 =	simm.s32 $0x1BFF;
	s21 =	sshll.u32 s5, $0x1;
	s2 =	sadd.s32 s19, s18  }
0x9c: {  	s6 =	simm.s32 $0x0;
	s20 =	sshll.u32 s4, $0x1;
	s4 =	sadd.s32 s21, s2  }
0x9d: {  	[timem:s6], [sflag:s22] =	dma.local [hbm:s4], s20  }
0x9e: {  	_ =	swait.ge [sflag:s22], s20  }
0x9f: {  	s3 =	ssub.s32 $0x0, s20;
	[sflag:s22] =	ssyncset.done $0x0  }
0xa0: {  	[sflag:s22] =	ssyncadd.s32 s3;
	_ =	sdelay $0x1  }
0xa1: {  	s23 =	simm.s32 $0x1B8B  }
0xa2: {  	_ =	swait.ge [sflag:s23], $0x1  }
0xa3: {  	[sflag:s23] =	ssyncset.done $0x0  }
0xa4: {  	s25 =	simm.s32 $0x1B8E;
	s24 =	sld [smem:$0x3FFE];
	[sflag:s23] =	ssyncadd.s32 $0xFFFFFFFF  }
0xa5: {  	s26 =	simm.s32 $execute0_lowered;
	[smem:$0x3FD2] =	sst s25  }
0xa6: {  	s4 =	sshll.u32 s26, $0x1;
	_ =	strace $0x80000046;
	[dreg:$0x1] =	wrdreg $0xFFFFFFFF  }
0xa7: {  	s28 =	simm.s32 $_size_execute0_lowered;
	s2 =	sadd.s32 s2, s4;
	[dreg:$0x0] =	wrdreg $0x0  }
0xa8: {  	s4 =	sshll.u32 s28, $0x1;
	[dreg:$0x2] =	wrdreg s2  }
0xa9: {  	[dreg:$0x3] =	wrdreg s4  }
0xaa: {  	[dreg:$0x4] =	wrdreg $0xC0  }
0xab: {  	_ =	task [dreg:s6], $0x5FFFF  }
0xac: {  	[dreg:$0x1] =	wrdreg $0xFFFFFFFF  }
0xad: {  	[dreg:$0x0] =	wrdreg $0x60  }
0xae: {  	[dreg:$0x2] =	wrdreg s24  }
0xaf: {  	[dreg:$0x3] =	wrdreg $0x68000  }
0xb0: {  	[dreg:$0x4] =	wrdreg $0x9  }
0xb1: {  	_ =	task.clear_ibuf [dreg:s6], $0x5FFFF;
	_ =	strace $0x90000046  }
0xb2: {  	s29 =	simm.s32 $0x9;
	_ =	strace $0x80000048  }
0xb3: {  	_ =	swait.ge [sflag:s29], $0x1  }
0xb4: {  	[sflag:s29] =	ssyncadd.s32 $0xFFFFFFFF  }
0xb5: {  	_ =	strace $0x90000048  }
0xb6: {  	_ =	sfence  }
0xb7: {  	s30 =	sld [smem:$0x0];
	_ =	sdelay $0x2  }
0xb8: {  	s31 =	sshll.u32 s1, $0xD;
	s1 =	sshrl.u32 s1, $0x2  }
0xb9: {  	s3 =	sand.u32 $0x4000, s31;
	s1 =	sadd.s32 s1, s30  }
0xba: {  	s0 =	sor.u32 s3, s0;
	s1 =	sshll.u32 s1, $0x11  }
0xbb: {  	s0 =	sor.u32 s1, s0  }
0xbc: {  	s0 =	sadd.s32 $0x8F2B, s0  }
0xbd: {  	[sflag:s0] =	ssyncadd.remote.s32 $0x1  }
0xbe: {  	_ =	sfence.sel $0xFFFF  }
0xbf: {  	[dreg:$0x0] =	wrdreg $0xFFFFFFFF;
	(pc) =	sbr.abs _section_cstart, $3  }
0xc0: {  	[dreg:$0x1] =	wrdreg $0xFFFFFFFF  }
0xc1: {  	_ =	task.clear_ibuf [dreg:s6], $0x2FFFF;
	_ =	strace $0x9FFFFFFF  }
0xc2: {  	(tm) =	ssettm $0x7FFFFFFF  }
0xc3: {  	_ =	shalt  }
tec
execute0_lowered:
.L_overlay_start_1:
0x0: {  	(tag) =	ssettag $0x1  }
0x1: {  	s1 =	srdreg.scid  }
0x2: {  	s0 =	stileid.u32;
	s7 =	rddreg [dreg:$0x0]  }
0x3: {  	s2 =	rddreg [dreg:$0x1];
	s3 =	simm.s32 $0x0;
	s13 =	simm.s32 $0x80  }
0x4: {  	s14 =	simm.s32 $0x0;
	s6 =	sand.u32 $0x1, s1;
	s8 =	smul.u32 $0x14000, s0  }
0x5: {  	s30 =	sshll.u32 s0, $0x1;
	[smem:$0x7FF] =	sst s3;
	s10 =	smul.u32 $0x50000, s0  }
0x6: {  	s11 =	sshll.u32 s0, $0x6;
	s1 =	sor.u32 s6, s30;
	s5 =	smul.u32 $0x140000, s6  }
0x7: {  	s6 =	ssub.s32 $0x2, s6;
	s11 =	sor.u32 $0x1C01, s11;
	s4 =	smul.u32 $0x500, s1  }
0x8: {  	s1 =	rddreg [dreg:$0x2];
	_ =	strace $0x80000047;
	s31 =	sshrl.u32 s6, $0x1  }
0x9: {  	s10 =	sshrl.u32 s10, $0x2;
	s8 =	sadd.s32 s8, s5;
	s5 =	sadd.s32 $0x19000, s7  }
0xa: {  	s12 =	sadd.s32 s10, s2;
	s10 =	simm.s32 $0x1;
	s9 =	sadd.s32 s4, s7  }
0xb: {  	s4 =	sadd.s32 $0x1B800, s7;
	s8 =	sshrl.u32 s8, $0x3;
	s12 =	sshrl.u32 s12, $0x3  }
0xc: {  	s7 =	sadd.s32 s8, s7;
	s8 =	ssub.s32 s6, s31;
	s6 =	sadd.s32 $0xF000, s9  }
0xd: {  	s9 =	simm.s32 $0x2800;
	s7 =	sadd.s32 $0x1C000, s7;
	s8 =	smax.u32 s8, $0x1  }
.LBB2_1:
0xe: {  	[tilespmem:s9], [sflag:$0x1] =	stream.linear.gather [hbm4b:s4+s3], $0x4000, $0x38;
	[tilespmem:$0x6A80] =	vst v63  }
0xf: {  	_ =	swait.ge [sflag:s10], $0x4000  }
0x10: {  	[sflag:s10] =	ssyncset.done $0x0  }
0x11: {  	[sflag:s10] =	ssyncadd.s32 $0xFFFFC000  }
0x12: {  	[tilespmem:s3], [sflag:$0x1] =	stream.linear.gather [hbm4b:s6+s3], $0x2800, $0x38;
	[tilespmem:$0x6A80] =	vst v63  }
0x13: {  	_ =	swait.ge [sflag:s10], $0x2800  }
0x14: {  	[sflag:s10] =	ssyncset.done $0x0  }
0x15: {  	[sflag:s10] =	ssyncadd.s32 $0xFFFFD800  }
0x16: {  	[spmem:s12], [sflag:s11] =	dma.local [hbm:s5], $0x2800  }
0x17: {  	_ =	swait.ge [sflag:s10], $0x2800  }
0x18: {  	[sflag:s10] =	ssyncset.done $0x0  }
0x19: {  	[sflag:s10] =	ssyncadd.s32 $0xFFFFD800  }
0x1a: {  	s15 =	simm.s32 $0x0;
	[bflag:$0x0] =	sbarrier.arrive $0xFFFF  }
0x1b: {  	[spmem:s2] =	stream.indirect.scatter.add.f32 [tilespmem:s9], [sflag:$0x1], $0x1, s15, s13, $0xb8;
	[tilespmem:$0x6A80] =	vst v63  }
0x1c: {  	_ =	swait.ge [sflag:s10], $0x80  }
0x1d: {  	s15 =	simm.s32 $0x200;
	[sflag:s10] =	ssyncset.done $0x0  }
.LBB2_2:
0x1e: {  	s16 =	sshra.s32 s15, $0x2;
	[sflag:s10] =	ssyncadd.s32 $0xFFFFFF80;
	p0 =	sne.s32 s15, $0x9E00  }
0x1f: {  	[spmem:s2] =	stream.indirect.scatter.add.f32 [tilespmem:s9], [sflag:$0x1], $0x1, s16, s13, $0xb8;
	[tilespmem:$0x6A80] =	vst v63  }
.Ltmp0:
0x20: {  	_ = 	snop;
	(pc) =	sbr.rel @p0 .LBB2_2-.Ltmp0, $4  }
0x21: {  	_ = 	snop  }
0x22: {  	s15 =	sadd.s32 $0x200, s15  }
0x23: {  	_ =	swait.ge [sflag:s10], $0x80  }
0x24: {  	[sflag:s10] =	ssyncset.done $0x0  }
0x25: {  	s14 =	sadd.s32 $0x1, s14  }
0x26: {  	[sflag:s10] =	ssyncadd.s32 $0xFFFFFF80;
	p0 =	sne.s32 s14, s8  }
.Ltmp1:
0x27: {  	[bflag:$0x0] =	sbarrier.arrive $0xFFFF;
	(pc) =	sbr.rel @p0 .LBB2_1-.Ltmp1, $4  }
0x28: {  	[hbm:s7], [sflag:s11] =	dma.local [spmem:s12], $0x2800  }
0x29: {  	_ =	swait.ge [sflag:s10], $0x2800  }
0x2a: {  	[sflag:s10] =	ssyncset.done $0x0  }
0x2b: {  	[sflag:s10] =	ssyncadd.s32 $0xFFFFD800  }
0x2c: {  	_ =	sfence.sel $0x180000  }
0x2d: {  	[bflag:$0x0] =	sbarrier.arrive $0xFFFF  }
0x2e: {  	p0 =	sne.s32 s0, $0x0;
	_ =	strace $0x90000047  }
0x2f: {  	s0 =	sadd.s32 @!p0 $0x100000, s1;
	[bflag:$0x2] =	sbarrier.arrive $0xFFFF  }
0x30: {  	[sflag:s0] =	ssyncadd.tile.s32 @!p0 $0x1;
	_ =	shalt  }
.Lfunc_end2:
_tile_overlayer_lowered:
.L_overlay_start_2:
0x31: {  	(tag) =	ssettag $0x2  }
0x32: {  	s0 =	rddreg [dreg:$0x0];
	s2 =	stileid.u32  }
0x33: {  	s1 =	rddreg [dreg:$0x1];
	p0 =	sne.s32 s2, $0x0  }
0x34: {  	s3 =	rddreg [dreg:$0x2];
	[bflag:$0x3] =	sbarrier.arrive $0xFFFF;
	s2 =	simm.s32 @!p0 $0x1C01  }
0x35: {  	[timem:s3], [sflag:s2] =	dma.local @!p0 [hbm:s0], s1  }
0x36: {  	s0 =	simm.s32 @!p0 $0x1  }
0x37: {  	_ =	swait.ge @!p0 [sflag:s0], s1  }
0x38: {  	s1 =	ssub.s32 @!p0 $0x0, s1;
	[sflag:s0] =	ssyncset.done @!p0 $0x0  }
0x39: {  	[sflag:s0] =	ssyncadd.s32 @!p0 s1  }
0x3a: {  	[bflag:$0x3] =	sbarrier.arrive $0xFFFF  }
0x3b: {  	_ =	shalt  }

// kernel: kernel.13.cloned.1.call-start
scs
__scs_entry_jumppad:
0x0: {  	(pc) =	sbr.rel $0x88, $3  }
0x1: {  	(tag) =	ssettag $0x0;
	lr =	simm.s32 $0x1  }
0x2: {  	[smem:$0x3F93] =	sst lr;
	_ =	strace $0xD0000000  }
0x3: {  	_ = 	snop  }
0x4: {  	_ = 	snop  }
0x5: {  	_ = 	snop  }
0x6: {  	_ = 	snop  }
0x7: {  	_ = 	snop  }
__scs_overlays_trampoline_lowered:
0x8: {  	[smem:$0x3FA2] =	sst s0  }
0x9: {  	[smem:$0x3FA3] =	sst s1  }
0xa: {  	[smem:$0x3FA4] =	sst s2  }
0xb: {  	[smem:$0x3FA5] =	sst s3  }
0xc: {  	[smem:$0x3FA6] =	sst s4  }
0xd: {  	[smem:$0x3FA7] =	sst s5  }
0xe: {  	[smem:$0x3FA8] =	sst s6  }
0xf: {  	[smem:$0x3FA9] =	sst s7  }
0x10: {  	[smem:$0x3FAA] =	sst s8  }
0x11: {  	[smem:$0x3FAB] =	sst s9;
	s0 =	simm.s32 @!p0 $0x0  }
0x12: {  	s1 =	sld [smem:$0x3F91];
	s0 =	simm.s32 @p0 $0x1  }
0x13: {  	[smem:$0x3FAC] =	sst s0;
	s0 =	simm.s32 @!p1 $0x0  }
0x14: {  	s2 =	sld [smem:$0x3F90];
	s0 =	simm.s32 @p1 $0x1  }
0x15: {  	[smem:$0x3FAD] =	sst s0;
	s0 =	simm.s32 @!p2 $0x0  }
0x16: {  	s3 =	sld [smem:$0x3FDB];
	s0 =	simm.s32 @p2 $0x1  }
0x17: {  	s4 =	simm.s32 $0x1BF5;
	[smem:$0x3FAF] =	sst s0  }
0x18: {  	s0 =	sld [smem:$0x3F92];
	_ =	swait.ge [sflag:s4], $0x0  }
0x19: {  	s7 =	sld [smem:$0x3F93]  }
0x1a: {  	s8 =	sadd.s32 $0xFFFFE003, lr  }
0x1b: {  	s9 =	sadd.s32 $0xFFFFFEF7, lr;
	s5 =	simm.s32 $0xFFFFFFFF;
	p2 =	slt.u32 s8, $0xFFFFF086  }
0x1c: {  	p1 =	slt.u32 s9, $0xF7A;
	s5 =	simm.s32 @!p2 $0x0  }
0x1d: {  	s5 =	simm.s32 @p1 $0x1;
	p0 =	seq.s32 s7, s2  }
0x1e: {  	s7 =	smul.u32 @!p0 $0xF7A, s2;
	p2 =	seq.s32 @!p0 s5, $0x0  }
0x1f: {  	s9 =	smul.u32 $0xF7A, s1;
	s8 =	simm.s32 @!p0 $0x1BF5;
	p2 =	por !p2, p0  }
0x20: {  	[sflag:s8] =	ssyncset.s32 @!p0 $0xFFFFF086;
	s6 =	sadd.s32 @!p0 s3, s7;
	s7 =	simm.s32 @!p0 $0x108  }
0x21: {  	s3 =	sadd.s32 s3, s9;
	s6 =	sadd.s32 @!p0 $0x88, s6;
	s7 =	simm.s32 @p2 $0x1082  }
0x22: {  	[simem:s7], [sflag:s8] =	dma.local @!p0 [hbm:s6], $0xF7A  }
0x23: {  	s9 =	sor.u32 $0xD0000000, s2;
	s6 =	simm.s32 $0x108;
	_ =	swait.ge @!p0 [sflag:s8], $0x0  }
0x24: {  	s3 =	sadd.s32 $0x88, s3;
	s6 =	simm.s32 @!p1 $0x1082;
	[sflag:s4] =	ssyncset.s32 $0xFFFFF086  }
0x25: {  	[simem:s6], [sflag:s4] =	dma.local [hbm:s3], $0xF7A  }
0x26: {  	[smem:$0x3F93] =	sst s1;
	(tag) =	ssettag s2;
	_ =	strace s9  }
0x27: {  	s1 =	sld [smem:$0x3FA3]  }
0x28: {  	s2 =	sld [smem:$0x3FA4]  }
0x29: {  	s4 =	sld [smem:$0x3FA6]  }
0x2a: {  	p0 =	seq.s32 s5, $0x0;
	s5 =	sld [smem:$0x3FA7]  }
0x2b: {  	s6 =	sld [smem:$0x3FA8]  }
0x2c: {  	s7 =	sld [smem:$0x3FA9]  }
0x2d: {  	s3 =	simm.s32 $0x108;
	s8 =	sld [smem:$0x3FAA]  }
0x2e: {  	s3 =	simm.s32 @!p0 $0x1082;
	s9 =	sld [smem:$0x3FAB]  }
0x2f: {  	lr =	sadd.s32 s0, s3;
	s0 =	sld [smem:$0x3FA2]  }
0x30: {  	s3 =	sld [smem:$0x3FA5]  }
0x31: {  	[smem:$0x3FAE] =	sst s10  }
0x32: {  	s10 =	sld [smem:$0x3FAC];
	_ =	sdelay $0x3  }
0x33: {  	p0 =	seq.s32 s10, $0x1;
	s10 =	sld [smem:$0x3FAE];
	_ =	sdelay $0x3  }
0x34: {  	[smem:$0x3FAE] =	sst s10  }
0x35: {  	s10 =	sld [smem:$0x3FAD];
	_ =	sdelay $0x3  }
0x36: {  	p1 =	seq.s32 s10, $0x1;
	s10 =	sld [smem:$0x3FAE];
	_ =	sdelay $0x3  }
0x37: {  	[smem:$0x3FAE] =	sst s10  }
0x38: {  	s10 =	sld [smem:$0x3FAF]  }
0x39: {  	_ = 	snop;
	(pc) =	sbr.ind lr, $3  }
0x3a: {  	_ = 	snop  }
0x3b: {  	_ = 	snop  }
0x3c: {  	p2 =	seq.s32 s10, $0x1;
	s10 =	sld [smem:$0x3FAE]  }
0x3d: {  	_ =	shalt  }
0x3e: {  	_ =	shalt  }
0x3f: {  	_ =	shalt  }
0x40: {  	_ =	shalt  }
0x41: {  	_ =	shalt  }
0x42: {  	_ =	shalt  }
0x43: {  	_ =	shalt  }
0x44: {  	_ =	shalt  }
0x45: {  	_ =	shalt  }
0x46: {  	_ =	shalt  }
0x47: {  	_ =	shalt  }
0x48: {  	_ =	shalt  }
0x49: {  	_ =	shalt  }
0x4a: {  	_ =	shalt  }
0x4b: {  	_ =	shalt  }
0x4c: {  	_ =	shalt  }
0x4d: {  	_ =	shalt  }
0x4e: {  	_ =	shalt  }
0x4f: {  	_ =	shalt  }
0x50: {  	_ =	shalt  }
0x51: {  	_ =	shalt  }
0x52: {  	_ =	shalt  }
0x53: {  	_ =	shalt  }
0x54: {  	_ =	shalt  }
0x55: {  	_ =	shalt  }
0x56: {  	_ =	shalt  }
0x57: {  	_ =	shalt  }
0x58: {  	_ =	shalt  }
0x59: {  	_ =	shalt  }
0x5a: {  	_ =	shalt  }
0x5b: {  	_ =	shalt  }
0x5c: {  	_ =	shalt  }
0x5d: {  	_ =	shalt  }
0x5e: {  	_ =	shalt  }
0x5f: {  	_ =	shalt  }
0x60: {  	_ =	shalt  }
0x61: {  	_ =	shalt  }
0x62: {  	_ =	shalt  }
0x63: {  	_ =	shalt  }
0x64: {  	_ =	shalt  }
0x65: {  	_ =	shalt  }
0x66: {  	_ =	shalt  }
0x67: {  	_ =	shalt  }
0x68: {  	_ =	shalt  }
0x69: {  	_ =	shalt  }
0x6a: {  	_ =	shalt  }
0x6b: {  	_ =	shalt  }
0x6c: {  	_ =	shalt  }
0x6d: {  	_ =	shalt  }
0x6e: {  	_ =	shalt  }
0x6f: {  	_ =	shalt  }
0x70: {  	_ =	shalt  }
0x71: {  	_ =	shalt  }
0x72: {  	_ =	shalt  }
0x73: {  	_ =	shalt  }
0x74: {  	_ =	shalt  }
0x75: {  	_ =	shalt  }
0x76: {  	_ =	shalt  }
0x77: {  	_ =	shalt  }
0x78: {  	_ =	shalt  }
0x79: {  	_ =	shalt  }
0x7a: {  	_ =	shalt  }
0x7b: {  	_ =	shalt  }
0x7c: {  	_ =	shalt  }
0x7d: {  	_ =	shalt  }
0x7e: {  	_ =	shalt  }
0x7f: {  	_ =	shalt  }
0x80: {  	_ =	shalt  }
0x81: {  	_ =	shalt  }
0x82: {  	_ =	shalt  }
0x83: {  	_ =	shalt  }
0x84: {  	_ =	shalt  }
0x85: {  	_ =	shalt  }
0x86: {  	_ =	shalt  }
0x87: {  	_ =	shalt  }
.Lfunc_end0:
.L_simem_size_0:
called_computation.1_lowered:
.L_overlay_start_0:
0x88: {  	s2 =	sld [smem:$0x3FD9]  }
0x89: {  	s3 =	sld [smem:$0x3FFE];
	_ =	sdelay $0x1  }
0x8a: {  	s1 =	srdreg.scid  }
0x8b: {  	s0 =	sand.u32 $0x1, s1  }
0x8c: {  	s16 =	sshll.u32 s0, $0xA;
	s2 =	sadd.s32 s3, s2  }
0x8d: {  	s2 =	sadd.s32 s2, s16  }
0x8e: {  	[smem:$0x3FBA] =	sst s2  }
0x8f: {  	_ = 	snop  }
0x90: {  	(tm) =	ssettm $0x1  }
0x91: {  	s17 =	sld [smem:$0x3FFB];
	_ =	sdelay $0x3  }
0x92: {  	_ =	strace s17  }
0x93: {  	s2 =	sld [smem:$0x3FFC];
	_ =	sdelay $0x3  }
0x94: {  	_ =	strace s2  }
0x95: {  	s2 =	sld [smem:$0x3FFD];
	_ =	sdelay $0x3  }
0x96: {  	_ =	strace s2  }
0x97: {  	_ =	strace $0x8FFFFFFF  }
0x98: {  	s18 =	sld [smem:$0x3FDB];
	_ =	sdelay $0x1  }
0x99: {  	s19 =	simm.s32 $_scs_section_size  }
0x9a: {  	s4 =	simm.s32 $_size__tile_overlayer_lowered;
	s5 =	simm.s32 $_tile_overlayer_lowered  }
0x9b: {  	s22 =	simm.s32 $0x1BFF;
	s21 =	sshll.u32 s5, $0x1;
	s2 =	sadd.s32 s19, s18  }
0x9c: {  	s6 =	simm.s32 $0x0;
	s20 =	sshll.u32 s4, $0x1;
	s4 =	sadd.s32 s21, s2  }
0x9d: {  	[timem:s6], [sflag:s22] =	dma.local [hbm:s4], s20  }
0x9e: {  	_ =	swait.ge [sflag:s22], s20  }
0x9f: {  	s3 =	ssub.s32 $0x0, s20;
	[sflag:s22] =	ssyncset.done $0x0  }
0xa0: {  	[sflag:s22] =	ssyncadd.s32 s3;
	_ =	sdelay $0x1  }
0xa1: {  	s23 =	simm.s32 $0x1B8B  }
0xa2: {  	_ =	swait.ge [sflag:s23], $0x1  }
0xa3: {  	[sflag:s23] =	ssyncset.done $0x0  }
0xa4: {  	s25 =	simm.s32 $0x1B8E;
	s24 =	sld [smem:$0x3FFE];
	[sflag:s23] =	ssyncadd.s32 $0xFFFFFFFF  }
0xa5: {  	s26 =	simm.s32 $execute0_lowered;
	[smem:$0x3FD2] =	sst s25  }
0xa6: {  	s4 =	sshll.u32 s26, $0x1;
	_ =	strace $0x80000049;
	[dreg:$0x1] =	wrdreg $0xFFFFFFFF  }
0xa7: {  	s28 =	simm.s32 $_size_execute0_lowered;
	s2 =	sadd.s32 s2, s4;
	[dreg:$0x0] =	wrdreg $0x0  }
0xa8: {  	s4 =	sshll.u32 s28, $0x1;
	[dreg:$0x2] =	wrdreg s2  }
0xa9: {  	[dreg:$0x3] =	wrdreg s4  }
0xaa: {  	[dreg:$0x4] =	wrdreg $0xC0  }
0xab: {  	_ =	task [dreg:s6], $0x5FFFF  }
0xac: {  	[dreg:$0x1] =	wrdreg $0xFFFFFFFF  }
0xad: {  	[dreg:$0x0] =	wrdreg $0x60  }
0xae: {  	[dreg:$0x2] =	wrdreg s24  }
0xaf: {  	[dreg:$0x3] =	wrdreg $0xA8000  }
0xb0: {  	[dreg:$0x4] =	wrdreg $0x9  }
0xb1: {  	_ =	task.clear_ibuf [dreg:s6], $0x5FFFF;
	_ =	strace $0x90000049  }
0xb2: {  	s29 =	simm.s32 $0x9;
	_ =	strace $0x8000004B  }
0xb3: {  	_ =	swait.ge [sflag:s29], $0x1  }
0xb4: {  	[sflag:s29] =	ssyncadd.s32 $0xFFFFFFFF  }
0xb5: {  	_ =	strace $0x9000004B  }
0xb6: {  	_ =	sfence  }
0xb7: {  	s30 =	sld [smem:$0x0];
	_ =	sdelay $0x2  }
0xb8: {  	s31 =	sshll.u32 s1, $0xD;
	s1 =	sshrl.u32 s1, $0x2  }
0xb9: {  	s3 =	sand.u32 $0x4000, s31;
	s1 =	sadd.s32 s1, s30  }
0xba: {  	s0 =	sor.u32 s3, s0;
	s1 =	sshll.u32 s1, $0x11  }
0xbb: {  	s0 =	sor.u32 s1, s0  }
0xbc: {  	s0 =	sadd.s32 $0x8F2B, s0  }
0xbd: {  	[sflag:s0] =	ssyncadd.remote.s32 $0x1  }
0xbe: {  	_ =	sfence.sel $0xFFFF  }
0xbf: {  	[dreg:$0x0] =	wrdreg $0xFFFFFFFF;
	(pc) =	sbr.abs _section_cstart, $3  }
0xc0: {  	[dreg:$0x1] =	wrdreg $0xFFFFFFFF  }
0xc1: {  	_ =	task.clear_ibuf [dreg:s6], $0x2FFFF;
	_ =	strace $0x9FFFFFFF  }
0xc2: {  	(tm) =	ssettm $0x7FFFFFFF  }
0xc3: {  	_ =	shalt  }
tec
execute0_lowered:
.L_overlay_start_1:
0x0: {  	(tag) =	ssettag $0x1  }
0x1: {  	s6 =	rddreg [dreg:$0x0]  }
0x2: {  	s1 =	rddreg [dreg:$0x1]  }
0x3: {  	s2 =	srdreg.scid;
	s0 =	rddreg [dreg:$0x2];
	s3 =	simm.s32 $0x0  }
0x4: {  	s20 =	simm.s32 $0x80;
	s21 =	simm.s32 $0x2800;
	s22 =	simm.s32 $0x6800  }
0x5: {  	s23 =	simm.s32 $0x1;
	s24 =	simm.s32 $0x0;
	s7 =	sand.u32 $0x1, s2  }
0x6: {  	s2 =	stileid.u32;
	[smem:$0x7FF] =	sst s3;
	s4 =	sadd.s32 $0x6C000, s6  }
0x7: {  	s9 =	sadd.s32 $0x5000, s6;
	s10 =	sadd.s32 $0xF000, s6;
	s5 =	smul.u32 $0x140000, s7  }
0x8: {  	s8 =	smul.u32 $0x14000, s2;
	_ =	strace $0x8000004A;
	s11 =	ssub.s32 $0x2, s7  }
0x9: {  	s12 =	sshll.u32 s2, $0x1;
	s13 =	smul.u32 $0x50000, s2;
	s28 =	sshll.u32 s2, $0x6  }
0xa: {  	s25 =	sshrl.u32 s11, $0x1;
	s7 =	sor.u32 s7, s12;
	s8 =	sadd.s32 s8, s5  }
0xb: {  	s5 =	sadd.s32 $0x19000, s6;
	s26 =	sshrl.u32 s13, $0x2;
	s7 =	smul.u32 $0x2800, s7  }
0xc: {  	s29 =	ssub.s32 s11, s25;
	s8 =	sshrl.u32 s8, $0x3;
	s15 =	sadd.s32 s26, s1  }
0xd: {  	s12 =	smax.u32 s29, $0x1;
	s14 =	sadd.s32 s8, s6;
	s6 =	sor.u32 $0x1C02, s28  }
0xe: {  	s16 =	sadd.s32 $0x4000, s15;
	s17 =	sadd.s32 $0x8000, s15;
	s30 =	sshrl.u32 s7, $0x3  }
0xf: {  	s18 =	sadd.s32 $0xC000, s15;
	s19 =	sadd.s32 $0x10000, s15;
	s13 =	sshrl.u32 s15, $0x3  }
0x10: {  	s31 =	sadd.s32 $0x280, s30;
	s7 =	sadd.s32 s9, s30;
	s8 =	sadd.s32 s10, s30  }
0x11: {  	s11 =	sadd.s32 $0x94000, s14;
	s14 =	simm.s32 $0x2;
	s15 =	sshrl.u32 s16, $0x3  }
0x12: {  	s16 =	sshrl.u32 s17, $0x3;
	s17 =	sshrl.u32 s18, $0x3;
	s18 =	sshrl.u32 s19, $0x3  }
0x13: {  	s19 =	simm.s32 $0x1400;
	s9 =	sadd.s32 s9, s31;
	s10 =	sadd.s32 s10, s31  }
.LBB2_1:
0x14: {  	[spmem:s13], [sflag:s6] =	dma.local [hbm:s5], $0x800  }
0x15: {  	_ =	swait.ge [sflag:s14], $0x800  }
0x16: {  	[sflag:s14] =	ssyncset.done $0x0  }
0x17: {  	[sflag:s14] =	ssyncadd.s32 $0xFFFFF800  }
0x18: {  	[spmem:s15], [sflag:s6] =	dma.local [hbm:s5], $0x800  }
0x19: {  	_ =	swait.ge [sflag:s14], $0x800  }
0x1a: {  	[sflag:s14] =	ssyncset.done $0x0  }
0x1b: {  	[sflag:s14] =	ssyncadd.s32 $0xFFFFF800  }
0x1c: {  	[spmem:s16], [sflag:s6] =	dma.local [hbm:s5], $0x800  }
0x1d: {  	_ =	swait.ge [sflag:s14], $0x800  }
0x1e: {  	[sflag:s14] =	ssyncset.done $0x0  }
0x1f: {  	[sflag:s14] =	ssyncadd.s32 $0xFFFFF800  }
0x20: {  	[spmem:s17], [sflag:s6] =	dma.local [hbm:s5], $0x800  }
0x21: {  	_ =	swait.ge [sflag:s14], $0x800  }
0x22: {  	[sflag:s14] =	ssyncset.done $0x0  }
0x23: {  	[sflag:s14] =	ssyncadd.s32 $0xFFFFF800  }
0x24: {  	[spmem:s18], [sflag:s6] =	dma.local [hbm:s5], $0x800  }
0x25: {  	_ =	swait.ge [sflag:s14], $0x800  }
0x26: {  	[sflag:s14] =	ssyncset.done $0x0  }
0x27: {  	[sflag:s14] =	ssyncadd.s32 $0xFFFFF800  }
0x28: {  	[bflag:$0x0] =	sbarrier.arrive $0xFFFF  }
0x29: {  	[tilespmem:s3], [sflag:$0x2] =	stream.linear.gather [hbm4b:s7+s3], $0x1400, $0x38;
	[tilespmem:$0x1E800] =	vst v63  }
0x2a: {  	_ =	swait.ge [sflag:s14], $0x1400  }
0x2b: {  	[sflag:s14] =	ssyncset.done $0x0  }
0x2c: {  	[sflag:s14] =	ssyncadd.s32 $0xFFFFEC00  }
0x2d: {  	[tilespmem:s19], [sflag:$0x2] =	stream.linear.gather [hbm4b:s8+s3], $0x1400, $0x38;
	[tilespmem:$0x1E800] =	vst v63  }
0x2e: {  	_ =	swait.ge [sflag:s14], $0x1400  }
0x2f: {  	[sflag:s14] =	ssyncset.done $0x0  }
0x30: {  	s25 =	simm.s32 $0x0;
	[sflag:s14] =	ssyncadd.s32 $0xFFFFEC00  }
0x31: {  	[tilespmem:s21], [sflag:$0x1] =	stream.indirect.gather [hbm4b:s4+s20], $0x80, s25, s20, $0xb8;
	[tilespmem:$0x1E800] =	vst v63  }
0x32: {  	s29 =	simm.s32 $0x80  }
0x33: {  	[tilespmem:s22], [sflag:$0x1] =	stream.indirect.gather [hbm4b:s4+s20], $0x80, s29, s20, $0xb8;
	[tilespmem:$0x1E800] =	vst v63  }
0x34: {  	_ =	swait.ge [sflag:s23], $0x4000  }
0x35: {  	[sflag:s23] =	ssyncset.done $0x0  }
0x36: {  	s30 =	simm.s32 $0x1400;
	[sflag:s23] =	ssyncadd.s32 $0xFFFFC000  }
0x37: {  	[spmem:s1] =	stream.indirect.scatter.add.f32 [tilespmem:s21], [sflag:$0x2], $0x80, s30, s20, $0xb8;
	[tilespmem:$0x1E800] =	vst v63  }
0x38: {  	_ =	swait.ge [sflag:s14], $0x4000  }
0x39: {  	[sflag:s14] =	ssyncset.done $0x0  }
0x3a: {  	[sflag:s14] =	ssyncadd.s32 $0xFFFFC000  }
0x3b: {  	_ =	swait.ge [sflag:s23], $0x4000  }
0x3c: {  	[sflag:s23] =	ssyncset.done $0x0  }
0x3d: {  	s31 =	simm.s32 $0x1480;
	[sflag:s23] =	ssyncadd.s32 $0xFFFFC000  }
0x3e: {  	[spmem:s1] =	stream.indirect.scatter.add.f32 [tilespmem:s22], [sflag:$0x2], $0x80, s31, s20, $0xb8;
	[tilespmem:$0x1E800] =	vst v63  }
0x3f: {  	_ =	swait.ge [sflag:s14], $0x4000  }
0x40: {  	s26 =	simm.s32 $0x800;
	s25 =	simm.s32 $0x400;
	[sflag:s14] =	ssyncset.done $0x0  }
.LBB2_2:
0x41: {  	s28 =	sshra.s32 s25, $0x2  }
0x42: {  	[sflag:s14] =	ssyncadd.s32 $0xFFFFC000;
	s25 =	smov.u32 s26;
	s29 =	sadd.s32 $0x400, s26  }
0x43: {  	[tilespmem:s21], [sflag:$0x1] =	stream.indirect.gather [hbm4b:s4+s20], $0x80, s28, s20, $0xb8;
	[tilespmem:$0x1E800] =	vst v63  }
0x44: {  	p0 =	sne.s32 s26, $0x4C00;
	s26 =	sadd.s32 $0x80, s28  }
0x45: {  	[tilespmem:s22], [sflag:$0x1] =	stream.indirect.gather [hbm4b:s4+s20], $0x80, s26, s20, $0xb8;
	[tilespmem:$0x1E800] =	vst v63  }
0x46: {  	_ =	swait.ge [sflag:s23], $0x4000  }
0x47: {  	[sflag:s23] =	ssyncset.done $0x0  }
0x48: {  	s26 =	sadd.s32 $0x1400, s28;
	[sflag:s23] =	ssyncadd.s32 $0xFFFFC000  }
0x49: {  	[spmem:s1] =	stream.indirect.scatter.add.f32 [tilespmem:s21], [sflag:$0x2], $0x80, s26, s20, $0xb8;
	[tilespmem:$0x1E800] =	vst v63  }
0x4a: {  	_ =	swait.ge [sflag:s14], $0x4000  }
0x4b: {  	[sflag:s14] =	ssyncset.done $0x0  }
0x4c: {  	[sflag:s14] =	ssyncadd.s32 $0xFFFFC000  }
0x4d: {  	_ =	swait.ge [sflag:s23], $0x4000  }
.Ltmp0:
0x4e: {  	[sflag:s23] =	ssyncset.done $0x0;
	(pc) =	sbr.rel @p0 .LBB2_2-.Ltmp0, $4  }
0x4f: {  	s26 =	sadd.s32 $0x1480, s28;
	[sflag:s23] =	ssyncadd.s32 $0xFFFFC000  }
0x50: {  	[spmem:s1] =	stream.indirect.scatter.add.f32 [tilespmem:s22], [sflag:$0x2], $0x80, s26, s20, $0xb8;
	[tilespmem:$0x1E800] =	vst v63  }
0x51: {  	_ =	swait.ge [sflag:s14], $0x4000  }
0x52: {  	s26 =	smov.u32 s29;
	[sflag:s14] =	ssyncset.done $0x0  }
0x53: {  	s25 =	sshra.s32 s25, $0x2;
	[sflag:s14] =	ssyncadd.s32 $0xFFFFC000  }
0x54: {  	[tilespmem:s21], [sflag:$0x1] =	stream.indirect.gather [hbm4b:s4+s20], $0x80, s25, s20, $0xb8;
	[tilespmem:$0x1E800] =	vst v63  }
0x55: {  	s26 =	sadd.s32 $0x80, s25  }
0x56: {  	[tilespmem:s22], [sflag:$0x1] =	stream.indirect.gather [hbm4b:s4+s20], $0x80, s26, s20, $0xb8;
	[tilespmem:$0x1E800] =	vst v63  }
0x57: {  	_ =	swait.ge [sflag:s23], $0x4000  }
0x58: {  	[sflag:s23] =	ssyncset.done $0x0  }
0x59: {  	s31 =	sadd.s32 $0x1400, s25;
	[sflag:s23] =	ssyncadd.s32 $0xFFFFC000  }
0x5a: {  	[spmem:s1] =	stream.indirect.scatter.add.f32 [tilespmem:s21], [sflag:$0x2], $0x80, s31, s20, $0xb8;
	[tilespmem:$0x1E800] =	vst v63  }
0x5b: {  	_ =	swait.ge [sflag:s14], $0x4000  }
0x5c: {  	[sflag:s14] =	ssyncset.done $0x0  }
0x5d: {  	[sflag:s14] =	ssyncadd.s32 $0xFFFFC000  }
0x5e: {  	_ =	swait.ge [sflag:s23], $0x4000  }
0x5f: {  	[sflag:s23] =	ssyncset.done $0x0  }
0x60: {  	s25 =	sadd.s32 $0x1480, s25;
	[sflag:s23] =	ssyncadd.s32 $0xFFFFC000  }
0x61: {  	[spmem:s1] =	stream.indirect.scatter.add.f32 [tilespmem:s22], [sflag:$0x2], $0x80, s25, s20, $0xb8;
	[tilespmem:$0x1E800] =	vst v63  }
0x62: {  	_ =	swait.ge [sflag:s14], $0x4000  }
0x63: {  	[sflag:s14] =	ssyncset.done $0x0  }
0x64: {  	s26 =	simm.s32 $0x0;
	[sflag:s14] =	ssyncadd.s32 $0xFFFFC000  }
0x65: {  	[tilespmem:s26], [sflag:$0x2] =	stream.linear.gather [hbm4b:s9+s26], $0x1400, $0x38;
	[tilespmem:$0x1E800] =	vst v63  }
0x66: {  	_ =	swait.ge [sflag:s14], $0x1400  }
0x67: {  	[sflag:s14] =	ssyncset.done $0x0  }
0x68: {  	[sflag:s14] =	ssyncadd.s32 $0xFFFFEC00  }
0x69: {  	[tilespmem:s19], [sflag:$0x2] =	stream.linear.gather [hbm4b:s10+s26], $0x1400, $0x38;
	[tilespmem:$0x1E800] =	vst v63  }
0x6a: {  	_ =	swait.ge [sflag:s14], $0x1400  }
0x6b: {  	[sflag:s14] =	ssyncset.done $0x0  }
0x6c: {  	s28 =	simm.s32 $0x0;
	[sflag:s14] =	ssyncadd.s32 $0xFFFFEC00  }
0x6d: {  	[tilespmem:s21], [sflag:$0x1] =	stream.indirect.gather [hbm4b:s4+s20], $0x80, s28, s20, $0xb8;
	[tilespmem:$0x1E800] =	vst v63  }
0x6e: {  	s29 =	simm.s32 $0x80  }
0x6f: {  	[tilespmem:s22], [sflag:$0x1] =	stream.indirect.gather [hbm4b:s4+s20], $0x80, s29, s20, $0xb8;
	[tilespmem:$0x1E800] =	vst v63  }
0x70: {  	_ =	swait.ge [sflag:s23], $0x4000  }
0x71: {  	[sflag:s23] =	ssyncset.done $0x0  }
0x72: {  	s30 =	simm.s32 $0x1400;
	[sflag:s23] =	ssyncadd.s32 $0xFFFFC000  }
0x73: {  	[spmem:s1] =	stream.indirect.scatter.add.f32 [tilespmem:s21], [sflag:$0x2], $0x80, s30, s20, $0xb8;
	[tilespmem:$0x1E800] =	vst v63  }
0x74: {  	_ =	swait.ge [sflag:s14], $0x4000  }
0x75: {  	[sflag:s14] =	ssyncset.done $0x0  }
0x76: {  	[sflag:s14] =	ssyncadd.s32 $0xFFFFC000  }
0x77: {  	_ =	swait.ge [sflag:s23], $0x4000  }
0x78: {  	[sflag:s23] =	ssyncset.done $0x0  }
0x79: {  	s31 =	simm.s32 $0x1480;
	[sflag:s23] =	ssyncadd.s32 $0xFFFFC000  }
0x7a: {  	[spmem:s1] =	stream.indirect.scatter.add.f32 [tilespmem:s22], [sflag:$0x2], $0x80, s31, s20, $0xb8;
	[tilespmem:$0x1E800] =	vst v63  }
0x7b: {  	_ =	swait.ge [sflag:s14], $0x4000  }
0x7c: {  	s25 =	simm.s32 $0x400;
	s26 =	simm.s32 $0x800;
	[sflag:s14] =	ssyncset.done $0x0  }
.LBB2_4:
0x7d: {  	s28 =	sshra.s32 s25, $0x2  }
0x7e: {  	[sflag:s14] =	ssyncadd.s32 $0xFFFFC000;
	s25 =	smov.u32 s26;
	s29 =	sadd.s32 $0x400, s26  }
0x7f: {  	[tilespmem:s21], [sflag:$0x1] =	stream.indirect.gather [hbm4b:s4+s20], $0x80, s28, s20, $0xb8;
	[tilespmem:$0x1E800] =	vst v63  }
0x80: {  	p0 =	sne.s32 s26, $0x4C00;
	s26 =	sadd.s32 $0x80, s28  }
0x81: {  	[tilespmem:s22], [sflag:$0x1] =	stream.indirect.gather [hbm4b:s4+s20], $0x80, s26, s20, $0xb8;
	[tilespmem:$0x1E800] =	vst v63  }
0x82: {  	_ =	swait.ge [sflag:s23], $0x4000  }
0x83: {  	[sflag:s23] =	ssyncset.done $0x0  }
0x84: {  	s26 =	sadd.s32 $0x1400, s28;
	[sflag:s23] =	ssyncadd.s32 $0xFFFFC000  }
0x85: {  	[spmem:s1] =	stream.indirect.scatter.add.f32 [tilespmem:s21], [sflag:$0x2], $0x80, s26, s20, $0xb8;
	[tilespmem:$0x1E800] =	vst v63  }
0x86: {  	_ =	swait.ge [sflag:s14], $0x4000  }
0x87: {  	[sflag:s14] =	ssyncset.done $0x0  }
0x88: {  	[sflag:s14] =	ssyncadd.s32 $0xFFFFC000  }
0x89: {  	_ =	swait.ge [sflag:s23], $0x4000  }
.Ltmp1:
0x8a: {  	[sflag:s23] =	ssyncset.done $0x0;
	(pc) =	sbr.rel @p0 .LBB2_4-.Ltmp1, $4  }
0x8b: {  	s26 =	sadd.s32 $0x1480, s28;
	[sflag:s23] =	ssyncadd.s32 $0xFFFFC000  }
0x8c: {  	[spmem:s1] =	stream.indirect.scatter.add.f32 [tilespmem:s22], [sflag:$0x2], $0x80, s26, s20, $0xb8;
	[tilespmem:$0x1E800] =	vst v63  }
0x8d: {  	_ =	swait.ge [sflag:s14], $0x4000  }
0x8e: {  	s26 =	smov.u32 s29;
	[sflag:s14] =	ssyncset.done $0x0  }
0x8f: {  	s25 =	sshra.s32 s25, $0x2;
	[sflag:s14] =	ssyncadd.s32 $0xFFFFC000  }
0x90: {  	[tilespmem:s21], [sflag:$0x1] =	stream.indirect.gather [hbm4b:s4+s20], $0x80, s25, s20, $0xb8;
	[tilespmem:$0x1E800] =	vst v63  }
0x91: {  	s26 =	sadd.s32 $0x80, s25  }
0x92: {  	[tilespmem:s22], [sflag:$0x1] =	stream.indirect.gather [hbm4b:s4+s20], $0x80, s26, s20, $0xb8;
	[tilespmem:$0x1E800] =	vst v63  }
0x93: {  	_ =	swait.ge [sflag:s23], $0x4000  }
0x94: {  	[sflag:s23] =	ssyncset.done $0x0  }
0x95: {  	s31 =	sadd.s32 $0x1400, s25;
	[sflag:s23] =	ssyncadd.s32 $0xFFFFC000  }
0x96: {  	[spmem:s1] =	stream.indirect.scatter.add.f32 [tilespmem:s21], [sflag:$0x2], $0x80, s31, s20, $0xb8;
	[tilespmem:$0x1E800] =	vst v63  }
0x97: {  	_ =	swait.ge [sflag:s14], $0x4000  }
0x98: {  	[sflag:s14] =	ssyncset.done $0x0  }
0x99: {  	[sflag:s14] =	ssyncadd.s32 $0xFFFFC000  }
0x9a: {  	_ =	swait.ge [sflag:s23], $0x4000  }
0x9b: {  	[sflag:s23] =	ssyncset.done $0x0  }
0x9c: {  	s25 =	sadd.s32 $0x1480, s25;
	[sflag:s23] =	ssyncadd.s32 $0xFFFFC000  }
0x9d: {  	[spmem:s1] =	stream.indirect.scatter.add.f32 [tilespmem:s22], [sflag:$0x2], $0x80, s25, s20, $0xb8;
	[tilespmem:$0x1E800] =	vst v63  }
0x9e: {  	_ =	swait.ge [sflag:s14], $0x4000  }
0x9f: {  	s24 =	sadd.s32 $0x1, s24;
	[sflag:s14] =	ssyncset.done $0x0  }
0xa0: {  	p0 =	sne.s32 s24, s12;
	[sflag:s14] =	ssyncadd.s32 $0xFFFFC000  }
.Ltmp2:
0xa1: {  	[bflag:$0x0] =	sbarrier.arrive $0xFFFF;
	(pc) =	sbr.rel @p0 .LBB2_1-.Ltmp2, $4  }
0xa2: {  	[hbm:s11], [sflag:s6] =	dma.local [spmem:s13], $0x2800  }
0xa3: {  	_ =	swait.ge [sflag:s14], $0x2800  }
0xa4: {  	[sflag:s14] =	ssyncset.done $0x0  }
0xa5: {  	[sflag:s14] =	ssyncadd.s32 $0xFFFFD800  }
0xa6: {  	_ =	sfence.sel $0x180000  }
0xa7: {  	[bflag:$0x0] =	sbarrier.arrive $0xFFFF  }
0xa8: {  	p0 =	sne.s32 s2, $0x0;
	_ =	strace $0x9000004A  }
0xa9: {  	s0 =	sadd.s32 @!p0 $0x100000, s0;
	[bflag:$0x2] =	sbarrier.arrive $0xFFFF  }
0xaa: {  	[sflag:s0] =	ssyncadd.tile.s32 @!p0 $0x1;
	_ =	shalt  }
.Lfunc_end2:
_tile_overlayer_lowered:
.L_overlay_start_2:
0xab: {  	(tag) =	ssettag $0x2  }
0xac: {  	s0 =	rddreg [dreg:$0x0];
	s2 =	stileid.u32  }
0xad: {  	s1 =	rddreg [dreg:$0x1];
	p0 =	sne.s32 s2, $0x0  }
0xae: {  	s3 =	rddreg [dreg:$0x2];
	[bflag:$0x3] =	sbarrier.arrive $0xFFFF;
	s2 =	simm.s32 @!p0 $0x1C02  }
0xaf: {  	[timem:s3], [sflag:s2] =	dma.local @!p0 [hbm:s0], s1  }
0xb0: {  	s0 =	simm.s32 @!p0 $0x2  }
0xb1: {  	_ =	swait.ge @!p0 [sflag:s0], s1  }
0xb2: {  	s1 =	ssub.s32 @!p0 $0x0, s1;
	[sflag:s0] =	ssyncset.done @!p0 $0x0  }
0xb3: {  	[sflag:s0] =	ssyncadd.s32 @!p0 s1  }
0xb4: {  	[bflag:$0x3] =	sbarrier.arrive $0xFFFF  }
0xb5: {  	_ =	shalt  }

// kernel: kernel.16.cloned.1.call-start
scs
__scs_entry_jumppad:
0x0: {  	(pc) =	sbr.rel $0x88, $3  }
0x1: {  	(tag) =	ssettag $0x0;
	lr =	simm.s32 $0x1  }
0x2: {  	[smem:$0x3F93] =	sst lr;
	_ =	strace $0xD0000000  }
0x3: {  	_ = 	snop  }
0x4: {  	_ = 	snop  }
0x5: {  	_ = 	snop  }
0x6: {  	_ = 	snop  }
0x7: {  	_ = 	snop  }
__scs_overlays_trampoline_lowered:
0x8: {  	[smem:$0x3FA2] =	sst s0  }
0x9: {  	[smem:$0x3FA3] =	sst s1  }
0xa: {  	[smem:$0x3FA4] =	sst s2  }
0xb: {  	[smem:$0x3FA5] =	sst s3  }
0xc: {  	[smem:$0x3FA6] =	sst s4  }
0xd: {  	[smem:$0x3FA7] =	sst s5  }
0xe: {  	[smem:$0x3FA8] =	sst s6  }
0xf: {  	[smem:$0x3FA9] =	sst s7  }
0x10: {  	[smem:$0x3FAA] =	sst s8  }
0x11: {  	[smem:$0x3FAB] =	sst s9;
	s0 =	simm.s32 @!p0 $0x0  }
0x12: {  	s1 =	sld [smem:$0x3F91];
	s0 =	simm.s32 @p0 $0x1  }
0x13: {  	[smem:$0x3FAC] =	sst s0;
	s0 =	simm.s32 @!p1 $0x0  }
0x14: {  	s2 =	sld [smem:$0x3F90];
	s0 =	simm.s32 @p1 $0x1  }
0x15: {  	[smem:$0x3FAD] =	sst s0;
	s0 =	simm.s32 @!p2 $0x0  }
0x16: {  	s3 =	sld [smem:$0x3FDB];
	s0 =	simm.s32 @p2 $0x1  }
0x17: {  	s4 =	simm.s32 $0x1BF5;
	[smem:$0x3FAF] =	sst s0  }
0x18: {  	s0 =	sld [smem:$0x3F92];
	_ =	swait.ge [sflag:s4], $0x0  }
0x19: {  	s7 =	sld [smem:$0x3F93]  }
0x1a: {  	s8 =	sadd.s32 $0xFFFFE003, lr  }
0x1b: {  	s9 =	sadd.s32 $0xFFFFFEF7, lr;
	s5 =	simm.s32 $0xFFFFFFFF;
	p2 =	slt.u32 s8, $0xFFFFF086  }
0x1c: {  	p1 =	slt.u32 s9, $0xF7A;
	s5 =	simm.s32 @!p2 $0x0  }
0x1d: {  	s5 =	simm.s32 @p1 $0x1;
	p0 =	seq.s32 s7, s2  }
0x1e: {  	s7 =	smul.u32 @!p0 $0xF7A, s2;
	p2 =	seq.s32 @!p0 s5, $0x0  }
0x1f: {  	s9 =	smul.u32 $0xF7A, s1;
	s8 =	simm.s32 @!p0 $0x1BF5;
	p2 =	por !p2, p0  }
0x20: {  	[sflag:s8] =	ssyncset.s32 @!p0 $0xFFFFF086;
	s6 =	sadd.s32 @!p0 s3, s7;
	s7 =	simm.s32 @!p0 $0x108  }
0x21: {  	s3 =	sadd.s32 s3, s9;
	s6 =	sadd.s32 @!p0 $0x88, s6;
	s7 =	simm.s32 @p2 $0x1082  }
0x22: {  	[simem:s7], [sflag:s8] =	dma.local @!p0 [hbm:s6], $0xF7A  }
0x23: {  	s9 =	sor.u32 $0xD0000000, s2;
	s6 =	simm.s32 $0x108;
	_ =	swait.ge @!p0 [sflag:s8], $0x0  }
0x24: {  	s3 =	sadd.s32 $0x88, s3;
	s6 =	simm.s32 @!p1 $0x1082;
	[sflag:s4] =	ssyncset.s32 $0xFFFFF086  }
0x25: {  	[simem:s6], [sflag:s4] =	dma.local [hbm:s3], $0xF7A  }
0x26: {  	[smem:$0x3F93] =	sst s1;
	(tag) =	ssettag s2;
	_ =	strace s9  }
0x27: {  	s1 =	sld [smem:$0x3FA3]  }
0x28: {  	s2 =	sld [smem:$0x3FA4]  }
0x29: {  	s4 =	sld [smem:$0x3FA6]  }
0x2a: {  	p0 =	seq.s32 s5, $0x0;
	s5 =	sld [smem:$0x3FA7]  }
0x2b: {  	s6 =	sld [smem:$0x3FA8]  }
0x2c: {  	s7 =	sld [smem:$0x3FA9]  }
0x2d: {  	s3 =	simm.s32 $0x108;
	s8 =	sld [smem:$0x3FAA]  }
0x2e: {  	s3 =	simm.s32 @!p0 $0x1082;
	s9 =	sld [smem:$0x3FAB]  }
0x2f: {  	lr =	sadd.s32 s0, s3;
	s0 =	sld [smem:$0x3FA2]  }
0x30: {  	s3 =	sld [smem:$0x3FA5]  }
0x31: {  	[smem:$0x3FAE] =	sst s10  }
0x32: {  	s10 =	sld [smem:$0x3FAC];
	_ =	sdelay $0x3  }
0x33: {  	p0 =	seq.s32 s10, $0x1;
	s10 =	sld [smem:$0x3FAE];
	_ =	sdelay $0x3  }
0x34: {  	[smem:$0x3FAE] =	sst s10  }
0x35: {  	s10 =	sld [smem:$0x3FAD];
	_ =	sdelay $0x3  }
0x36: {  	p1 =	seq.s32 s10, $0x1;
	s10 =	sld [smem:$0x3FAE];
	_ =	sdelay $0x3  }
0x37: {  	[smem:$0x3FAE] =	sst s10  }
0x38: {  	s10 =	sld [smem:$0x3FAF]  }
0x39: {  	_ = 	snop;
	(pc) =	sbr.ind lr, $3  }
0x3a: {  	_ = 	snop  }
0x3b: {  	_ = 	snop  }
0x3c: {  	p2 =	seq.s32 s10, $0x1;
	s10 =	sld [smem:$0x3FAE]  }
0x3d: {  	_ =	shalt  }
0x3e: {  	_ =	shalt  }
0x3f: {  	_ =	shalt  }
0x40: {  	_ =	shalt  }
0x41: {  	_ =	shalt  }
0x42: {  	_ =	shalt  }
0x43: {  	_ =	shalt  }
0x44: {  	_ =	shalt  }
0x45: {  	_ =	shalt  }
0x46: {  	_ =	shalt  }
0x47: {  	_ =	shalt  }
0x48: {  	_ =	shalt  }
0x49: {  	_ =	shalt  }
0x4a: {  	_ =	shalt  }
0x4b: {  	_ =	shalt  }
0x4c: {  	_ =	shalt  }
0x4d: {  	_ =	shalt  }
0x4e: {  	_ =	shalt  }
0x4f: {  	_ =	shalt  }
0x50: {  	_ =	shalt  }
0x51: {  	_ =	shalt  }
0x52: {  	_ =	shalt  }
0x53: {  	_ =	shalt  }
0x54: {  	_ =	shalt  }
0x55: {  	_ =	shalt  }
0x56: {  	_ =	shalt  }
0x57: {  	_ =	shalt  }
0x58: {  	_ =	shalt  }
0x59: {  	_ =	shalt  }
0x5a: {  	_ =	shalt  }
0x5b: {  	_ =	shalt  }
0x5c: {  	_ =	shalt  }
0x5d: {  	_ =	shalt  }
0x5e: {  	_ =	shalt  }
0x5f: {  	_ =	shalt  }
0x60: {  	_ =	shalt  }
0x61: {  	_ =	shalt  }
0x62: {  	_ =	shalt  }
0x63: {  	_ =	shalt  }
0x64: {  	_ =	shalt  }
0x65: {  	_ =	shalt  }
0x66: {  	_ =	shalt  }
0x67: {  	_ =	shalt  }
0x68: {  	_ =	shalt  }
0x69: {  	_ =	shalt  }
0x6a: {  	_ =	shalt  }
0x6b: {  	_ =	shalt  }
0x6c: {  	_ =	shalt  }
0x6d: {  	_ =	shalt  }
0x6e: {  	_ =	shalt  }
0x6f: {  	_ =	shalt  }
0x70: {  	_ =	shalt  }
0x71: {  	_ =	shalt  }
0x72: {  	_ =	shalt  }
0x73: {  	_ =	shalt  }
0x74: {  	_ =	shalt  }
0x75: {  	_ =	shalt  }
0x76: {  	_ =	shalt  }
0x77: {  	_ =	shalt  }
0x78: {  	_ =	shalt  }
0x79: {  	_ =	shalt  }
0x7a: {  	_ =	shalt  }
0x7b: {  	_ =	shalt  }
0x7c: {  	_ =	shalt  }
0x7d: {  	_ =	shalt  }
0x7e: {  	_ =	shalt  }
0x7f: {  	_ =	shalt  }
0x80: {  	_ =	shalt  }
0x81: {  	_ =	shalt  }
0x82: {  	_ =	shalt  }
0x83: {  	_ =	shalt  }
0x84: {  	_ =	shalt  }
0x85: {  	_ =	shalt  }
0x86: {  	_ =	shalt  }
0x87: {  	_ =	shalt  }
.Lfunc_end0:
.L_simem_size_0:
called_computation.2_lowered:
.L_overlay_start_0:
0x88: {  	s2 =	sld [smem:$0x3FD9]  }
0x89: {  	s3 =	sld [smem:$0x3FFE];
	_ =	sdelay $0x1  }
0x8a: {  	s1 =	srdreg.scid  }
0x8b: {  	s0 =	sand.u32 $0x1, s1  }
0x8c: {  	s16 =	sshll.u32 s0, $0xA;
	s2 =	sadd.s32 s3, s2  }
0x8d: {  	s2 =	sadd.s32 s2, s16  }
0x8e: {  	[smem:$0x3FBA] =	sst s2  }
0x8f: {  	_ = 	snop  }
0x90: {  	(tm) =	ssettm $0x1  }
0x91: {  	s17 =	sld [smem:$0x3FFB];
	_ =	sdelay $0x3  }
0x92: {  	_ =	strace s17  }
0x93: {  	s2 =	sld [smem:$0x3FFC];
	_ =	sdelay $0x3  }
0x94: {  	_ =	strace s2  }
0x95: {  	s2 =	sld [smem:$0x3FFD];
	_ =	sdelay $0x3  }
0x96: {  	_ =	strace s2  }
0x97: {  	_ =	strace $0x8FFFFFFF  }
0x98: {  	s18 =	sld [smem:$0x3FDB];
	_ =	sdelay $0x1  }
0x99: {  	s19 =	simm.s32 $_scs_section_size  }
0x9a: {  	s4 =	simm.s32 $_size__tile_overlayer_lowered;
	s5 =	simm.s32 $_tile_overlayer_lowered  }
0x9b: {  	s22 =	simm.s32 $0x1BFF;
	s21 =	sshll.u32 s5, $0x1;
	s2 =	sadd.s32 s19, s18  }
0x9c: {  	s6 =	simm.s32 $0x0;
	s20 =	sshll.u32 s4, $0x1;
	s4 =	sadd.s32 s21, s2  }
0x9d: {  	[timem:s6], [sflag:s22] =	dma.local [hbm:s4], s20  }
0x9e: {  	_ =	swait.ge [sflag:s22], s20  }
0x9f: {  	s3 =	ssub.s32 $0x0, s20;
	[sflag:s22] =	ssyncset.done $0x0  }
0xa0: {  	[sflag:s22] =	ssyncadd.s32 s3;
	_ =	sdelay $0x1  }
0xa1: {  	s23 =	simm.s32 $0x1B8B  }
0xa2: {  	_ =	swait.ge [sflag:s23], $0x1  }
0xa3: {  	[sflag:s23] =	ssyncset.done $0x0  }
0xa4: {  	s25 =	simm.s32 $0x1B8E;
	s24 =	sld [smem:$0x3FFE];
	[sflag:s23] =	ssyncadd.s32 $0xFFFFFFFF  }
0xa5: {  	s26 =	simm.s32 $execute0_lowered;
	[smem:$0x3FD2] =	sst s25  }
0xa6: {  	s4 =	sshll.u32 s26, $0x1;
	_ =	strace $0x8000004C;
	[dreg:$0x1] =	wrdreg $0xFFFFFFFF  }
0xa7: {  	s28 =	simm.s32 $_size_execute0_lowered;
	s2 =	sadd.s32 s2, s4;
	[dreg:$0x0] =	wrdreg $0x0  }
0xa8: {  	s4 =	sshll.u32 s28, $0x1;
	[dreg:$0x2] =	wrdreg s2  }
0xa9: {  	[dreg:$0x3] =	wrdreg s4  }
0xaa: {  	[dreg:$0x4] =	wrdreg $0xC0  }
0xab: {  	_ =	task [dreg:s6], $0x5FFFF  }
0xac: {  	[dreg:$0x1] =	wrdreg $0xFFFFFFFF  }
0xad: {  	[dreg:$0x0] =	wrdreg $0x60  }
0xae: {  	[dreg:$0x2] =	wrdreg s24  }
0xaf: {  	[dreg:$0x3] =	wrdreg $0xA8000  }
0xb0: {  	[dreg:$0x4] =	wrdreg $0x9  }
0xb1: {  	_ =	task.clear_ibuf [dreg:s6], $0x5FFFF;
	_ =	strace $0x9000004C  }
0xb2: {  	s29 =	simm.s32 $0x9;
	_ =	strace $0x8000004E  }
0xb3: {  	_ =	swait.ge [sflag:s29], $0x1  }
0xb4: {  	[sflag:s29] =	ssyncadd.s32 $0xFFFFFFFF  }
0xb5: {  	_ =	strace $0x9000004E  }
0xb6: {  	_ =	sfence  }
0xb7: {  	s30 =	sld [smem:$0x0];
	_ =	sdelay $0x2  }
0xb8: {  	s31 =	sshll.u32 s1, $0xD;
	s1 =	sshrl.u32 s1, $0x2  }
0xb9: {  	s3 =	sand.u32 $0x4000, s31;
	s1 =	sadd.s32 s1, s30  }
0xba: {  	s0 =	sor.u32 s3, s0;
	s1 =	sshll.u32 s1, $0x11  }
0xbb: {  	s0 =	sor.u32 s1, s0  }
0xbc: {  	s0 =	sadd.s32 $0x8F2B, s0  }
0xbd: {  	[sflag:s0] =	ssyncadd.remote.s32 $0x1  }
0xbe: {  	_ =	sfence.sel $0xFFFF  }
0xbf: {  	[dreg:$0x0] =	wrdreg $0xFFFFFFFF;
	(pc) =	sbr.abs _section_cstart, $3  }
0xc0: {  	[dreg:$0x1] =	wrdreg $0xFFFFFFFF  }
0xc1: {  	_ =	task.clear_ibuf [dreg:s6], $0x2FFFF;
	_ =	strace $0x9FFFFFFF  }
0xc2: {  	(tm) =	ssettm $0x7FFFFFFF  }
0xc3: {  	_ =	shalt  }
tec
execute0_lowered:
.L_overlay_start_1:
0x0: {  	(tag) =	ssettag $0x1  }
0x1: {  	s6 =	rddreg [dreg:$0x0]  }
0x2: {  	s1 =	rddreg [dreg:$0x1]  }
0x3: {  	s2 =	srdreg.scid;
	s0 =	rddreg [dreg:$0x2];
	s3 =	simm.s32 $0x0  }
0x4: {  	s20 =	simm.s32 $0x80;
	s21 =	simm.s32 $0x2800;
	s22 =	simm.s32 $0x6800  }
0x5: {  	s23 =	simm.s32 $0x1;
	s24 =	simm.s32 $0x0;
	s7 =	sand.u32 $0x1, s2  }
0x6: {  	s2 =	stileid.u32;
	[smem:$0x7FF] =	sst s3;
	s4 =	sadd.s32 $0x6C000, s6  }
0x7: {  	s9 =	sadd.s32 $0x5000, s6;
	s10 =	sadd.s32 $0xF000, s6;
	s5 =	smul.u32 $0x140000, s7  }
0x8: {  	s8 =	smul.u32 $0x14000, s2;
	_ =	strace $0x8000004D;
	s11 =	ssub.s32 $0x2, s7  }
0x9: {  	s12 =	sshll.u32 s2, $0x1;
	s13 =	smul.u32 $0x50000, s2;
	s28 =	sshll.u32 s2, $0x6  }
0xa: {  	s25 =	sshrl.u32 s11, $0x1;
	s7 =	sor.u32 s7, s12;
	s8 =	sadd.s32 s8, s5  }
0xb: {  	s5 =	sadd.s32 $0x19000, s6;
	s26 =	sshrl.u32 s13, $0x2;
	s7 =	smul.u32 $0x2800, s7  }
0xc: {  	s29 =	ssub.s32 s11, s25;
	s8 =	sshrl.u32 s8, $0x3;
	s15 =	sadd.s32 s26, s1  }
0xd: {  	s12 =	smax.u32 s29, $0x1;
	s14 =	sadd.s32 s8, s6;
	s6 =	sor.u32 $0x1C02, s28  }
0xe: {  	s16 =	sadd.s32 $0x4000, s15;
	s17 =	sadd.s32 $0x8000, s15;
	s30 =	sshrl.u32 s7, $0x3  }
0xf: {  	s18 =	sadd.s32 $0xC000, s15;
	s19 =	sadd.s32 $0x10000, s15;
	s13 =	sshrl.u32 s15, $0x3  }
0x10: {  	s31 =	sadd.s32 $0x280, s30;
	s7 =	sadd.s32 s9, s30;
	s8 =	sadd.s32 s10, s30  }
0x11: {  	s11 =	sadd.s32 $0x94000, s14;
	s14 =	simm.s32 $0x2;
	s15 =	sshrl.u32 s16, $0x3  }
0x12: {  	s16 =	sshrl.u32 s17, $0x3;
	s17 =	sshrl.u32 s18, $0x3;
	s18 =	sshrl.u32 s19, $0x3  }
0x13: {  	s19 =	simm.s32 $0x1400;
	s9 =	sadd.s32 s9, s31;
	s10 =	sadd.s32 s10, s31  }
.LBB2_1:
0x14: {  	[spmem:s13], [sflag:s6] =	dma.local [hbm:s5], $0x800  }
0x15: {  	_ =	swait.ge [sflag:s14], $0x800  }
0x16: {  	[sflag:s14] =	ssyncset.done $0x0  }
0x17: {  	[sflag:s14] =	ssyncadd.s32 $0xFFFFF800  }
0x18: {  	[spmem:s15], [sflag:s6] =	dma.local [hbm:s5], $0x800  }
0x19: {  	_ =	swait.ge [sflag:s14], $0x800  }
0x1a: {  	[sflag:s14] =	ssyncset.done $0x0  }
0x1b: {  	[sflag:s14] =	ssyncadd.s32 $0xFFFFF800  }
0x1c: {  	[spmem:s16], [sflag:s6] =	dma.local [hbm:s5], $0x800  }
0x1d: {  	_ =	swait.ge [sflag:s14], $0x800  }
0x1e: {  	[sflag:s14] =	ssyncset.done $0x0  }
0x1f: {  	[sflag:s14] =	ssyncadd.s32 $0xFFFFF800  }
0x20: {  	[spmem:s17], [sflag:s6] =	dma.local [hbm:s5], $0x800  }
0x21: {  	_ =	swait.ge [sflag:s14], $0x800  }
0x22: {  	[sflag:s14] =	ssyncset.done $0x0  }
0x23: {  	[sflag:s14] =	ssyncadd.s32 $0xFFFFF800  }
0x24: {  	[spmem:s18], [sflag:s6] =	dma.local [hbm:s5], $0x800  }
0x25: {  	_ =	swait.ge [sflag:s14], $0x800  }
0x26: {  	[sflag:s14] =	ssyncset.done $0x0  }
0x27: {  	[sflag:s14] =	ssyncadd.s32 $0xFFFFF800  }
0x28: {  	[bflag:$0x0] =	sbarrier.arrive $0xFFFF  }
0x29: {  	[tilespmem:s3], [sflag:$0x2] =	stream.linear.gather [hbm4b:s7+s3], $0x1400, $0x38;
	[tilespmem:$0x1E800] =	vst v63  }
0x2a: {  	_ =	swait.ge [sflag:s14], $0x1400  }
0x2b: {  	[sflag:s14] =	ssyncset.done $0x0  }
0x2c: {  	[sflag:s14] =	ssyncadd.s32 $0xFFFFEC00  }
0x2d: {  	[tilespmem:s19], [sflag:$0x2] =	stream.linear.gather [hbm4b:s8+s3], $0x1400, $0x38;
	[tilespmem:$0x1E800] =	vst v63  }
0x2e: {  	_ =	swait.ge [sflag:s14], $0x1400  }
0x2f: {  	[sflag:s14] =	ssyncset.done $0x0  }
0x30: {  	s25 =	simm.s32 $0x0;
	[sflag:s14] =	ssyncadd.s32 $0xFFFFEC00  }
0x31: {  	[tilespmem:s21], [sflag:$0x1] =	stream.indirect.gather [hbm4b:s4+s20], $0x80, s25, s20, $0xb8;
	[tilespmem:$0x1E800] =	vst v63  }
0x32: {  	s29 =	simm.s32 $0x80  }
0x33: {  	[tilespmem:s22], [sflag:$0x1] =	stream.indirect.gather [hbm4b:s4+s20], $0x80, s29, s20, $0xb8;
	[tilespmem:$0x1E800] =	vst v63  }
0x34: {  	_ =	swait.ge [sflag:s23], $0x4000  }
0x35: {  	[sflag:s23] =	ssyncset.done $0x0  }
0x36: {  	s30 =	simm.s32 $0x1400;
	[sflag:s23] =	ssyncadd.s32 $0xFFFFC000  }
0x37: {  	[spmem:s1] =	stream.indirect.scatter.add.f32 [tilespmem:s21], [sflag:$0x2], $0x80, s30, s20, $0xb8;
	[tilespmem:$0x1E800] =	vst v63  }
0x38: {  	_ =	swait.ge [sflag:s14], $0x4000  }
0x39: {  	[sflag:s14] =	ssyncset.done $0x0  }
0x3a: {  	[sflag:s14] =	ssyncadd.s32 $0xFFFFC000  }
0x3b: {  	_ =	swait.ge [sflag:s23], $0x4000  }
0x3c: {  	[sflag:s23] =	ssyncset.done $0x0  }
0x3d: {  	s31 =	simm.s32 $0x1480;
	[sflag:s23] =	ssyncadd.s32 $0xFFFFC000  }
0x3e: {  	[spmem:s1] =	stream.indirect.scatter.add.f32 [tilespmem:s22], [sflag:$0x2], $0x80, s31, s20, $0xb8;
	[tilespmem:$0x1E800] =	vst v63  }
0x3f: {  	_ =	swait.ge [sflag:s14], $0x4000  }
0x40: {  	s26 =	simm.s32 $0x800;
	s25 =	simm.s32 $0x400;
	[sflag:s14] =	ssyncset.done $0x0  }
.LBB2_2:
0x41: {  	s28 =	sshra.s32 s25, $0x2  }
0x42: {  	[sflag:s14] =	ssyncadd.s32 $0xFFFFC000;
	s25 =	smov.u32 s26;
	s29 =	sadd.s32 $0x400, s26  }
0x43: {  	[tilespmem:s21], [sflag:$0x1] =	stream.indirect.gather [hbm4b:s4+s20], $0x80, s28, s20, $0xb8;
	[tilespmem:$0x1E800] =	vst v63  }
0x44: {  	p0 =	sne.s32 s26, $0x4C00;
	s26 =	sadd.s32 $0x80, s28  }
0x45: {  	[tilespmem:s22], [sflag:$0x1] =	stream.indirect.gather [hbm4b:s4+s20], $0x80, s26, s20, $0xb8;
	[tilespmem:$0x1E800] =	vst v63  }
0x46: {  	_ =	swait.ge [sflag:s23], $0x4000  }
0x47: {  	[sflag:s23] =	ssyncset.done $0x0  }
0x48: {  	s26 =	sadd.s32 $0x1400, s28;
	[sflag:s23] =	ssyncadd.s32 $0xFFFFC000  }
0x49: {  	[spmem:s1] =	stream.indirect.scatter.add.f32 [tilespmem:s21], [sflag:$0x2], $0x80, s26, s20, $0xb8;
	[tilespmem:$0x1E800] =	vst v63  }
0x4a: {  	_ =	swait.ge [sflag:s14], $0x4000  }
0x4b: {  	[sflag:s14] =	ssyncset.done $0x0  }
0x4c: {  	[sflag:s14] =	ssyncadd.s32 $0xFFFFC000  }
0x4d: {  	_ =	swait.ge [sflag:s23], $0x4000  }
.Ltmp0:
0x4e: {  	[sflag:s23] =	ssyncset.done $0x0;
	(pc) =	sbr.rel @p0 .LBB2_2-.Ltmp0, $4  }
0x4f: {  	s26 =	sadd.s32 $0x1480, s28;
	[sflag:s23] =	ssyncadd.s32 $0xFFFFC000  }
0x50: {  	[spmem:s1] =	stream.indirect.scatter.add.f32 [tilespmem:s22], [sflag:$0x2], $0x80, s26, s20, $0xb8;
	[tilespmem:$0x1E800] =	vst v63  }
0x51: {  	_ =	swait.ge [sflag:s14], $0x4000  }
0x52: {  	s26 =	smov.u32 s29;
	[sflag:s14] =	ssyncset.done $0x0  }
0x53: {  	s25 =	sshra.s32 s25, $0x2;
	[sflag:s14] =	ssyncadd.s32 $0xFFFFC000  }
0x54: {  	[tilespmem:s21], [sflag:$0x1] =	stream.indirect.gather [hbm4b:s4+s20], $0x80, s25, s20, $0xb8;
	[tilespmem:$0x1E800] =	vst v63  }
0x55: {  	s26 =	sadd.s32 $0x80, s25  }
0x56: {  	[tilespmem:s22], [sflag:$0x1] =	stream.indirect.gather [hbm4b:s4+s20], $0x80, s26, s20, $0xb8;
	[tilespmem:$0x1E800] =	vst v63  }
0x57: {  	_ =	swait.ge [sflag:s23], $0x4000  }
0x58: {  	[sflag:s23] =	ssyncset.done $0x0  }
0x59: {  	s31 =	sadd.s32 $0x1400, s25;
	[sflag:s23] =	ssyncadd.s32 $0xFFFFC000  }
0x5a: {  	[spmem:s1] =	stream.indirect.scatter.add.f32 [tilespmem:s21], [sflag:$0x2], $0x80, s31, s20, $0xb8;
	[tilespmem:$0x1E800] =	vst v63  }
0x5b: {  	_ =	swait.ge [sflag:s14], $0x4000  }
0x5c: {  	[sflag:s14] =	ssyncset.done $0x0  }
0x5d: {  	[sflag:s14] =	ssyncadd.s32 $0xFFFFC000  }
0x5e: {  	_ =	swait.ge [sflag:s23], $0x4000  }
0x5f: {  	[sflag:s23] =	ssyncset.done $0x0  }
0x60: {  	s25 =	sadd.s32 $0x1480, s25;
	[sflag:s23] =	ssyncadd.s32 $0xFFFFC000  }
0x61: {  	[spmem:s1] =	stream.indirect.scatter.add.f32 [tilespmem:s22], [sflag:$0x2], $0x80, s25, s20, $0xb8;
	[tilespmem:$0x1E800] =	vst v63  }
0x62: {  	_ =	swait.ge [sflag:s14], $0x4000  }
0x63: {  	[sflag:s14] =	ssyncset.done $0x0  }
0x64: {  	s26 =	simm.s32 $0x0;
	[sflag:s14] =	ssyncadd.s32 $0xFFFFC000  }
0x65: {  	[tilespmem:s26], [sflag:$0x2] =	stream.linear.gather [hbm4b:s9+s26], $0x1400, $0x38;
	[tilespmem:$0x1E800] =	vst v63  }
0x66: {  	_ =	swait.ge [sflag:s14], $0x1400  }
0x67: {  	[sflag:s14] =	ssyncset.done $0x0  }
0x68: {  	[sflag:s14] =	ssyncadd.s32 $0xFFFFEC00  }
0x69: {  	[tilespmem:s19], [sflag:$0x2] =	stream.linear.gather [hbm4b:s10+s26], $0x1400, $0x38;
	[tilespmem:$0x1E800] =	vst v63  }
0x6a: {  	_ =	swait.ge [sflag:s14], $0x1400  }
0x6b: {  	[sflag:s14] =	ssyncset.done $0x0  }
0x6c: {  	s28 =	simm.s32 $0x0;
	[sflag:s14] =	ssyncadd.s32 $0xFFFFEC00  }
0x6d: {  	[tilespmem:s21], [sflag:$0x1] =	stream.indirect.gather [hbm4b:s4+s20], $0x80, s28, s20, $0xb8;
	[tilespmem:$0x1E800] =	vst v63  }
0x6e: {  	s29 =	simm.s32 $0x80  }
0x6f: {  	[tilespmem:s22], [sflag:$0x1] =	stream.indirect.gather [hbm4b:s4+s20], $0x80, s29, s20, $0xb8;
	[tilespmem:$0x1E800] =	vst v63  }
0x70: {  	_ =	swait.ge [sflag:s23], $0x4000  }
0x71: {  	[sflag:s23] =	ssyncset.done $0x0  }
0x72: {  	s30 =	simm.s32 $0x1400;
	[sflag:s23] =	ssyncadd.s32 $0xFFFFC000  }
0x73: {  	[spmem:s1] =	stream.indirect.scatter.add.f32 [tilespmem:s21], [sflag:$0x2], $0x80, s30, s20, $0xb8;
	[tilespmem:$0x1E800] =	vst v63  }
0x74: {  	_ =	swait.ge [sflag:s14], $0x4000  }
0x75: {  	[sflag:s14] =	ssyncset.done $0x0  }
0x76: {  	[sflag:s14] =	ssyncadd.s32 $0xFFFFC000  }
0x77: {  	_ =	swait.ge [sflag:s23], $0x4000  }
0x78: {  	[sflag:s23] =	ssyncset.done $0x0  }
0x79: {  	s31 =	simm.s32 $0x1480;
	[sflag:s23] =	ssyncadd.s32 $0xFFFFC000  }
0x7a: {  	[spmem:s1] =	stream.indirect.scatter.add.f32 [tilespmem:s22], [sflag:$0x2], $0x80, s31, s20, $0xb8;
	[tilespmem:$0x1E800] =	vst v63  }
0x7b: {  	_ =	swait.ge [sflag:s14], $0x4000  }
0x7c: {  	s25 =	simm.s32 $0x400;
	s26 =	simm.s32 $0x800;
	[sflag:s14] =	ssyncset.done $0x0  }
.LBB2_4:
0x7d: {  	s28 =	sshra.s32 s25, $0x2  }
0x7e: {  	[sflag:s14] =	ssyncadd.s32 $0xFFFFC000;
	s25 =	smov.u32 s26;
	s29 =	sadd.s32 $0x400, s26  }
0x7f: {  	[tilespmem:s21], [sflag:$0x1] =	stream.indirect.gather [hbm4b:s4+s20], $0x80, s28, s20, $0xb8;
	[tilespmem:$0x1E800] =	vst v63  }
0x80: {  	p0 =	sne.s32 s26, $0x4C00;
	s26 =	sadd.s32 $0x80, s28  }
0x81: {  	[tilespmem:s22], [sflag:$0x1] =	stream.indirect.gather [hbm4b:s4+s20], $0x80, s26, s20, $0xb8;
	[tilespmem:$0x1E800] =	vst v63  }
0x82: {  	_ =	swait.ge [sflag:s23], $0x4000  }
0x83: {  	[sflag:s23] =	ssyncset.done $0x0  }
0x84: {  	s26 =	sadd.s32 $0x1400, s28;
	[sflag:s23] =	ssyncadd.s32 $0xFFFFC000  }
0x85: {  	[spmem:s1] =	stream.indirect.scatter.add.f32 [tilespmem:s21], [sflag:$0x2], $0x80, s26, s20, $0xb8;
	[tilespmem:$0x1E800] =	vst v63  }
0x86: {  	_ =	swait.ge [sflag:s14], $0x4000  }
0x87: {  	[sflag:s14] =	ssyncset.done $0x0  }
0x88: {  	[sflag:s14] =	ssyncadd.s32 $0xFFFFC000  }
0x89: {  	_ =	swait.ge [sflag:s23], $0x4000  }
.Ltmp1:
0x8a: {  	[sflag:s23] =	ssyncset.done $0x0;
	(pc) =	sbr.rel @p0 .LBB2_4-.Ltmp1, $4  }
0x8b: {  	s26 =	sadd.s32 $0x1480, s28;
	[sflag:s23] =	ssyncadd.s32 $0xFFFFC000  }
0x8c: {  	[spmem:s1] =	stream.indirect.scatter.add.f32 [tilespmem:s22], [sflag:$0x2], $0x80, s26, s20, $0xb8;
	[tilespmem:$0x1E800] =	vst v63  }
0x8d: {  	_ =	swait.ge [sflag:s14], $0x4000  }
0x8e: {  	s26 =	smov.u32 s29;
	[sflag:s14] =	ssyncset.done $0x0  }
0x8f: {  	s25 =	sshra.s32 s25, $0x2;
	[sflag:s14] =	ssyncadd.s32 $0xFFFFC000  }
0x90: {  	[tilespmem:s21], [sflag:$0x1] =	stream.indirect.gather [hbm4b:s4+s20], $0x80, s25, s20, $0xb8;
	[tilespmem:$0x1E800] =	vst v63  }
0x91: {  	s26 =	sadd.s32 $0x80, s25  }
0x92: {  	[tilespmem:s22], [sflag:$0x1] =	stream.indirect.gather [hbm4b:s4+s20], $0x80, s26, s20, $0xb8;
	[tilespmem:$0x1E800] =	vst v63  }
0x93: {  	_ =	swait.ge [sflag:s23], $0x4000  }
0x94: {  	[sflag:s23] =	ssyncset.done $0x0  }
0x95: {  	s31 =	sadd.s32 $0x1400, s25;
	[sflag:s23] =	ssyncadd.s32 $0xFFFFC000  }
0x96: {  	[spmem:s1] =	stream.indirect.scatter.add.f32 [tilespmem:s21], [sflag:$0x2], $0x80, s31, s20, $0xb8;
	[tilespmem:$0x1E800] =	vst v63  }
0x97: {  	_ =	swait.ge [sflag:s14], $0x4000  }
0x98: {  	[sflag:s14] =	ssyncset.done $0x0  }
0x99: {  	[sflag:s14] =	ssyncadd.s32 $0xFFFFC000  }
0x9a: {  	_ =	swait.ge [sflag:s23], $0x4000  }
0x9b: {  	[sflag:s23] =	ssyncset.done $0x0  }
0x9c: {  	s25 =	sadd.s32 $0x1480, s25;
	[sflag:s23] =	ssyncadd.s32 $0xFFFFC000  }
0x9d: {  	[spmem:s1] =	stream.indirect.scatter.add.f32 [tilespmem:s22], [sflag:$0x2], $0x80, s25, s20, $0xb8;
	[tilespmem:$0x1E800] =	vst v63  }
0x9e: {  	_ =	swait.ge [sflag:s14], $0x4000  }
0x9f: {  	s24 =	sadd.s32 $0x1, s24;
	[sflag:s14] =	ssyncset.done $0x0  }
0xa0: {  	p0 =	sne.s32 s24, s12;
	[sflag:s14] =	ssyncadd.s32 $0xFFFFC000  }
.Ltmp2:
0xa1: {  	[bflag:$0x0] =	sbarrier.arrive $0xFFFF;
	(pc) =	sbr.rel @p0 .LBB2_1-.Ltmp2, $4  }
0xa2: {  	[hbm:s11], [sflag:s6] =	dma.local [spmem:s13], $0x2800  }
0xa3: {  	_ =	swait.ge [sflag:s14], $0x2800  }
0xa4: {  	[sflag:s14] =	ssyncset.done $0x0  }
0xa5: {  	[sflag:s14] =	ssyncadd.s32 $0xFFFFD800  }
0xa6: {  	_ =	sfence.sel $0x180000  }
0xa7: {  	[bflag:$0x0] =	sbarrier.arrive $0xFFFF  }
0xa8: {  	p0 =	sne.s32 s2, $0x0;
	_ =	strace $0x9000004D  }
0xa9: {  	s0 =	sadd.s32 @!p0 $0x100000, s0;
	[bflag:$0x2] =	sbarrier.arrive $0xFFFF  }
0xaa: {  	[sflag:s0] =	ssyncadd.tile.s32 @!p0 $0x1;
	_ =	shalt  }
.Lfunc_end2:
_tile_overlayer_lowered:
.L_overlay_start_2:
0xab: {  	(tag) =	ssettag $0x2  }
0xac: {  	s0 =	rddreg [dreg:$0x0];
	s2 =	stileid.u32  }
0xad: {  	s1 =	rddreg [dreg:$0x1];
	p0 =	sne.s32 s2, $0x0  }
0xae: {  	s3 =	rddreg [dreg:$0x2];
	[bflag:$0x3] =	sbarrier.arrive $0xFFFF;
	s2 =	simm.s32 @!p0 $0x1C02  }
0xaf: {  	[timem:s3], [sflag:s2] =	dma.local @!p0 [hbm:s0], s1  }
0xb0: {  	s0 =	simm.s32 @!p0 $0x2  }
0xb1: {  	_ =	swait.ge @!p0 [sflag:s0], s1  }
0xb2: {  	s1 =	ssub.s32 @!p0 $0x0, s1;
	[sflag:s0] =	ssyncset.done @!p0 $0x0  }
0xb3: {  	[sflag:s0] =	ssyncadd.s32 @!p0 s1  }
0xb4: {  	[bflag:$0x3] =	sbarrier.arrive $0xFFFF  }
0xb5: {  	_ =	shalt  }

// kernel: kernel.19.cloned.1.call-start
scs
__scs_entry_jumppad:
0x0: {  	(pc) =	sbr.rel $0x88, $3  }
0x1: {  	(tag) =	ssettag $0x0;
	lr =	simm.s32 $0x1  }
0x2: {  	[smem:$0x3F93] =	sst lr;
	_ =	strace $0xD0000000  }
0x3: {  	_ = 	snop  }
0x4: {  	_ = 	snop  }
0x5: {  	_ = 	snop  }
0x6: {  	_ = 	snop  }
0x7: {  	_ = 	snop  }
__scs_overlays_trampoline_lowered:
0x8: {  	[smem:$0x3FA2] =	sst s0  }
0x9: {  	[smem:$0x3FA3] =	sst s1  }
0xa: {  	[smem:$0x3FA4] =	sst s2  }
0xb: {  	[smem:$0x3FA5] =	sst s3  }
0xc: {  	[smem:$0x3FA6] =	sst s4  }
0xd: {  	[smem:$0x3FA7] =	sst s5  }
0xe: {  	[smem:$0x3FA8] =	sst s6  }
0xf: {  	[smem:$0x3FA9] =	sst s7  }
0x10: {  	[smem:$0x3FAA] =	sst s8  }
0x11: {  	[smem:$0x3FAB] =	sst s9;
	s0 =	simm.s32 @!p0 $0x0  }
0x12: {  	s1 =	sld [smem:$0x3F91];
	s0 =	simm.s32 @p0 $0x1  }
0x13: {  	[smem:$0x3FAC] =	sst s0;
	s0 =	simm.s32 @!p1 $0x0  }
0x14: {  	s2 =	sld [smem:$0x3F90];
	s0 =	simm.s32 @p1 $0x1  }
0x15: {  	[smem:$0x3FAD] =	sst s0;
	s0 =	simm.s32 @!p2 $0x0  }
0x16: {  	s3 =	sld [smem:$0x3FDB];
	s0 =	simm.s32 @p2 $0x1  }
0x17: {  	s4 =	simm.s32 $0x1BF5;
	[smem:$0x3FAF] =	sst s0  }
0x18: {  	s0 =	sld [smem:$0x3F92];
	_ =	swait.ge [sflag:s4], $0x0  }
0x19: {  	s7 =	sld [smem:$0x3F93]  }
0x1a: {  	s8 =	sadd.s32 $0xFFFFE003, lr  }
0x1b: {  	s9 =	sadd.s32 $0xFFFFFEF7, lr;
	s5 =	simm.s32 $0xFFFFFFFF;
	p2 =	slt.u32 s8, $0xFFFFF086  }
0x1c: {  	p1 =	slt.u32 s9, $0xF7A;
	s5 =	simm.s32 @!p2 $0x0  }
0x1d: {  	s5 =	simm.s32 @p1 $0x1;
	p0 =	seq.s32 s7, s2  }
0x1e: {  	s7 =	smul.u32 @!p0 $0xF7A, s2;
	p2 =	seq.s32 @!p0 s5, $0x0  }
0x1f: {  	s9 =	smul.u32 $0xF7A, s1;
	s8 =	simm.s32 @!p0 $0x1BF5;
	p2 =	por !p2, p0  }
0x20: {  	[sflag:s8] =	ssyncset.s32 @!p0 $0xFFFFF086;
	s6 =	sadd.s32 @!p0 s3, s7;
	s7 =	simm.s32 @!p0 $0x108  }
0x21: {  	s3 =	sadd.s32 s3, s9;
	s6 =	sadd.s32 @!p0 $0x88, s6;
	s7 =	simm.s32 @p2 $0x1082  }
0x22: {  	[simem:s7], [sflag:s8] =	dma.local @!p0 [hbm:s6], $0xF7A  }
0x23: {  	s9 =	sor.u32 $0xD0000000, s2;
	s6 =	simm.s32 $0x108;
	_ =	swait.ge @!p0 [sflag:s8], $0x0  }
0x24: {  	s3 =	sadd.s32 $0x88, s3;
	s6 =	simm.s32 @!p1 $0x1082;
	[sflag:s4] =	ssyncset.s32 $0xFFFFF086  }
0x25: {  	[simem:s6], [sflag:s4] =	dma.local [hbm:s3], $0xF7A  }
0x26: {  	[smem:$0x3F93] =	sst s1;
	(tag) =	ssettag s2;
	_ =	strace s9  }
0x27: {  	s1 =	sld [smem:$0x3FA3]  }
0x28: {  	s2 =	sld [smem:$0x3FA4]  }
0x29: {  	s4 =	sld [smem:$0x3FA6]  }
0x2a: {  	p0 =	seq.s32 s5, $0x0;
	s5 =	sld [smem:$0x3FA7]  }
0x2b: {  	s6 =	sld [smem:$0x3FA8]  }
0x2c: {  	s7 =	sld [smem:$0x3FA9]  }
0x2d: {  	s3 =	simm.s32 $0x108;
	s8 =	sld [smem:$0x3FAA]  }
0x2e: {  	s3 =	simm.s32 @!p0 $0x1082;
	s9 =	sld [smem:$0x3FAB]  }
0x2f: {  	lr =	sadd.s32 s0, s3;
	s0 =	sld [smem:$0x3FA2]  }
0x30: {  	s3 =	sld [smem:$0x3FA5]  }
0x31: {  	[smem:$0x3FAE] =	sst s10  }
0x32: {  	s10 =	sld [smem:$0x3FAC];
	_ =	sdelay $0x3  }
0x33: {  	p0 =	seq.s32 s10, $0x1;
	s10 =	sld [smem:$0x3FAE];
	_ =	sdelay $0x3  }
0x34: {  	[smem:$0x3FAE] =	sst s10  }
0x35: {  	s10 =	sld [smem:$0x3FAD];
	_ =	sdelay $0x3  }
0x36: {  	p1 =	seq.s32 s10, $0x1;
	s10 =	sld [smem:$0x3FAE];
	_ =	sdelay $0x3  }
0x37: {  	[smem:$0x3FAE] =	sst s10  }
0x38: {  	s10 =	sld [smem:$0x3FAF]  }
0x39: {  	_ = 	snop;
	(pc) =	sbr.ind lr, $3  }
0x3a: {  	_ = 	snop  }
0x3b: {  	_ = 	snop  }
0x3c: {  	p2 =	seq.s32 s10, $0x1;
	s10 =	sld [smem:$0x3FAE]  }
0x3d: {  	_ =	shalt  }
0x3e: {  	_ =	shalt  }
0x3f: {  	_ =	shalt  }
0x40: {  	_ =	shalt  }
0x41: {  	_ =	shalt  }
0x42: {  	_ =	shalt  }
0x43: {  	_ =	shalt  }
0x44: {  	_ =	shalt  }
0x45: {  	_ =	shalt  }
0x46: {  	_ =	shalt  }
0x47: {  	_ =	shalt  }
0x48: {  	_ =	shalt  }
0x49: {  	_ =	shalt  }
0x4a: {  	_ =	shalt  }
0x4b: {  	_ =	shalt  }
0x4c: {  	_ =	shalt  }
0x4d: {  	_ =	shalt  }
0x4e: {  	_ =	shalt  }
0x4f: {  	_ =	shalt  }
0x50: {  	_ =	shalt  }
0x51: {  	_ =	shalt  }
0x52: {  	_ =	shalt  }
0x53: {  	_ =	shalt  }
0x54: {  	_ =	shalt  }
0x55: {  	_ =	shalt  }
0x56: {  	_ =	shalt  }
0x57: {  	_ =	shalt  }
0x58: {  	_ =	shalt  }
0x59: {  	_ =	shalt  }
0x5a: {  	_ =	shalt  }
0x5b: {  	_ =	shalt  }
0x5c: {  	_ =	shalt  }
0x5d: {  	_ =	shalt  }
0x5e: {  	_ =	shalt  }
0x5f: {  	_ =	shalt  }
0x60: {  	_ =	shalt  }
0x61: {  	_ =	shalt  }
0x62: {  	_ =	shalt  }
0x63: {  	_ =	shalt  }
0x64: {  	_ =	shalt  }
0x65: {  	_ =	shalt  }
0x66: {  	_ =	shalt  }
0x67: {  	_ =	shalt  }
0x68: {  	_ =	shalt  }
0x69: {  	_ =	shalt  }
0x6a: {  	_ =	shalt  }
0x6b: {  	_ =	shalt  }
0x6c: {  	_ =	shalt  }
0x6d: {  	_ =	shalt  }
0x6e: {  	_ =	shalt  }
0x6f: {  	_ =	shalt  }
0x70: {  	_ =	shalt  }
0x71: {  	_ =	shalt  }
0x72: {  	_ =	shalt  }
0x73: {  	_ =	shalt  }
0x74: {  	_ =	shalt  }
0x75: {  	_ =	shalt  }
0x76: {  	_ =	shalt  }
0x77: {  	_ =	shalt  }
0x78: {  	_ =	shalt  }
0x79: {  	_ =	shalt  }
0x7a: {  	_ =	shalt  }
0x7b: {  	_ =	shalt  }
0x7c: {  	_ =	shalt  }
0x7d: {  	_ =	shalt  }
0x7e: {  	_ =	shalt  }
0x7f: {  	_ =	shalt  }
0x80: {  	_ =	shalt  }
0x81: {  	_ =	shalt  }
0x82: {  	_ =	shalt  }
0x83: {  	_ =	shalt  }
0x84: {  	_ =	shalt  }
0x85: {  	_ =	shalt  }
0x86: {  	_ =	shalt  }
0x87: {  	_ =	shalt  }
.Lfunc_end0:
.L_simem_size_0:
called_computation.3_lowered:
.L_overlay_start_0:
0x88: {  	s2 =	sld [smem:$0x3FD9]  }
0x89: {  	s3 =	sld [smem:$0x3FFE];
	_ =	sdelay $0x1  }
0x8a: {  	s1 =	srdreg.scid  }
0x8b: {  	s0 =	sand.u32 $0x1, s1  }
0x8c: {  	s16 =	sshll.u32 s0, $0xA;
	s2 =	sadd.s32 s3, s2  }
0x8d: {  	s2 =	sadd.s32 s2, s16  }
0x8e: {  	[smem:$0x3FBA] =	sst s2  }
0x8f: {  	_ = 	snop  }
0x90: {  	(tm) =	ssettm $0x1  }
0x91: {  	s17 =	sld [smem:$0x3FFB];
	_ =	sdelay $0x3  }
0x92: {  	_ =	strace s17  }
0x93: {  	s2 =	sld [smem:$0x3FFC];
	_ =	sdelay $0x3  }
0x94: {  	_ =	strace s2  }
0x95: {  	s2 =	sld [smem:$0x3FFD];
	_ =	sdelay $0x3  }
0x96: {  	_ =	strace s2  }
0x97: {  	_ =	strace $0x8FFFFFFF  }
0x98: {  	s18 =	sld [smem:$0x3FDB];
	_ =	sdelay $0x1  }
0x99: {  	s19 =	simm.s32 $_scs_section_size  }
0x9a: {  	s4 =	simm.s32 $_size__tile_overlayer_lowered;
	s5 =	simm.s32 $_tile_overlayer_lowered  }
0x9b: {  	s22 =	simm.s32 $0x1BFF;
	s21 =	sshll.u32 s5, $0x1;
	s2 =	sadd.s32 s19, s18  }
0x9c: {  	s6 =	simm.s32 $0x0;
	s20 =	sshll.u32 s4, $0x1;
	s4 =	sadd.s32 s21, s2  }
0x9d: {  	[timem:s6], [sflag:s22] =	dma.local [hbm:s4], s20  }
0x9e: {  	_ =	swait.ge [sflag:s22], s20  }
0x9f: {  	s3 =	ssub.s32 $0x0, s20;
	[sflag:s22] =	ssyncset.done $0x0  }
0xa0: {  	[sflag:s22] =	ssyncadd.s32 s3;
	_ =	sdelay $0x1  }
0xa1: {  	s23 =	simm.s32 $0x1B8B  }
0xa2: {  	_ =	swait.ge [sflag:s23], $0x1  }
0xa3: {  	[sflag:s23] =	ssyncset.done $0x0  }
0xa4: {  	s25 =	simm.s32 $0x1B8E;
	s24 =	sld [smem:$0x3FFE];
	[sflag:s23] =	ssyncadd.s32 $0xFFFFFFFF  }
0xa5: {  	s26 =	simm.s32 $execute0_lowered;
	[smem:$0x3FD2] =	sst s25  }
0xa6: {  	s4 =	sshll.u32 s26, $0x1;
	_ =	strace $0x8000004F;
	[dreg:$0x1] =	wrdreg $0xFFFFFFFF  }
0xa7: {  	s28 =	simm.s32 $_size_execute0_lowered;
	s2 =	sadd.s32 s2, s4;
	[dreg:$0x0] =	wrdreg $0x0  }
0xa8: {  	s4 =	sshll.u32 s28, $0x1;
	[dreg:$0x2] =	wrdreg s2  }
0xa9: {  	[dreg:$0x3] =	wrdreg s4  }
0xaa: {  	[dreg:$0x4] =	wrdreg $0xC0  }
0xab: {  	_ =	task [dreg:s6], $0x5FFFF  }
0xac: {  	[dreg:$0x1] =	wrdreg $0xFFFFFFFF  }
0xad: {  	[dreg:$0x0] =	wrdreg $0x60  }
0xae: {  	[dreg:$0x2] =	wrdreg s24  }
0xaf: {  	[dreg:$0x3] =	wrdreg $0xA8000  }
0xb0: {  	[dreg:$0x4] =	wrdreg $0x9  }
0xb1: {  	_ =	task.clear_ibuf [dreg:s6], $0x5FFFF;
	_ =	strace $0x9000004F  }
0xb2: {  	s29 =	simm.s32 $0x9;
	_ =	strace $0x80000051  }
0xb3: {  	_ =	swait.ge [sflag:s29], $0x1  }
0xb4: {  	[sflag:s29] =	ssyncadd.s32 $0xFFFFFFFF  }
0xb5: {  	_ =	strace $0x90000051  }
0xb6: {  	_ =	sfence  }
0xb7: {  	s30 =	sld [smem:$0x0];
	_ =	sdelay $0x2  }
0xb8: {  	s31 =	sshll.u32 s1, $0xD;
	s1 =	sshrl.u32 s1, $0x2  }
0xb9: {  	s3 =	sand.u32 $0x4000, s31;
	s1 =	sadd.s32 s1, s30  }
0xba: {  	s0 =	sor.u32 s3, s0;
	s1 =	sshll.u32 s1, $0x11  }
0xbb: {  	s0 =	sor.u32 s1, s0  }
0xbc: {  	s0 =	sadd.s32 $0x8F2B, s0  }
0xbd: {  	[sflag:s0] =	ssyncadd.remote.s32 $0x1  }
0xbe: {  	_ =	sfence.sel $0xFFFF  }
0xbf: {  	[dreg:$0x0] =	wrdreg $0xFFFFFFFF;
	(pc) =	sbr.abs _section_cstart, $3  }
0xc0: {  	[dreg:$0x1] =	wrdreg $0xFFFFFFFF  }
0xc1: {  	_ =	task.clear_ibuf [dreg:s6], $0x2FFFF;
	_ =	strace $0x9FFFFFFF  }
0xc2: {  	(tm) =	ssettm $0x7FFFFFFF  }
0xc3: {  	_ =	shalt  }
tec
execute0_lowered:
.L_overlay_start_1:
0x0: {  	(tag) =	ssettag $0x1  }
0x1: {  	s6 =	rddreg [dreg:$0x0]  }
0x2: {  	s1 =	rddreg [dreg:$0x1]  }
0x3: {  	s2 =	srdreg.scid;
	s0 =	rddreg [dreg:$0x2];
	s3 =	simm.s32 $0x0  }
0x4: {  	s20 =	simm.s32 $0x80;
	s21 =	simm.s32 $0x2800;
	s22 =	simm.s32 $0x6800  }
0x5: {  	s23 =	simm.s32 $0x1;
	s24 =	simm.s32 $0x0;
	s7 =	sand.u32 $0x1, s2  }
0x6: {  	s2 =	stileid.u32;
	[smem:$0x7FF] =	sst s3;
	s4 =	sadd.s32 $0x6C000, s6  }
0x7: {  	s9 =	sadd.s32 $0x5000, s6;
	s10 =	sadd.s32 $0xF000, s6;
	s5 =	smul.u32 $0x140000, s7  }
0x8: {  	s8 =	smul.u32 $0x14000, s2;
	_ =	strace $0x80000050;
	s11 =	ssub.s32 $0x2, s7  }
0x9: {  	s12 =	sshll.u32 s2, $0x1;
	s13 =	smul.u32 $0x50000, s2;
	s28 =	sshll.u32 s2, $0x6  }
0xa: {  	s25 =	sshrl.u32 s11, $0x1;
	s7 =	sor.u32 s7, s12;
	s8 =	sadd.s32 s8, s5  }
0xb: {  	s5 =	sadd.s32 $0x19000, s6;
	s26 =	sshrl.u32 s13, $0x2;
	s7 =	smul.u32 $0x2800, s7  }
0xc: {  	s29 =	ssub.s32 s11, s25;
	s8 =	sshrl.u32 s8, $0x3;
	s15 =	sadd.s32 s26, s1  }
0xd: {  	s12 =	smax.u32 s29, $0x1;
	s14 =	sadd.s32 s8, s6;
	s6 =	sor.u32 $0x1C02, s28  }
0xe: {  	s16 =	sadd.s32 $0x4000, s15;
	s17 =	sadd.s32 $0x8000, s15;
	s30 =	sshrl.u32 s7, $0x3  }
0xf: {  	s18 =	sadd.s32 $0xC000, s15;
	s19 =	sadd.s32 $0x10000, s15;
	s13 =	sshrl.u32 s15, $0x3  }
0x10: {  	s31 =	sadd.s32 $0x280, s30;
	s7 =	sadd.s32 s9, s30;
	s8 =	sadd.s32 s10, s30  }
0x11: {  	s11 =	sadd.s32 $0x94000, s14;
	s14 =	simm.s32 $0x2;
	s15 =	sshrl.u32 s16, $0x3  }
0x12: {  	s16 =	sshrl.u32 s17, $0x3;
	s17 =	sshrl.u32 s18, $0x3;
	s18 =	sshrl.u32 s19, $0x3  }
0x13: {  	s19 =	simm.s32 $0x1400;
	s9 =	sadd.s32 s9, s31;
	s10 =	sadd.s32 s10, s31  }
.LBB2_1:
0x14: {  	[spmem:s13], [sflag:s6] =	dma.local [hbm:s5], $0x800  }
0x15: {  	_ =	swait.ge [sflag:s14], $0x800  }
0x16: {  	[sflag:s14] =	ssyncset.done $0x0  }
0x17: {  	[sflag:s14] =	ssyncadd.s32 $0xFFFFF800  }
0x18: {  	[spmem:s15], [sflag:s6] =	dma.local [hbm:s5], $0x800  }
0x19: {  	_ =	swait.ge [sflag:s14], $0x800  }
0x1a: {  	[sflag:s14] =	ssyncset.done $0x0  }
0x1b: {  	[sflag:s14] =	ssyncadd.s32 $0xFFFFF800  }
0x1c: {  	[spmem:s16], [sflag:s6] =	dma.local [hbm:s5], $0x800  }
0x1d: {  	_ =	swait.ge [sflag:s14], $0x800  }
0x1e: {  	[sflag:s14] =	ssyncset.done $0x0  }
0x1f: {  	[sflag:s14] =	ssyncadd.s32 $0xFFFFF800  }
0x20: {  	[spmem:s17], [sflag:s6] =	dma.local [hbm:s5], $0x800  }
0x21: {  	_ =	swait.ge [sflag:s14], $0x800  }
0x22: {  	[sflag:s14] =	ssyncset.done $0x0  }
0x23: {  	[sflag:s14] =	ssyncadd.s32 $0xFFFFF800  }
0x24: {  	[spmem:s18], [sflag:s6] =	dma.local [hbm:s5], $0x800  }
0x25: {  	_ =	swait.ge [sflag:s14], $0x800  }
0x26: {  	[sflag:s14] =	ssyncset.done $0x0  }
0x27: {  	[sflag:s14] =	ssyncadd.s32 $0xFFFFF800  }
0x28: {  	[bflag:$0x0] =	sbarrier.arrive $0xFFFF  }
0x29: {  	[tilespmem:s3], [sflag:$0x2] =	stream.linear.gather [hbm4b:s7+s3], $0x1400, $0x38;
	[tilespmem:$0x1E800] =	vst v63  }
0x2a: {  	_ =	swait.ge [sflag:s14], $0x1400  }
0x2b: {  	[sflag:s14] =	ssyncset.done $0x0  }
0x2c: {  	[sflag:s14] =	ssyncadd.s32 $0xFFFFEC00  }
0x2d: {  	[tilespmem:s19], [sflag:$0x2] =	stream.linear.gather [hbm4b:s8+s3], $0x1400, $0x38;
	[tilespmem:$0x1E800] =	vst v63  }
0x2e: {  	_ =	swait.ge [sflag:s14], $0x1400  }
0x2f: {  	[sflag:s14] =	ssyncset.done $0x0  }
0x30: {  	s25 =	simm.s32 $0x0;
	[sflag:s14] =	ssyncadd.s32 $0xFFFFEC00  }
0x31: {  	[tilespmem:s21], [sflag:$0x1] =	stream.indirect.gather [hbm4b:s4+s20], $0x80, s25, s20, $0xb8;
	[tilespmem:$0x1E800] =	vst v63  }
0x32: {  	s29 =	simm.s32 $0x80  }
0x33: {  	[tilespmem:s22], [sflag:$0x1] =	stream.indirect.gather [hbm4b:s4+s20], $0x80, s29, s20, $0xb8;
	[tilespmem:$0x1E800] =	vst v63  }
0x34: {  	_ =	swait.ge [sflag:s23], $0x4000  }
0x35: {  	[sflag:s23] =	ssyncset.done $0x0  }
0x36: {  	s30 =	simm.s32 $0x1400;
	[sflag:s23] =	ssyncadd.s32 $0xFFFFC000  }
0x37: {  	[spmem:s1] =	stream.indirect.scatter.add.f32 [tilespmem:s21], [sflag:$0x2], $0x80, s30, s20, $0xb8;
	[tilespmem:$0x1E800] =	vst v63  }
0x38: {  	_ =	swait.ge [sflag:s14], $0x4000  }
0x39: {  	[sflag:s14] =	ssyncset.done $0x0  }
0x3a: {  	[sflag:s14] =	ssyncadd.s32 $0xFFFFC000  }
0x3b: {  	_ =	swait.ge [sflag:s23], $0x4000  }
0x3c: {  	[sflag:s23] =	ssyncset.done $0x0  }
0x3d: {  	s31 =	simm.s32 $0x1480;
	[sflag:s23] =	ssyncadd.s32 $0xFFFFC000  }
0x3e: {  	[spmem:s1] =	stream.indirect.scatter.add.f32 [tilespmem:s22], [sflag:$0x2], $0x80, s31, s20, $0xb8;
	[tilespmem:$0x1E800] =	vst v63  }
0x3f: {  	_ =	swait.ge [sflag:s14], $0x4000  }
0x40: {  	s26 =	simm.s32 $0x800;
	s25 =	simm.s32 $0x400;
	[sflag:s14] =	ssyncset.done $0x0  }
.LBB2_2:
0x41: {  	s28 =	sshra.s32 s25, $0x2  }
0x42: {  	[sflag:s14] =	ssyncadd.s32 $0xFFFFC000;
	s25 =	smov.u32 s26;
	s29 =	sadd.s32 $0x400, s26  }
0x43: {  	[tilespmem:s21], [sflag:$0x1] =	stream.indirect.gather [hbm4b:s4+s20], $0x80, s28, s20, $0xb8;
	[tilespmem:$0x1E800] =	vst v63  }
0x44: {  	p0 =	sne.s32 s26, $0x4C00;
	s26 =	sadd.s32 $0x80, s28  }
0x45: {  	[tilespmem:s22], [sflag:$0x1] =	stream.indirect.gather [hbm4b:s4+s20], $0x80, s26, s20, $0xb8;
	[tilespmem:$0x1E800] =	vst v63  }
0x46: {  	_ =	swait.ge [sflag:s23], $0x4000  }
0x47: {  	[sflag:s23] =	ssyncset.done $0x0  }
0x48: {  	s26 =	sadd.s32 $0x1400, s28;
	[sflag:s23] =	ssyncadd.s32 $0xFFFFC000  }
0x49: {  	[spmem:s1] =	stream.indirect.scatter.add.f32 [tilespmem:s21], [sflag:$0x2], $0x80, s26, s20, $0xb8;
	[tilespmem:$0x1E800] =	vst v63  }
0x4a: {  	_ =	swait.ge [sflag:s14], $0x4000  }
0x4b: {  	[sflag:s14] =	ssyncset.done $0x0  }
0x4c: {  	[sflag:s14] =	ssyncadd.s32 $0xFFFFC000  }
0x4d: {  	_ =	swait.ge [sflag:s23], $0x4000  }
.Ltmp0:
0x4e: {  	[sflag:s23] =	ssyncset.done $0x0;
	(pc) =	sbr.rel @p0 .LBB2_2-.Ltmp0, $4  }
0x4f: {  	s26 =	sadd.s32 $0x1480, s28;
	[sflag:s23] =	ssyncadd.s32 $0xFFFFC000  }
0x50: {  	[spmem:s1] =	stream.indirect.scatter.add.f32 [tilespmem:s22], [sflag:$0x2], $0x80, s26, s20, $0xb8;
	[tilespmem:$0x1E800] =	vst v63  }
0x51: {  	_ =	swait.ge [sflag:s14], $0x4000  }
0x52: {  	s26 =	smov.u32 s29;
	[sflag:s14] =	ssyncset.done $0x0  }
0x53: {  	s25 =	sshra.s32 s25, $0x2;
	[sflag:s14] =	ssyncadd.s32 $0xFFFFC000  }
0x54: {  	[tilespmem:s21], [sflag:$0x1] =	stream.indirect.gather [hbm4b:s4+s20], $0x80, s25, s20, $0xb8;
	[tilespmem:$0x1E800] =	vst v63  }
0x55: {  	s26 =	sadd.s32 $0x80, s25  }
0x56: {  	[tilespmem:s22], [sflag:$0x1] =	stream.indirect.gather [hbm4b:s4+s20], $0x80, s26, s20, $0xb8;
	[tilespmem:$0x1E800] =	vst v63  }
0x57: {  	_ =	swait.ge [sflag:s23], $0x4000  }
0x58: {  	[sflag:s23] =	ssyncset.done $0x0  }
0x59: {  	s31 =	sadd.s32 $0x1400, s25;
	[sflag:s23] =	ssyncadd.s32 $0xFFFFC000  }
0x5a: {  	[spmem:s1] =	stream.indirect.scatter.add.f32 [tilespmem:s21], [sflag:$0x2], $0x80, s31, s20, $0xb8;
	[tilespmem:$0x1E800] =	vst v63  }
0x5b: {  	_ =	swait.ge [sflag:s14], $0x4000  }
0x5c: {  	[sflag:s14] =	ssyncset.done $0x0  }
0x5d: {  	[sflag:s14] =	ssyncadd.s32 $0xFFFFC000  }
0x5e: {  	_ =	swait.ge [sflag:s23], $0x4000  }
0x5f: {  	[sflag:s23] =	ssyncset.done $0x0  }
0x60: {  	s25 =	sadd.s32 $0x1480, s25;
	[sflag:s23] =	ssyncadd.s32 $0xFFFFC000  }
0x61: {  	[spmem:s1] =	stream.indirect.scatter.add.f32 [tilespmem:s22], [sflag:$0x2], $0x80, s25, s20, $0xb8;
	[tilespmem:$0x1E800] =	vst v63  }
0x62: {  	_ =	swait.ge [sflag:s14], $0x4000  }
0x63: {  	[sflag:s14] =	ssyncset.done $0x0  }
0x64: {  	s26 =	simm.s32 $0x0;
	[sflag:s14] =	ssyncadd.s32 $0xFFFFC000  }
0x65: {  	[tilespmem:s26], [sflag:$0x2] =	stream.linear.gather [hbm4b:s9+s26], $0x1400, $0x38;
	[tilespmem:$0x1E800] =	vst v63  }
0x66: {  	_ =	swait.ge [sflag:s14], $0x1400  }
0x67: {  	[sflag:s14] =	ssyncset.done $0x0  }
0x68: {  	[sflag:s14] =	ssyncadd.s32 $0xFFFFEC00  }
0x69: {  	[tilespmem:s19], [sflag:$0x2] =	stream.linear.gather [hbm4b:s10+s26], $0x1400, $0x38;
	[tilespmem:$0x1E800] =	vst v63  }
0x6a: {  	_ =	swait.ge [sflag:s14], $0x1400  }
0x6b: {  	[sflag:s14] =	ssyncset.done $0x0  }
0x6c: {  	s28 =	simm.s32 $0x0;
	[sflag:s14] =	ssyncadd.s32 $0xFFFFEC00  }
0x6d: {  	[tilespmem:s21], [sflag:$0x1] =	stream.indirect.gather [hbm4b:s4+s20], $0x80, s28, s20, $0xb8;
	[tilespmem:$0x1E800] =	vst v63  }
0x6e: {  	s29 =	simm.s32 $0x80  }
0x6f: {  	[tilespmem:s22], [sflag:$0x1] =	stream.indirect.gather [hbm4b:s4+s20], $0x80, s29, s20, $0xb8;
	[tilespmem:$0x1E800] =	vst v63  }
0x70: {  	_ =	swait.ge [sflag:s23], $0x4000  }
0x71: {  	[sflag:s23] =	ssyncset.done $0x0  }
0x72: {  	s30 =	simm.s32 $0x1400;
	[sflag:s23] =	ssyncadd.s32 $0xFFFFC000  }
0x73: {  	[spmem:s1] =	stream.indirect.scatter.add.f32 [tilespmem:s21], [sflag:$0x2], $0x80, s30, s20, $0xb8;
	[tilespmem:$0x1E800] =	vst v63  }
0x74: {  	_ =	swait.ge [sflag:s14], $0x4000  }
0x75: {  	[sflag:s14] =	ssyncset.done $0x0  }
0x76: {  	[sflag:s14] =	ssyncadd.s32 $0xFFFFC000  }
0x77: {  	_ =	swait.ge [sflag:s23], $0x4000  }
0x78: {  	[sflag:s23] =	ssyncset.done $0x0  }
0x79: {  	s31 =	simm.s32 $0x1480;
	[sflag:s23] =	ssyncadd.s32 $0xFFFFC000  }
0x7a: {  	[spmem:s1] =	stream.indirect.scatter.add.f32 [tilespmem:s22], [sflag:$0x2], $0x80, s31, s20, $0xb8;
	[tilespmem:$0x1E800] =	vst v63  }
0x7b: {  	_ =	swait.ge [sflag:s14], $0x4000  }
0x7c: {  	s25 =	simm.s32 $0x400;
	s26 =	simm.s32 $0x800;
	[sflag:s14] =	ssyncset.done $0x0  }
.LBB2_4:
0x7d: {  	s28 =	sshra.s32 s25, $0x2  }
0x7e: {  	[sflag:s14] =	ssyncadd.s32 $0xFFFFC000;
	s25 =	smov.u32 s26;
	s29 =	sadd.s32 $0x400, s26  }
0x7f: {  	[tilespmem:s21], [sflag:$0x1] =	stream.indirect.gather [hbm4b:s4+s20], $0x80, s28, s20, $0xb8;
	[tilespmem:$0x1E800] =	vst v63  }
0x80: {  	p0 =	sne.s32 s26, $0x4C00;
	s26 =	sadd.s32 $0x80, s28  }
0x81: {  	[tilespmem:s22], [sflag:$0x1] =	stream.indirect.gather [hbm4b:s4+s20], $0x80, s26, s20, $0xb8;
	[tilespmem:$0x1E800] =	vst v63  }
0x82: {  	_ =	swait.ge [sflag:s23], $0x4000  }
0x83: {  	[sflag:s23] =	ssyncset.done $0x0  }
0x84: {  	s26 =	sadd.s32 $0x1400, s28;
	[sflag:s23] =	ssyncadd.s32 $0xFFFFC000  }
0x85: {  	[spmem:s1] =	stream.indirect.scatter.add.f32 [tilespmem:s21], [sflag:$0x2], $0x80, s26, s20, $0xb8;
	[tilespmem:$0x1E800] =	vst v63  }
0x86: {  	_ =	swait.ge [sflag:s14], $0x4000  }
0x87: {  	[sflag:s14] =	ssyncset.done $0x0  }
0x88: {  	[sflag:s14] =	ssyncadd.s32 $0xFFFFC000  }
0x89: {  	_ =	swait.ge [sflag:s23], $0x4000  }
.Ltmp1:
0x8a: {  	[sflag:s23] =	ssyncset.done $0x0;
	(pc) =	sbr.rel @p0 .LBB2_4-.Ltmp1, $4  }
0x8b: {  	s26 =	sadd.s32 $0x1480, s28;
	[sflag:s23] =	ssyncadd.s32 $0xFFFFC000  }
0x8c: {  	[spmem:s1] =	stream.indirect.scatter.add.f32 [tilespmem:s22], [sflag:$0x2], $0x80, s26, s20, $0xb8;
	[tilespmem:$0x1E800] =	vst v63  }
0x8d: {  	_ =	swait.ge [sflag:s14], $0x4000  }
0x8e: {  	s26 =	smov.u32 s29;
	[sflag:s14] =	ssyncset.done $0x0  }
0x8f: {  	s25 =	sshra.s32 s25, $0x2;
	[sflag:s14] =	ssyncadd.s32 $0xFFFFC000  }
0x90: {  	[tilespmem:s21], [sflag:$0x1] =	stream.indirect.gather [hbm4b:s4+s20], $0x80, s25, s20, $0xb8;
	[tilespmem:$0x1E800] =	vst v63  }
0x91: {  	s26 =	sadd.s32 $0x80, s25  }
0x92: {  	[tilespmem:s22], [sflag:$0x1] =	stream.indirect.gather [hbm4b:s4+s20], $0x80, s26, s20, $0xb8;
	[tilespmem:$0x1E800] =	vst v63  }
0x93: {  	_ =	swait.ge [sflag:s23], $0x4000  }
0x94: {  	[sflag:s23] =	ssyncset.done $0x0  }
0x95: {  	s31 =	sadd.s32 $0x1400, s25;
	[sflag:s23] =	ssyncadd.s32 $0xFFFFC000  }
0x96: {  	[spmem:s1] =	stream.indirect.scatter.add.f32 [tilespmem:s21], [sflag:$0x2], $0x80, s31, s20, $0xb8;
	[tilespmem:$0x1E800] =	vst v63  }
0x97: {  	_ =	swait.ge [sflag:s14], $0x4000  }
0x98: {  	[sflag:s14] =	ssyncset.done $0x0  }
0x99: {  	[sflag:s14] =	ssyncadd.s32 $0xFFFFC000  }
0x9a: {  	_ =	swait.ge [sflag:s23], $0x4000  }
0x9b: {  	[sflag:s23] =	ssyncset.done $0x0  }
0x9c: {  	s25 =	sadd.s32 $0x1480, s25;
	[sflag:s23] =	ssyncadd.s32 $0xFFFFC000  }
0x9d: {  	[spmem:s1] =	stream.indirect.scatter.add.f32 [tilespmem:s22], [sflag:$0x2], $0x80, s25, s20, $0xb8;
	[tilespmem:$0x1E800] =	vst v63  }
0x9e: {  	_ =	swait.ge [sflag:s14], $0x4000  }
0x9f: {  	s24 =	sadd.s32 $0x1, s24;
	[sflag:s14] =	ssyncset.done $0x0  }
0xa0: {  	p0 =	sne.s32 s24, s12;
	[sflag:s14] =	ssyncadd.s32 $0xFFFFC000  }
.Ltmp2:
0xa1: {  	[bflag:$0x0] =	sbarrier.arrive $0xFFFF;
	(pc) =	sbr.rel @p0 .LBB2_1-.Ltmp2, $4  }
0xa2: {  	[hbm:s11], [sflag:s6] =	dma.local [spmem:s13], $0x2800  }
0xa3: {  	_ =	swait.ge [sflag:s14], $0x2800  }
0xa4: {  	[sflag:s14] =	ssyncset.done $0x0  }
0xa5: {  	[sflag:s14] =	ssyncadd.s32 $0xFFFFD800  }
0xa6: {  	_ =	sfence.sel $0x180000  }
0xa7: {  	[bflag:$0x0] =	sbarrier.arrive $0xFFFF  }
0xa8: {  	p0 =	sne.s32 s2, $0x0;
	_ =	strace $0x90000050  }
0xa9: {  	s0 =	sadd.s32 @!p0 $0x100000, s0;
	[bflag:$0x2] =	sbarrier.arrive $0xFFFF  }
0xaa: {  	[sflag:s0] =	ssyncadd.tile.s32 @!p0 $0x1;
	_ =	shalt  }
.Lfunc_end2:
_tile_overlayer_lowered:
.L_overlay_start_2:
0xab: {  	(tag) =	ssettag $0x2  }
0xac: {  	s0 =	rddreg [dreg:$0x0];
	s2 =	stileid.u32  }
0xad: {  	s1 =	rddreg [dreg:$0x1];
	p0 =	sne.s32 s2, $0x0  }
0xae: {  	s3 =	rddreg [dreg:$0x2];
	[bflag:$0x3] =	sbarrier.arrive $0xFFFF;
	s2 =	simm.s32 @!p0 $0x1C02  }
0xaf: {  	[timem:s3], [sflag:s2] =	dma.local @!p0 [hbm:s0], s1  }
0xb0: {  	s0 =	simm.s32 @!p0 $0x2  }
0xb1: {  	_ =	swait.ge @!p0 [sflag:s0], s1  }
0xb2: {  	s1 =	ssub.s32 @!p0 $0x0, s1;
	[sflag:s0] =	ssyncset.done @!p0 $0x0  }
0xb3: {  	[sflag:s0] =	ssyncadd.s32 @!p0 s1  }
0xb4: {  	[bflag:$0x3] =	sbarrier.arrive $0xFFFF  }
0xb5: {  	_ =	shalt  }

</sc_bundles>
